<compile_context>
chip_gen: v7x
topology: tpu7x:2x2x1
jax: 0.10.2.dev20260603
libtpu: 0.0.44.dev20260713+nightly
codegen_flags: <defaults>
</compile_context>

<pallas_src>
import functools

import jax
import jax.numpy as jnp
from jax import lax
from jax.experimental import pallas as pl
from jax.experimental.pallas import tpu as pltpu
from jax.experimental.pallas import tpu_sc as plsc

_B = 32
_NREL = 1024
_NOBJ = 512
_NATT = 8
_D = 128

_NW = 32
_CHUNK = 128
_K = 4

_ROWS_A = _B * (_NREL + _NOBJ)
_ROWS_B = _B * _NOBJ * _NATT


_GC = 2


def _sc_gather(table, idx_w, nchunks):
    per_w = nchunks * _CHUNK
    groups = nchunks // _GC
    grp_rows = _GC * _CHUNK
    mesh = plsc.VectorSubcoreMesh(core_axis_name="c", subcore_axis_name="s")

    @functools.partial(
        pl.kernel,
        out_type=jax.ShapeDtypeStruct((_NW * per_w, _D), jnp.float32),
        mesh=mesh,
        scratch_types=[
            pltpu.VMEM((nchunks, _CHUNK), jnp.int32),
            pltpu.VMEM((grp_rows, _D), jnp.float32),
            pltpu.VMEM((grp_rows, _D), jnp.float32),
            pltpu.SemaphoreType.DMA,
            pltpu.SemaphoreType.DMA,
            pltpu.SemaphoreType.DMA,
            pltpu.SemaphoreType.DMA,
        ],
    )
    def gather_kernel(table_hbm, idx_hbm, out_hbm, idx_v,
                      rows_a, rows_b, gsa, gsb, wsa, wsb):
        wid = lax.axis_index("s") * 2 + lax.axis_index("c")
        base = wid * per_w
        pltpu.sync_copy(idx_hbm.at[wid], idx_v)

        def fire_g(buf, gsem, grp):
            return [pltpu.async_copy(
                table_hbm.at[idx_v.at[grp * _GC + j]],
                buf.at[pl.ds(j * _CHUNK, _CHUNK)], gsem)
                for j in range(_GC)]

        def fire_w(buf, wsem, grp):
            return pltpu.async_copy(
                buf, out_hbm.at[pl.ds(base + grp * grp_rows, grp_rows)], wsem)

        def drain(buf, sem):
            pltpu.make_async_copy(
                out_hbm.at[pl.ds(base, grp_rows)], buf, sem).wait()

        fire_g(rows_a, gsa, 0)

        @pl.loop(0, groups, step=2)
        def _pair(k):
            drain(rows_a, gsa)
            wa = fire_w(rows_a, wsa, k)

            @pl.when(k > 0)
            def _():
                drain(rows_b, wsb)

            gb = fire_g(rows_b, gsb, k + 1)

            for d in gb:
                d.wait()
            fire_w(rows_b, wsb, k + 1)

            @pl.when(k + 2 < groups)
            def _():
                wa.wait()
                fire_g(rows_a, gsa, k + 2)

        drain(rows_a, wsa)
        drain(rows_b, wsb)

    return gather_kernel(table, idx_w)


def _tc_a_body(obj_emb_ref, rel_emb_ref,
               ids_row_ref, pred_row_ref, objid_row_ref,
               w_sbj_ref, b_sbj_ref, w_objr_ref, b_objr_ref,
               w_rel_ref, b_rel_ref, w_obj_ref, b_obj_ref, out_ref):
  f32 = jnp.float32
  for p in range(4):
    obj_emb = obj_emb_ref[p * _NOBJ:(p + 1) * _NOBJ, :]
    rel_emb = rel_emb_ref[p * _NREL:(p + 1) * _NREL, :]

    ids_r = ids_row_ref[p]
    pred_r = pred_row_ref[p]

    keep_rel = jnp.transpose((pred_r != 1).astype(f32))
    keep_obj = jnp.transpose((objid_row_ref[p] != 1).astype(f32))

    ct = lax.broadcasted_iota(jnp.int32, (_NOBJ, 2 * _NREL), 0)
    so_oh_t = (ct == ids_r).astype(f32)

    dn_t = (((0,), (0,)), ((), ()))
    both_feat = lax.dot_general(so_oh_t, obj_emb, dn_t,
                                preferred_element_type=f32)
    rel_sbj_feat = both_feat[0:_NREL, :]
    rel_obj_feat = both_feat[_NREL:, :]

    def mlp3(x1, x2, x3, w_ref, b_ref):
        x = jnp.concatenate([x1, x2, x3], axis=1)
        acc = jnp.dot(x, w_ref[...], preferred_element_type=f32)
        return jnp.maximum(acc + b_ref[...], 0.0)

    rel_sbj_new = mlp3(rel_sbj_feat, rel_obj_feat, rel_emb,
                       w_sbj_ref, b_sbj_ref) * keep_rel
    rel_obj_new = mlp3(rel_sbj_new, rel_obj_feat, rel_emb,
                       w_objr_ref, b_objr_ref) * keep_rel
    rel_rel_feat = mlp3(rel_sbj_new, rel_obj_new, rel_emb,
                        w_rel_ref, b_rel_ref) * keep_rel

    obj_feat = jnp.maximum(
        jnp.dot(obj_emb, w_obj_ref[...], preferred_element_type=f32)
        + b_obj_ref[...], 0.0) * keep_obj
    both_new = jnp.concatenate([rel_sbj_new, rel_obj_new], axis=0)
    obj_feat = obj_feat + jnp.dot(so_oh_t, both_new,
                                  preferred_element_type=f32)

    out_ref[p, 0:_NOBJ, :] = obj_feat * (1.0 / (2 * _NREL))
    out_ref[p, _NOBJ:_NOBJ + _NREL, :] = rel_rel_feat


def _tc_b_body(alias_ref, obj_emb_ref, att_emb_ref, attid_ref,
               w_att_ref, b_att_ref, out_ref):
  del alias_ref
  f32 = jnp.float32
  for p in range(4):
    obj_emb = obj_emb_ref[p * _NOBJ:(p + 1) * _NOBJ, :]
    att_emb = att_emb_ref[p * _NATT * _NOBJ:(p + 1) * _NATT * _NOBJ, :]

    m8 = (attid_ref[p] != 1).astype(f32)
    cnt_row = jnp.sum(m8, axis=0, keepdims=True)
    inv_row = jnp.where(cnt_row == 0.0, 0.0,
                        1.0 / jnp.where(cnt_row == 0.0, 1.0, cnt_row))
    inv_mat = jnp.dot(jnp.transpose(inv_row), jnp.ones((1, _D), f32),
                      preferred_element_type=f32)
    m8t = jnp.transpose(m8)
    bd_r = lax.broadcasted_iota(jnp.int32, (_NATT, _NATT * _D), 0)
    bd_c = lax.broadcasted_iota(jnp.int32, (_NATT, _NATT * _D), 1)
    blockdiag = (bd_r == bd_c // _D).astype(f32)
    m_mat = jnp.dot(m8t, blockdiag,
                    preferred_element_type=f32)

    tb = jnp.dot(obj_emb, w_att_ref[0:_D],
                 preferred_element_type=f32) + b_att_ref[...]
    t_att = jnp.dot(att_emb, w_att_ref[_D:2 * _D],
                    preferred_element_type=f32)

    acc = jnp.zeros((_NOBJ, _D), f32)
    for j in range(_NATT):
        sl = t_att[j * _NOBJ:(j + 1) * _NOBJ, :]
        mj = m_mat[:, j * _D:(j + 1) * _D]
        acc = acc + jnp.maximum(sl + tb, 0.0) * mj
    out_ref[p, :, :] = acc * inv_mat


def kernel(ssg_rel, ssg_obj, ssg_att, W_emb, W_sbj, b_sbj, W_objr, b_objr,
           W_rel, b_rel, W_obj, b_obj, W_att, b_att):
    f32 = jnp.float32
    sbj_id = ssg_rel[:, :, 0]
    obj_id = ssg_rel[:, :, 1]
    pred_id = ssg_rel[:, :, 2]

    idx_a = jnp.concatenate([pred_id.reshape(-1), ssg_obj.reshape(-1)])
    ga = _sc_gather(W_emb, idx_a.reshape(_NW, -1, _CHUNK),
                    _ROWS_A // (_NW * _CHUNK))
    att_t = jnp.transpose(ssg_att, (0, 2, 1))
    idx_b = att_t.reshape(-1)
    gb = _sc_gather(W_emb, idx_b.reshape(_NW, -1, _CHUNK),
                    _ROWS_B // (_NW * _CHUNK))

    def b3(b):
        return (b, 0, 0)

    def w2(b):
        return (0, 0)

    out_shape = jax.ShapeDtypeStruct((_B, _NOBJ + _NREL + _NOBJ, _D), f32)

    feat_a = pl.pallas_call(
        _tc_a_body,
        grid=(_B // 4,),
        in_specs=[
            pl.BlockSpec((4 * _NOBJ, _D),
                         lambda b: (_B * _NREL // (4 * _NOBJ) + b, 0)),
            pl.BlockSpec((4 * _NREL, _D), lambda b: (b, 0)),
            pl.BlockSpec((4, 1, 2 * _NREL), b3),
            pl.BlockSpec((4, 1, _NREL), b3),
            pl.BlockSpec((4, 1, _NOBJ), b3),
            pl.BlockSpec((3 * _D, _D), w2),
            pl.BlockSpec((1, _D), w2),
            pl.BlockSpec((3 * _D, _D), w2),
            pl.BlockSpec((1, _D), w2),
            pl.BlockSpec((3 * _D, _D), w2),
            pl.BlockSpec((1, _D), w2),
            pl.BlockSpec((_D, _D), w2),
            pl.BlockSpec((1, _D), w2),
        ],
        out_specs=pl.BlockSpec((4, _NOBJ + _NREL + _NOBJ, _D), b3),
        out_shape=out_shape,
    )(ga, ga,
      jnp.concatenate([sbj_id, obj_id], axis=1)[:, None, :],
      pred_id[:, None, :], ssg_obj[:, None, :],
      W_sbj, b_sbj[None, :], W_objr, b_objr[None, :],
      W_rel, b_rel[None, :], W_obj, b_obj[None, :])

    ssg_feat = pl.pallas_call(
        _tc_b_body,
        grid=(_B // 4,),
        in_specs=[
            pl.BlockSpec(memory_space=pl.ANY),
            pl.BlockSpec((4 * _NOBJ, _D),
                         lambda b: (_B * _NREL // (4 * _NOBJ) + b, 0)),
            pl.BlockSpec((4 * _NATT * _NOBJ, _D), lambda b: (b, 0)),
            pl.BlockSpec((4, _NATT, _NOBJ), b3),
            pl.BlockSpec((2 * _D, _D), w2),
            pl.BlockSpec((1, _D), w2),
        ],
        out_specs=pl.BlockSpec((4, _NOBJ, _D), lambda b: (b, 3, 0)),
        out_shape=out_shape,
        input_output_aliases={0: 0},
    )(feat_a, ga, gb, att_t, W_att, b_att[None, :])

    cnt = jnp.sum(ssg_att != 1, axis=-1)
    ssg_mask = jnp.concatenate(
        [ssg_obj == 1, pred_id == 1, cnt == 0], axis=1)[:, None, None, :]
    return ssg_feat, ssg_mask

# --- scband reference (transcript-rebuilt; emitter-appended) ---
"""Pipeline reference for scband-ssgmodel-52819507806455 (READ-ONLY COPY).

The authoritative reference and input builder live on the scoring server;
editing this copy changes nothing except your own understanding.
"""

import jax, jax.numpy as jnp
import numpy as np

B = 32
N_REL = 1024
N_OBJ = 512
N_ATT = 8
D = 128
VOCAB = 100000


def setup_inputs(seed: int = 0) -> dict:
    key = jax.random.key(seed)
    ks = jax.random.split(key, 14)
    return {
        "ssg_rel": jax.random.randint(ks[0], (B, N_REL, 3), 0, N_OBJ, dtype=jnp.int32),
        "ssg_obj": jax.random.randint(ks[1], (B, N_OBJ), 0, VOCAB, dtype=jnp.int32),
        "ssg_att": jax.random.randint(ks[2], (B, N_OBJ, N_ATT), 0, VOCAB, dtype=jnp.int32),
        "W_emb": jax.random.normal(ks[3], (VOCAB, D), dtype=jnp.float32) * 0.02,
        "W_sbj": jax.random.normal(ks[4], (3 * D, D), dtype=jnp.float32) * 0.05,
        "b_sbj": jnp.zeros((D,), jnp.float32),
        "W_objr": jax.random.normal(ks[5], (3 * D, D), dtype=jnp.float32) * 0.05,
        "b_objr": jnp.zeros((D,), jnp.float32),
        "W_rel": jax.random.normal(ks[6], (3 * D, D), dtype=jnp.float32) * 0.05,
        "b_rel": jnp.zeros((D,), jnp.float32),
        "W_obj": jax.random.normal(ks[7], (D, D), dtype=jnp.float32) * 0.05,
        "b_obj": jnp.zeros((D,), jnp.float32),
        "W_att": jax.random.normal(ks[8], (2 * D, D), dtype=jnp.float32) * 0.05,
        "b_att": jnp.zeros((D,), jnp.float32),
    }


def reference(ssg_rel, ssg_obj, ssg_att, W_emb, W_sbj, b_sbj, W_objr, b_objr,
              W_rel, b_rel, W_obj, b_obj, W_att, b_att):
    Bsz, Nrel, _ = ssg_rel.shape
    _, Nobj, Natt = ssg_att.shape
    d = W_emb.shape[1]

    def fc(x, W, b):
        # Linear + ReLU; Dropout is identity in eval mode
        return jax.nn.relu(x @ W + b)

    rel_mask = ssg_rel[:, :, 2] == 1
    obj_mask = ssg_obj == 1
    attr_mask = ssg_att == 1

    rel_emb = jnp.take(W_emb, ssg_rel[:, :, 2], axis=0)
    obj_emb = jnp.take(W_emb, ssg_obj, axis=0)
    attr_emb = jnp.take(W_emb, ssg_att, axis=0)

    rel_sbj_id = ssg_rel[:, :, 0]
    rel_obj_id = ssg_rel[:, :, 1]
    sbj_idx = jnp.broadcast_to(rel_sbj_id[:, :, None], (Bsz, Nrel, d))
    obj_idx = jnp.broadcast_to(rel_obj_id[:, :, None], (Bsz, Nrel, d))
    rel_sbj_feat = jnp.take_along_axis(obj_emb, sbj_idx, axis=1)
    rel_obj_feat = jnp.take_along_axis(obj_emb, obj_idx, axis=1)

    # sequential reassignment mirrors the torch code exactly
    rel_sbj_new = fc(jnp.concatenate([rel_sbj_feat, rel_obj_feat, rel_emb], -1), W_sbj, b_sbj)
    rel_sbj_new = jnp.where(rel_mask[:, :, None], 0.0, rel_sbj_new)
    rel_obj_new = fc(jnp.concatenate([rel_sbj_new, rel_obj_feat, rel_emb], -1), W_objr, b_objr)
    rel_obj_new = jnp.where(rel_mask[:, :, None], 0.0, rel_obj_new)
    rel_rel_feat = fc(jnp.concatenate([rel_sbj_new, rel_obj_new, rel_emb], -1), W_rel, b_rel)
    rel_rel_feat = jnp.where(rel_mask[:, :, None], 0.0, rel_rel_feat)

    obj_feat = fc(obj_emb, W_obj, b_obj)
    obj_feat = jnp.where(obj_mask[:, :, None], 0.0, obj_feat)

    obj_rep = jnp.broadcast_to(obj_emb[:, :, None, :], (Bsz, Nobj, Natt, d))
    attr_feat = fc(jnp.concatenate([obj_rep, attr_emb], -1), W_att, b_att)
    attr_feat = jnp.where(attr_mask[:, :, :, None], 0.0, attr_feat)

    b_idx = jnp.arange(Bsz)[:, None]
    obj_feat = obj_feat.at[b_idx, rel_sbj_id].add(rel_sbj_new)
    obj_feat = obj_feat.at[b_idx, rel_obj_id].add(rel_obj_new)

    rel_object_mask = jnp.concatenate([rel_mask, rel_mask], axis=1)
    rel_object_id = jnp.where(rel_object_mask, Nobj,
                              jnp.concatenate([rel_sbj_id, rel_obj_id], axis=1))
    # faithful to torch: counts initialized to ones, then scatter of 1s (a no-op by value)
    counts = jnp.ones((Bsz, Nrel * 2, Nobj + 1), dtype=jnp.float32)
    r_idx = jnp.arange(Nrel * 2)[None, :]
    counts = counts.at[b_idx, r_idx, rel_object_id].set(1.0)
    denom = counts.sum(axis=1)[:, :, None][:, :Nobj]
    rel_object_feat = obj_feat / denom

    attr_feat = attr_feat.sum(axis=2)
    attr_cnt = jnp.sum(~attr_mask, axis=-1)
    safe_cnt = jnp.where(attr_cnt == 0, 1, attr_cnt).astype(attr_feat.dtype)
    attr_feat = attr_feat / safe_cnt[:, :, None]
    attr_zero = attr_cnt == 0
    attr_feat = jnp.where(attr_zero[:, :, None], 0.0, attr_feat)

    ssg_feat = jnp.concatenate([rel_object_feat, rel_rel_feat, attr_feat], axis=1)
    ssg_mask = jnp.concatenate([obj_mask, rel_mask, attr_zero], axis=1)[:, None, None, :]
    return ssg_feat, ssg_mask

if __name__ == "__main__":
    import jax
    _d = setup_inputs()
    print(jax.jit(kernel)(*tuple(_d.values())))

</pallas_src>

<mosaic_0001>
#map = affine_map<(d0, d1) -> (0, 0)>
#map1 = affine_map<(d0, d1) -> (0, 0, 0)>
module attributes {stable_mosaic.version = 14 : i64} {
  func.func @gather_kernel(%arg0: i32, %arg1: i32, %arg2: memref<100000x128xf32, #tpu.memory_space<hbm>>, %arg3: memref<32x32x128xi32, #tpu.memory_space<hbm>>, %arg4: memref<131072x128xf32, #tpu.memory_space<hbm>>, %arg5: memref<32x128xi32, #tpu.memory_space<vmem>>, %arg6: memref<256x128xf32, #tpu.memory_space<vmem>>, %arg7: memref<256x128xf32, #tpu.memory_space<vmem>>, %arg8: memref<!tpu.dma_semaphore, #tpu.memory_space<semaphore_mem>>, %arg9: memref<!tpu.dma_semaphore, #tpu.memory_space<semaphore_mem>>, %arg10: memref<!tpu.dma_semaphore, #tpu.memory_space<semaphore_mem>>, %arg11: memref<!tpu.dma_semaphore, #tpu.memory_space<semaphore_mem>>) attributes {dimension_semantics = [#tpu.dimension_semantics<core_parallel>, #tpu.dimension_semantics<subcore_parallel>], iteration_bounds = array<i64: 2, 16>, scalar_prefetch = 0 : i64, scratch_operands = 7 : i64, tpu.core_type = #tpu.core_type<sc_vector_subcore>, window_params = [{transform_indices = #map}, {transform_indices = #map1}, {transform_indices = #map}]} {
    %mul3A = arith.constant 2 : i32
    %mul3A_0 = arith.muli %arg1, %mul3A : i32
    %add3A = arith.addi %mul3A_0, %arg0 : i32
    %mul3A_1 = arith.constant 4096 : i32
    %mul3A_2 = arith.muli %add3A, %mul3A_1 : i32
    "tpu.region"() ({
      %run_scoped3A = tpu.sem_alloc : memref<!tpu.dma_semaphore, #tpu.memory_space<semaphore_mem>>
      %dma_start3A_33 = arith.constant 0 : i32
      %dma_start3A_34 = arith.constant 0 : i32
      %dma_start3A_35 = tpu.memref_slice %arg3[%add3A, %dma_start3A_33, %dma_start3A_34] : memref<32x32x128xi32, #tpu.memory_space<hbm>> -> memref<1x32x128xi32, #tpu.memory_space<hbm>>
      %dma_start3A_36 = tpu.memref_squeeze %dma_start3A_35 : memref<1x32x128xi32, #tpu.memory_space<hbm>> -> memref<32x128xi32, #tpu.memory_space<hbm>>
      %dma_start3A_37 = arith.constant 0 : i32
      %dma_start3A_38 = arith.constant 0 : i32
      %dma_start3A_39 = tpu.memref_slice %arg3[%add3A, %dma_start3A_37, %dma_start3A_38] : memref<32x32x128xi32, #tpu.memory_space<hbm>> -> memref<1x32x128xi32, #tpu.memory_space<hbm>>
      %dma_start3A_40 = tpu.memref_squeeze %dma_start3A_39 : memref<1x32x128xi32, #tpu.memory_space<hbm>> -> memref<32x128xi32, #tpu.memory_space<hbm>>
      tpu.enqueue_dma source(%dma_start3A_40 : memref<32x128xi32, #tpu.memory_space<hbm>>) target(%arg5 : memref<32x128xi32, #tpu.memory_space<vmem>>) target_semaphore(%run_scoped3A : memref<!tpu.dma_semaphore, #tpu.memory_space<semaphore_mem>>)
      %dma_wait3A_41 = arith.constant 0 : i32
      %dma_wait3A_42 = arith.constant 0 : i32
      %dma_wait3A_43 = tpu.memref_slice %arg3[%add3A, %dma_wait3A_41, %dma_wait3A_42] : memref<32x32x128xi32, #tpu.memory_space<hbm>> -> memref<1x32x128xi32, #tpu.memory_space<hbm>>
      %dma_wait3A_44 = tpu.memref_squeeze %dma_wait3A_43 : memref<1x32x128xi32, #tpu.memory_space<hbm>> -> memref<32x128xi32, #tpu.memory_space<hbm>>
      %dma_wait3A_45 = arith.constant 0 : i32
      %dma_wait3A_46 = arith.constant 0 : i32
      %dma_wait3A_47 = tpu.memref_slice %arg3[%add3A, %dma_wait3A_45, %dma_wait3A_46] : memref<32x32x128xi32, #tpu.memory_space<hbm>> -> memref<1x32x128xi32, #tpu.memory_space<hbm>>
      %dma_wait3A_48 = tpu.memref_squeeze %dma_wait3A_47 : memref<1x32x128xi32, #tpu.memory_space<hbm>> -> memref<32x128xi32, #tpu.memory_space<hbm>>
      tpu.wait_dma2 semaphore(%run_scoped3A : memref<!tpu.dma_semaphore, #tpu.memory_space<semaphore_mem>>) src(%dma_wait3A_48 : memref<32x128xi32, #tpu.memory_space<hbm>>) dst(%arg5 : memref<32x128xi32, #tpu.memory_space<vmem>>)
      tpu.yield
    }) : () -> ()
    %dma_start3A = arith.constant 0 : i32
    %dma_start3A_3 = arith.constant 0 : i32
    %dma_start3A_4 = arith.constant 0 : i32
    %dma_start3A_5 = tpu.memref_slice %arg6[%dma_start3A_3, %dma_start3A_4] : memref<256x128xf32, #tpu.memory_space<vmem>> -> memref<128x128xf32, #tpu.memory_space<vmem>>
    %dma_start3A_6 = arith.constant 0 : i32
    %dma_start3A_7 = tpu.memref_slice %arg5[%dma_start3A, %dma_start3A_6] : memref<32x128xi32, #tpu.memory_space<vmem>> -> memref<1x128xi32, #tpu.memory_space<vmem>>
    %dma_start3A_8 = tpu.memref_squeeze %dma_start3A_7 : memref<1x128xi32, #tpu.memory_space<vmem>> -> memref<128xi32, #tpu.memory_space<vmem>>
    %dma_start3A_9 = arith.constant 0 : i32
    %dma_start3A_10 = arith.constant 0 : i32
    %dma_start3A_11 = tpu.memref_slice %arg2[%dma_start3A_9, %dma_start3A_10] : memref<100000x128xf32, #tpu.memory_space<hbm>> -> memref<100000x128xf32, #tpu.memory_space<hbm>>
    tpu.enqueue_indirect_dma source(%dma_start3A_11 : memref<100000x128xf32, #tpu.memory_space<hbm>>) target(%dma_start3A_5 : memref<128x128xf32, #tpu.memory_space<vmem>>) offsets(%dma_start3A_8 : memref<128xi32, #tpu.memory_space<vmem>>) semaphore(%arg8 : memref<!tpu.dma_semaphore, #tpu.memory_space<semaphore_mem>>)
    %dma_start3A_12 = arith.constant 1 : i32
    %dma_start3A_13 = arith.constant 128 : i32
    %dma_start3A_14 = arith.constant 0 : i32
    %dma_start3A_15 = tpu.memref_slice %arg6[%dma_start3A_13, %dma_start3A_14] : memref<256x128xf32, #tpu.memory_space<vmem>> -> memref<128x128xf32, #tpu.memory_space<vmem>>
    %dma_start3A_16 = arith.constant 0 : i32
    %dma_start3A_17 = tpu.memref_slice %arg5[%dma_start3A_12, %dma_start3A_16] : memref<32x128xi32, #tpu.memory_space<vmem>> -> memref<1x128xi32, #tpu.memory_space<vmem>>
    %dma_start3A_18 = tpu.memref_squeeze %dma_start3A_17 : memref<1x128xi32, #tpu.memory_space<vmem>> -> memref<128xi32, #tpu.memory_space<vmem>>
    %dma_start3A_19 = arith.constant 0 : i32
    %dma_start3A_20 = arith.constant 0 : i32
    %dma_start3A_21 = tpu.memref_slice %arg2[%dma_start3A_19, %dma_start3A_20] : memref<100000x128xf32, #tpu.memory_space<hbm>> -> memref<100000x128xf32, #tpu.memory_space<hbm>>
    tpu.enqueue_indirect_dma source(%dma_start3A_21 : memref<100000x128xf32, #tpu.memory_space<hbm>>) target(%dma_start3A_15 : memref<128x128xf32, #tpu.memory_space<vmem>>) offsets(%dma_start3A_18 : memref<128xi32, #tpu.memory_space<vmem>>) semaphore(%arg8 : memref<!tpu.dma_semaphore, #tpu.memory_space<semaphore_mem>>)
    %scan3A = arith.constant 0 : i32
    %scan3A_22 = arith.constant 8 : i32
    %scan3A_23 = arith.addi %scan3A, %scan3A_22 : i32
    %scan3A_24 = arith.constant 1 : i32
    scf.for %scan3A_33 = %scan3A to %scan3A_23 step %scan3A_24  : i32 {
      %mul3A_34 = arith.constant 2 : i32
      %mul3A_35 = arith.muli %scan3A_33, %mul3A_34 : i32
      %add3A_36 = arith.constant 0 : i32
      %add3A_37 = arith.addi %add3A_36, %mul3A_35 : i32
      %dma_wait3A_38 = arith.constant 0 : i32
      %dma_wait3A_39 = tpu.memref_slice %arg4[%mul3A_2, %dma_wait3A_38] : memref<131072x128xf32, #tpu.memory_space<hbm>> -> memref<256x128xf32, #tpu.memory_space<hbm>>
      %dma_wait3A_40 = arith.constant 0 : i32
      %dma_wait3A_41 = tpu.memref_slice %arg4[%mul3A_2, %dma_wait3A_40] : memref<131072x128xf32, #tpu.memory_space<hbm>> -> memref<256x128xf32, #tpu.memory_space<hbm>>
      tpu.wait_dma2 semaphore(%arg8 : memref<!tpu.dma_semaphore, #tpu.memory_space<semaphore_mem>>) src(%dma_wait3A_41 : memref<256x128xf32, #tpu.memory_space<hbm>>) dst(%arg6 : memref<256x128xf32, #tpu.memory_space<vmem>>)
      %mul3A_42 = arith.constant 256 : i32
      %mul3A_43 = arith.muli %add3A_37, %mul3A_42 : i32
      %add3A_44 = arith.addi %mul3A_2, %mul3A_43 : i32
      %dma_start3A_45 = arith.constant 0 : i32
      %dma_start3A_46 = tpu.memref_slice %arg4[%add3A_44, %dma_start3A_45] : memref<131072x128xf32, #tpu.memory_space<hbm>> -> memref<256x128xf32, #tpu.memory_space<hbm>>
      %dma_start3A_47 = arith.constant 0 : i32
      %dma_start3A_48 = tpu.memref_slice %arg4[%add3A_44, %dma_start3A_47] : memref<131072x128xf32, #tpu.memory_space<hbm>> -> memref<256x128xf32, #tpu.memory_space<hbm>>
      tpu.enqueue_dma source(%arg6 : memref<256x128xf32, #tpu.memory_space<vmem>>) target(%dma_start3A_48 : memref<256x128xf32, #tpu.memory_space<hbm>>) target_semaphore(%arg10 : memref<!tpu.dma_semaphore, #tpu.memory_space<semaphore_mem>>)
      %gt3A = arith.constant 0 : i32
      %gt3A_49 = arith.cmpi sgt, %add3A_37, %gt3A : i32
      %convert_element_type3A = arith.extui %gt3A_49 : i1 to i32
      %cond3A = arith.constant 0 : i32
      %cond3A_50 = arith.cmpi ne, %convert_element_type3A, %cond3A : i32
      scf.if %cond3A_50 {
        %dma_wait3A_112 = arith.constant 0 : i32
        %dma_wait3A_113 = tpu.memref_slice %arg4[%mul3A_2, %dma_wait3A_112] : memref<131072x128xf32, #tpu.memory_space<hbm>> -> memref<256x128xf32, #tpu.memory_space<hbm>>
        %dma_wait3A_114 = arith.constant 0 : i32
        %dma_wait3A_115 = tpu.memref_slice %arg4[%mul3A_2, %dma_wait3A_114] : memref<131072x128xf32, #tpu.memory_space<hbm>> -> memref<256x128xf32, #tpu.memory_space<hbm>>
        tpu.wait_dma2 semaphore(%arg11 : memref<!tpu.dma_semaphore, #tpu.memory_space<semaphore_mem>>) src(%dma_wait3A_115 : memref<256x128xf32, #tpu.memory_space<hbm>>) dst(%arg7 : memref<256x128xf32, #tpu.memory_space<vmem>>)
      } else {
      }
      %add3A_51 = arith.constant 1 : i32
      %add3A_52 = arith.addi %add3A_37, %add3A_51 : i32
      %mul3A_53 = arith.constant 2 : i32
      %mul3A_54 = arith.muli %add3A_52, %mul3A_53 : i32
      %add3A_55 = arith.constant 0 : i32
      %add3A_56 = arith.addi %mul3A_54, %add3A_55 : i32
      %dma_start3A_57 = arith.constant 0 : i32
      %dma_start3A_58 = arith.constant 0 : i32
      %dma_start3A_59 = tpu.memref_slice %arg7[%dma_start3A_57, %dma_start3A_58] : memref<256x128xf32, #tpu.memory_space<vmem>> -> memref<128x128xf32, #tpu.memory_space<vmem>>
      %dma_start3A_60 = arith.constant 0 : i32
      %dma_start3A_61 = tpu.memref_slice %arg5[%add3A_56, %dma_start3A_60] : memref<32x128xi32, #tpu.memory_space<vmem>> -> memref<1x128xi32, #tpu.memory_space<vmem>>
      %dma_start3A_62 = tpu.memref_squeeze %dma_start3A_61 : memref<1x128xi32, #tpu.memory_space<vmem>> -> memref<128xi32, #tpu.memory_space<vmem>>
      %dma_start3A_63 = arith.constant 0 : i32
      %dma_start3A_64 = arith.constant 0 : i32
      %dma_start3A_65 = tpu.memref_slice %arg2[%dma_start3A_63, %dma_start3A_64] : memref<100000x128xf32, #tpu.memory_space<hbm>> -> memref<100000x128xf32, #tpu.memory_space<hbm>>
      tpu.enqueue_indirect_dma source(%dma_start3A_65 : memref<100000x128xf32, #tpu.memory_space<hbm>>) target(%dma_start3A_59 : memref<128x128xf32, #tpu.memory_space<vmem>>) offsets(%dma_start3A_62 : memref<128xi32, #tpu.memory_space<vmem>>) semaphore(%arg9 : memref<!tpu.dma_semaphore, #tpu.memory_space<semaphore_mem>>)
      %mul3A_66 = arith.constant 2 : i32
      %mul3A_67 = arith.muli %add3A_52, %mul3A_66 : i32
      %add3A_68 = arith.constant 1 : i32
      %add3A_69 = arith.addi %mul3A_67, %add3A_68 : i32
      %dma_start3A_70 = arith.constant 128 : i32
      %dma_start3A_71 = arith.constant 0 : i32
      %dma_start3A_72 = tpu.memref_slice %arg7[%dma_start3A_70, %dma_start3A_71] : memref<256x128xf32, #tpu.memory_space<vmem>> -> memref<128x128xf32, #tpu.memory_space<vmem>>
      %dma_start3A_73 = arith.constant 0 : i32
      %dma_start3A_74 = tpu.memref_slice %arg5[%add3A_69, %dma_start3A_73] : memref<32x128xi32, #tpu.memory_space<vmem>> -> memref<1x128xi32, #tpu.memory_space<vmem>>
      %dma_start3A_75 = tpu.memref_squeeze %dma_start3A_74 : memref<1x128xi32, #tpu.memory_space<vmem>> -> memref<128xi32, #tpu.memory_space<vmem>>
      %dma_start3A_76 = arith.constant 0 : i32
      %dma_start3A_77 = arith.constant 0 : i32
      %dma_start3A_78 = tpu.memref_slice %arg2[%dma_start3A_76, %dma_start3A_77] : memref<100000x128xf32, #tpu.memory_space<hbm>> -> memref<100000x128xf32, #tpu.memory_space<hbm>>
      tpu.enqueue_indirect_dma source(%dma_start3A_78 : memref<100000x128xf32, #tpu.memory_space<hbm>>) target(%dma_start3A_72 : memref<128x128xf32, #tpu.memory_space<vmem>>) offsets(%dma_start3A_75 : memref<128xi32, #tpu.memory_space<vmem>>) semaphore(%arg9 : memref<!tpu.dma_semaphore, #tpu.memory_space<semaphore_mem>>)
      %dma_wait3A_79 = arith.constant 0 : i32
      %dma_wait3A_80 = arith.constant 0 : i32
      %dma_wait3A_81 = tpu.memref_slice %arg7[%dma_wait3A_79, %dma_wait3A_80] : memref<256x128xf32, #tpu.memory_space<vmem>> -> memref<128x128xf32, #tpu.memory_space<vmem>>
      %dma_wait3A_82 = arith.constant 0 : i32
      %dma_wait3A_83 = tpu.memref_slice %arg5[%add3A_56, %dma_wait3A_82] : memref<32x128xi32, #tpu.memory_space<vmem>> -> memref<1x128xi32, #tpu.memory_space<vmem>>
      %dma_wait3A_84 = tpu.memref_squeeze %dma_wait3A_83 : memref<1x128xi32, #tpu.memory_space<vmem>> -> memref<128xi32, #tpu.memory_space<vmem>>
      %dma_wait3A_85 = arith.constant 0 : i32
      %dma_wait3A_86 = arith.constant 0 : i32
      %dma_wait3A_87 = tpu.memref_slice %arg2[%dma_wait3A_85, %dma_wait3A_86] : memref<100000x128xf32, #tpu.memory_space<hbm>> -> memref<100000x128xf32, #tpu.memory_space<hbm>>
      tpu.wait_indirect_dma semaphore(%arg9 : memref<!tpu.dma_semaphore, #tpu.memory_space<semaphore_mem>>) src(%dma_wait3A_87 : memref<100000x128xf32, #tpu.memory_space<hbm>>) dst(%dma_wait3A_81 : memref<128x128xf32, #tpu.memory_space<vmem>>)
      %dma_wait3A_88 = arith.constant 128 : i32
      %dma_wait3A_89 = arith.constant 0 : i32
      %dma_wait3A_90 = tpu.memref_slice %arg7[%dma_wait3A_88, %dma_wait3A_89] : memref<256x128xf32, #tpu.memory_space<vmem>> -> memref<128x128xf32, #tpu.memory_space<vmem>>
      %dma_wait3A_91 = arith.constant 0 : i32
      %dma_wait3A_92 = tpu.memref_slice %arg5[%add3A_69, %dma_wait3A_91] : memref<32x128xi32, #tpu.memory_space<vmem>> -> memref<1x128xi32, #tpu.memory_space<vmem>>
      %dma_wait3A_93 = tpu.memref_squeeze %dma_wait3A_92 : memref<1x128xi32, #tpu.memory_space<vmem>> -> memref<128xi32, #tpu.memory_space<vmem>>
      %dma_wait3A_94 = arith.constant 0 : i32
      %dma_wait3A_95 = arith.constant 0 : i32
      %dma_wait3A_96 = tpu.memref_slice %arg2[%dma_wait3A_94, %dma_wait3A_95] : memref<100000x128xf32, #tpu.memory_space<hbm>> -> memref<100000x128xf32, #tpu.memory_space<hbm>>
      tpu.wait_indirect_dma semaphore(%arg9 : memref<!tpu.dma_semaphore, #tpu.memory_space<semaphore_mem>>) src(%dma_wait3A_96 : memref<100000x128xf32, #tpu.memory_space<hbm>>) dst(%dma_wait3A_90 : memref<128x128xf32, #tpu.memory_space<vmem>>)
      %add3A_97 = arith.constant 1 : i32
      %add3A_98 = arith.addi %add3A_37, %add3A_97 : i32
      %mul3A_99 = arith.constant 256 : i32
      %mul3A_100 = arith.muli %add3A_98, %mul3A_99 : i32
      %add3A_101 = arith.addi %mul3A_2, %mul3A_100 : i32
      %dma_start3A_102 = arith.constant 0 : i32
      %dma_start3A_103 = tpu.memref_slice %arg4[%add3A_101, %dma_start3A_102] : memref<131072x128xf32, #tpu.memory_space<hbm>> -> memref<256x128xf32, #tpu.memory_space<hbm>>
      %dma_start3A_104 = arith.constant 0 : i32
      %dma_start3A_105 = tpu.memref_slice %arg4[%add3A_101, %dma_start3A_104] : memref<131072x128xf32, #tpu.memory_space<hbm>> -> memref<256x128xf32, #tpu.memory_space<hbm>>
      tpu.enqueue_dma source(%arg7 : memref<256x128xf32, #tpu.memory_space<vmem>>) target(%dma_start3A_105 : memref<256x128xf32, #tpu.memory_space<hbm>>) target_semaphore(%arg11 : memref<!tpu.dma_semaphore, #tpu.memory_space<semaphore_mem>>)
      %add3A_106 = arith.constant 2 : i32
      %add3A_107 = arith.addi %add3A_37, %add3A_106 : i32
      %lt3A = arith.constant 16 : i32
      %lt3A_108 = arith.cmpi slt, %add3A_107, %lt3A : i32
      %convert_element_type3A_109 = arith.extui %lt3A_108 : i1 to i32
      %cond3A_110 = arith.constant 0 : i32
      %cond3A_111 = arith.cmpi ne, %convert_element_type3A_109, %cond3A_110 : i32
      scf.if %cond3A_111 {
        %dma_wait3A_112 = arith.constant 0 : i32
        %dma_wait3A_113 = tpu.memref_slice %arg4[%add3A_44, %dma_wait3A_112] : memref<131072x128xf32, #tpu.memory_space<hbm>> -> memref<256x128xf32, #tpu.memory_space<hbm>>
        %dma_wait3A_114 = arith.constant 0 : i32
        %dma_wait3A_115 = tpu.memref_slice %arg4[%add3A_44, %dma_wait3A_114] : memref<131072x128xf32, #tpu.memory_space<hbm>> -> memref<256x128xf32, #tpu.memory_space<hbm>>
        tpu.wait_dma2 semaphore(%arg10 : memref<!tpu.dma_semaphore, #tpu.memory_space<semaphore_mem>>) src(%arg6 : memref<256x128xf32, #tpu.memory_space<vmem>>) dst(%dma_wait3A_115 : memref<256x128xf32, #tpu.memory_space<hbm>>)
        %add3A_116 = arith.constant 2 : i32
        %add3A_117 = arith.addi %add3A_37, %add3A_116 : i32
        %mul3A_118 = arith.constant 2 : i32
        %mul3A_119 = arith.muli %add3A_117, %mul3A_118 : i32
        %add3A_120 = arith.constant 0 : i32
        %add3A_121 = arith.addi %mul3A_119, %add3A_120 : i32
        %dma_start3A_122 = arith.constant 0 : i32
        %dma_start3A_123 = arith.constant 0 : i32
        %dma_start3A_124 = tpu.memref_slice %arg6[%dma_start3A_122, %dma_start3A_123] : memref<256x128xf32, #tpu.memory_space<vmem>> -> memref<128x128xf32, #tpu.memory_space<vmem>>
        %dma_start3A_125 = arith.constant 0 : i32
        %dma_start3A_126 = tpu.memref_slice %arg5[%add3A_121, %dma_start3A_125] : memref<32x128xi32, #tpu.memory_space<vmem>> -> memref<1x128xi32, #tpu.memory_space<vmem>>
        %dma_start3A_127 = tpu.memref_squeeze %dma_start3A_126 : memref<1x128xi32, #tpu.memory_space<vmem>> -> memref<128xi32, #tpu.memory_space<vmem>>
        %dma_start3A_128 = arith.constant 0 : i32
        %dma_start3A_129 = arith.constant 0 : i32
        %dma_start3A_130 = tpu.memref_slice %arg2[%dma_start3A_128, %dma_start3A_129] : memref<100000x128xf32, #tpu.memory_space<hbm>> -> memref<100000x128xf32, #tpu.memory_space<hbm>>
        tpu.enqueue_indirect_dma source(%dma_start3A_130 : memref<100000x128xf32, #tpu.memory_space<hbm>>) target(%dma_start3A_124 : memref<128x128xf32, #tpu.memory_space<vmem>>) offsets(%dma_start3A_127 : memref<128xi32, #tpu.memory_space<vmem>>) semaphore(%arg8 : memref<!tpu.dma_semaphore, #tpu.memory_space<semaphore_mem>>)
        %mul3A_131 = arith.constant 2 : i32
        %mul3A_132 = arith.muli %add3A_117, %mul3A_131 : i32
        %add3A_133 = arith.constant 1 : i32
        %add3A_134 = arith.addi %mul3A_132, %add3A_133 : i32
        %dma_start3A_135 = arith.constant 128 : i32
        %dma_start3A_136 = arith.constant 0 : i32
        %dma_start3A_137 = tpu.memref_slice %arg6[%dma_start3A_135, %dma_start3A_136] : memref<256x128xf32, #tpu.memory_space<vmem>> -> memref<128x128xf32, #tpu.memory_space<vmem>>
        %dma_start3A_138 = arith.constant 0 : i32
        %dma_start3A_139 = tpu.memref_slice %arg5[%add3A_134, %dma_start3A_138] : memref<32x128xi32, #tpu.memory_space<vmem>> -> memref<1x128xi32, #tpu.memory_space<vmem>>
        %dma_start3A_140 = tpu.memref_squeeze %dma_start3A_139 : memref<1x128xi32, #tpu.memory_space<vmem>> -> memref<128xi32, #tpu.memory_space<vmem>>
        %dma_start3A_141 = arith.constant 0 : i32
        %dma_start3A_142 = arith.constant 0 : i32
        %dma_start3A_143 = tpu.memref_slice %arg2[%dma_start3A_141, %dma_start3A_142] : memref<100000x128xf32, #tpu.memory_space<hbm>> -> memref<100000x128xf32, #tpu.memory_space<hbm>>
        tpu.enqueue_indirect_dma source(%dma_start3A_143 : memref<100000x128xf32, #tpu.memory_space<hbm>>) target(%dma_start3A_137 : memref<128x128xf32, #tpu.memory_space<vmem>>) offsets(%dma_start3A_140 : memref<128xi32, #tpu.memory_space<vmem>>) semaphore(%arg8 : memref<!tpu.dma_semaphore, #tpu.memory_space<semaphore_mem>>)
      } else {
      }
    }
    %scan3A_25 = arith.constant 8 : i32
    %dma_wait3A = arith.constant 0 : i32
    %dma_wait3A_26 = tpu.memref_slice %arg4[%mul3A_2, %dma_wait3A] : memref<131072x128xf32, #tpu.memory_space<hbm>> -> memref<256x128xf32, #tpu.memory_space<hbm>>
    %dma_wait3A_27 = arith.constant 0 : i32
    %dma_wait3A_28 = tpu.memref_slice %arg4[%mul3A_2, %dma_wait3A_27] : memref<131072x128xf32, #tpu.memory_space<hbm>> -> memref<256x128xf32, #tpu.memory_space<hbm>>
    tpu.wait_dma2 semaphore(%arg10 : memref<!tpu.dma_semaphore, #tpu.memory_space<semaphore_mem>>) src(%dma_wait3A_28 : memref<256x128xf32, #tpu.memory_space<hbm>>) dst(%arg6 : memref<256x128xf32, #tpu.memory_space<vmem>>)
    %dma_wait3A_29 = arith.constant 0 : i32
    %dma_wait3A_30 = tpu.memref_slice %arg4[%mul3A_2, %dma_wait3A_29] : memref<131072x128xf32, #tpu.memory_space<hbm>> -> memref<256x128xf32, #tpu.memory_space<hbm>>
    %dma_wait3A_31 = arith.constant 0 : i32
    %dma_wait3A_32 = tpu.memref_slice %arg4[%mul3A_2, %dma_wait3A_31] : memref<131072x128xf32, #tpu.memory_space<hbm>> -> memref<256x128xf32, #tpu.memory_space<hbm>>
    tpu.wait_dma2 semaphore(%arg11 : memref<!tpu.dma_semaphore, #tpu.memory_space<semaphore_mem>>) src(%dma_wait3A_32 : memref<256x128xf32, #tpu.memory_space<hbm>>) dst(%arg7 : memref<256x128xf32, #tpu.memory_space<vmem>>)
    return
  }
}

#map = affine_map<(d0, d1) -> (0, 0)>
#map1 = affine_map<(d0, d1) -> (0, 0, 0)>
module attributes {stable_mosaic.version = 14 : i64} {
  func.func @gather_kernel(%arg0: i32, %arg1: i32, %arg2: memref<100000x128xf32, #tpu.memory_space<hbm>>, %arg3: memref<32x12x128xi32, #tpu.memory_space<hbm>>, %arg4: memref<49152x128xf32, #tpu.memory_space<hbm>>, %arg5: memref<12x128xi32, #tpu.memory_space<vmem>>, %arg6: memref<256x128xf32, #tpu.memory_space<vmem>>, %arg7: memref<256x128xf32, #tpu.memory_space<vmem>>, %arg8: memref<!tpu.dma_semaphore, #tpu.memory_space<semaphore_mem>>, %arg9: memref<!tpu.dma_semaphore, #tpu.memory_space<semaphore_mem>>, %arg10: memref<!tpu.dma_semaphore, #tpu.memory_space<semaphore_mem>>, %arg11: memref<!tpu.dma_semaphore, #tpu.memory_space<semaphore_mem>>) attributes {dimension_semantics = [#tpu.dimension_semantics<core_parallel>, #tpu.dimension_semantics<subcore_parallel>], iteration_bounds = array<i64: 2, 16>, scalar_prefetch = 0 : i64, scratch_operands = 7 : i64, tpu.core_type = #tpu.core_type<sc_vector_subcore>, window_params = [{transform_indices = #map}, {transform_indices = #map1}, {transform_indices = #map}]} {
    %mul3A = arith.constant 2 : i32
    %mul3A_0 = arith.muli %arg1, %mul3A : i32
    %add3A = arith.addi %mul3A_0, %arg0 : i32
    %mul3A_1 = arith.constant 1536 : i32
    %mul3A_2 = arith.muli %add3A, %mul3A_1 : i32
    "tpu.region"() ({
      %run_scoped3A = tpu.sem_alloc : memref<!tpu.dma_semaphore, #tpu.memory_space<semaphore_mem>>
      %dma_start3A_33 = arith.constant 0 : i32
      %dma_start3A_34 = arith.constant 0 : i32
      %dma_start3A_35 = tpu.memref_slice %arg3[%add3A, %dma_start3A_33, %dma_start3A_34] : memref<32x12x128xi32, #tpu.memory_space<hbm>> -> memref<1x12x128xi32, #tpu.memory_space<hbm>>
      %dma_start3A_36 = tpu.memref_squeeze %dma_start3A_35 : memref<1x12x128xi32, #tpu.memory_space<hbm>> -> memref<12x128xi32, #tpu.memory_space<hbm>>
      %dma_start3A_37 = arith.constant 0 : i32
      %dma_start3A_38 = arith.constant 0 : i32
      %dma_start3A_39 = tpu.memref_slice %arg3[%add3A, %dma_start3A_37, %dma_start3A_38] : memref<32x12x128xi32, #tpu.memory_space<hbm>> -> memref<1x12x128xi32, #tpu.memory_space<hbm>>
      %dma_start3A_40 = tpu.memref_squeeze %dma_start3A_39 : memref<1x12x128xi32, #tpu.memory_space<hbm>> -> memref<12x128xi32, #tpu.memory_space<hbm>>
      tpu.enqueue_dma source(%dma_start3A_40 : memref<12x128xi32, #tpu.memory_space<hbm>>) target(%arg5 : memref<12x128xi32, #tpu.memory_space<vmem>>) target_semaphore(%run_scoped3A : memref<!tpu.dma_semaphore, #tpu.memory_space<semaphore_mem>>)
      %dma_wait3A_41 = arith.constant 0 : i32
      %dma_wait3A_42 = arith.constant 0 : i32
      %dma_wait3A_43 = tpu.memref_slice %arg3[%add3A, %dma_wait3A_41, %dma_wait3A_42] : memref<32x12x128xi32, #tpu.memory_space<hbm>> -> memref<1x12x128xi32, #tpu.memory_space<hbm>>
      %dma_wait3A_44 = tpu.memref_squeeze %dma_wait3A_43 : memref<1x12x128xi32, #tpu.memory_space<hbm>> -> memref<12x128xi32, #tpu.memory_space<hbm>>
      %dma_wait3A_45 = arith.constant 0 : i32
      %dma_wait3A_46 = arith.constant 0 : i32
      %dma_wait3A_47 = tpu.memref_slice %arg3[%add3A, %dma_wait3A_45, %dma_wait3A_46] : memref<32x12x128xi32, #tpu.memory_space<hbm>> -> memref<1x12x128xi32, #tpu.memory_space<hbm>>
      %dma_wait3A_48 = tpu.memref_squeeze %dma_wait3A_47 : memref<1x12x128xi32, #tpu.memory_space<hbm>> -> memref<12x128xi32, #tpu.memory_space<hbm>>
      tpu.wait_dma2 semaphore(%run_scoped3A : memref<!tpu.dma_semaphore, #tpu.memory_space<semaphore_mem>>) src(%dma_wait3A_48 : memref<12x128xi32, #tpu.memory_space<hbm>>) dst(%arg5 : memref<12x128xi32, #tpu.memory_space<vmem>>)
      tpu.yield
    }) : () -> ()
    %dma_start3A = arith.constant 0 : i32
    %dma_start3A_3 = arith.constant 0 : i32
    %dma_start3A_4 = arith.constant 0 : i32
    %dma_start3A_5 = tpu.memref_slice %arg6[%dma_start3A_3, %dma_start3A_4] : memref<256x128xf32, #tpu.memory_space<vmem>> -> memref<128x128xf32, #tpu.memory_space<vmem>>
    %dma_start3A_6 = arith.constant 0 : i32
    %dma_start3A_7 = tpu.memref_slice %arg5[%dma_start3A, %dma_start3A_6] : memref<12x128xi32, #tpu.memory_space<vmem>> -> memref<1x128xi32, #tpu.memory_space<vmem>>
    %dma_start3A_8 = tpu.memref_squeeze %dma_start3A_7 : memref<1x128xi32, #tpu.memory_space<vmem>> -> memref<128xi32, #tpu.memory_space<vmem>>
    %dma_start3A_9 = arith.constant 0 : i32
    %dma_start3A_10 = arith.constant 0 : i32
    %dma_start3A_11 = tpu.memref_slice %arg2[%dma_start3A_9, %dma_start3A_10] : memref<100000x128xf32, #tpu.memory_space<hbm>> -> memref<100000x128xf32, #tpu.memory_space<hbm>>
    tpu.enqueue_indirect_dma source(%dma_start3A_11 : memref<100000x128xf32, #tpu.memory_space<hbm>>) target(%dma_start3A_5 : memref<128x128xf32, #tpu.memory_space<vmem>>) offsets(%dma_start3A_8 : memref<128xi32, #tpu.memory_space<vmem>>) semaphore(%arg8 : memref<!tpu.dma_semaphore, #tpu.memory_space<semaphore_mem>>)
    %dma_start3A_12 = arith.constant 1 : i32
    %dma_start3A_13 = arith.constant 128 : i32
    %dma_start3A_14 = arith.constant 0 : i32
    %dma_start3A_15 = tpu.memref_slice %arg6[%dma_start3A_13, %dma_start3A_14] : memref<256x128xf32, #tpu.memory_space<vmem>> -> memref<128x128xf32, #tpu.memory_space<vmem>>
    %dma_start3A_16 = arith.constant 0 : i32
    %dma_start3A_17 = tpu.memref_slice %arg5[%dma_start3A_12, %dma_start3A_16] : memref<12x128xi32, #tpu.memory_space<vmem>> -> memref<1x128xi32, #tpu.memory_space<vmem>>
    %dma_start3A_18 = tpu.memref_squeeze %dma_start3A_17 : memref<1x128xi32, #tpu.memory_space<vmem>> -> memref<128xi32, #tpu.memory_space<vmem>>
    %dma_start3A_19 = arith.constant 0 : i32
    %dma_start3A_20 = arith.constant 0 : i32
    %dma_start3A_21 = tpu.memref_slice %arg2[%dma_start3A_19, %dma_start3A_20] : memref<100000x128xf32, #tpu.memory_space<hbm>> -> memref<100000x128xf32, #tpu.memory_space<hbm>>
    tpu.enqueue_indirect_dma source(%dma_start3A_21 : memref<100000x128xf32, #tpu.memory_space<hbm>>) target(%dma_start3A_15 : memref<128x128xf32, #tpu.memory_space<vmem>>) offsets(%dma_start3A_18 : memref<128xi32, #tpu.memory_space<vmem>>) semaphore(%arg8 : memref<!tpu.dma_semaphore, #tpu.memory_space<semaphore_mem>>)
    %scan3A = arith.constant 0 : i32
    %scan3A_22 = arith.constant 3 : i32
    %scan3A_23 = arith.addi %scan3A, %scan3A_22 : i32
    %scan3A_24 = arith.constant 1 : i32
    scf.for %scan3A_33 = %scan3A to %scan3A_23 step %scan3A_24  : i32 {
      %mul3A_34 = arith.constant 2 : i32
      %mul3A_35 = arith.muli %scan3A_33, %mul3A_34 : i32
      %add3A_36 = arith.constant 0 : i32
      %add3A_37 = arith.addi %add3A_36, %mul3A_35 : i32
      %dma_wait3A_38 = arith.constant 0 : i32
      %dma_wait3A_39 = tpu.memref_slice %arg4[%mul3A_2, %dma_wait3A_38] : memref<49152x128xf32, #tpu.memory_space<hbm>> -> memref<256x128xf32, #tpu.memory_space<hbm>>
      %dma_wait3A_40 = arith.constant 0 : i32
      %dma_wait3A_41 = tpu.memref_slice %arg4[%mul3A_2, %dma_wait3A_40] : memref<49152x128xf32, #tpu.memory_space<hbm>> -> memref<256x128xf32, #tpu.memory_space<hbm>>
      tpu.wait_dma2 semaphore(%arg8 : memref<!tpu.dma_semaphore, #tpu.memory_space<semaphore_mem>>) src(%dma_wait3A_41 : memref<256x128xf32, #tpu.memory_space<hbm>>) dst(%arg6 : memref<256x128xf32, #tpu.memory_space<vmem>>)
      %mul3A_42 = arith.constant 256 : i32
      %mul3A_43 = arith.muli %add3A_37, %mul3A_42 : i32
      %add3A_44 = arith.addi %mul3A_2, %mul3A_43 : i32
      %dma_start3A_45 = arith.constant 0 : i32
      %dma_start3A_46 = tpu.memref_slice %arg4[%add3A_44, %dma_start3A_45] : memref<49152x128xf32, #tpu.memory_space<hbm>> -> memref<256x128xf32, #tpu.memory_space<hbm>>
      %dma_start3A_47 = arith.constant 0 : i32
      %dma_start3A_48 = tpu.memref_slice %arg4[%add3A_44, %dma_start3A_47] : memref<49152x128xf32, #tpu.memory_space<hbm>> -> memref<256x128xf32, #tpu.memory_space<hbm>>
      tpu.enqueue_dma source(%arg6 : memref<256x128xf32, #tpu.memory_space<vmem>>) target(%dma_start3A_48 : memref<256x128xf32, #tpu.memory_space<hbm>>) target_semaphore(%arg10 : memref<!tpu.dma_semaphore, #tpu.memory_space<semaphore_mem>>)
      %gt3A = arith.constant 0 : i32
      %gt3A_49 = arith.cmpi sgt, %add3A_37, %gt3A : i32
      %convert_element_type3A = arith.extui %gt3A_49 : i1 to i32
      %cond3A = arith.constant 0 : i32
      %cond3A_50 = arith.cmpi ne, %convert_element_type3A, %cond3A : i32
      scf.if %cond3A_50 {
        %dma_wait3A_112 = arith.constant 0 : i32
        %dma_wait3A_113 = tpu.memref_slice %arg4[%mul3A_2, %dma_wait3A_112] : memref<49152x128xf32, #tpu.memory_space<hbm>> -> memref<256x128xf32, #tpu.memory_space<hbm>>
        %dma_wait3A_114 = arith.constant 0 : i32
        %dma_wait3A_115 = tpu.memref_slice %arg4[%mul3A_2, %dma_wait3A_114] : memref<49152x128xf32, #tpu.memory_space<hbm>> -> memref<256x128xf32, #tpu.memory_space<hbm>>
        tpu.wait_dma2 semaphore(%arg11 : memref<!tpu.dma_semaphore, #tpu.memory_space<semaphore_mem>>) src(%dma_wait3A_115 : memref<256x128xf32, #tpu.memory_space<hbm>>) dst(%arg7 : memref<256x128xf32, #tpu.memory_space<vmem>>)
      } else {
      }
      %add3A_51 = arith.constant 1 : i32
      %add3A_52 = arith.addi %add3A_37, %add3A_51 : i32
      %mul3A_53 = arith.constant 2 : i32
      %mul3A_54 = arith.muli %add3A_52, %mul3A_53 : i32
      %add3A_55 = arith.constant 0 : i32
      %add3A_56 = arith.addi %mul3A_54, %add3A_55 : i32
      %dma_start3A_57 = arith.constant 0 : i32
      %dma_start3A_58 = arith.constant 0 : i32
      %dma_start3A_59 = tpu.memref_slice %arg7[%dma_start3A_57, %dma_start3A_58] : memref<256x128xf32, #tpu.memory_space<vmem>> -> memref<128x128xf32, #tpu.memory_space<vmem>>
      %dma_start3A_60 = arith.constant 0 : i32
      %dma_start3A_61 = tpu.memref_slice %arg5[%add3A_56, %dma_start3A_60] : memref<12x128xi32, #tpu.memory_space<vmem>> -> memref<1x128xi32, #tpu.memory_space<vmem>>
      %dma_start3A_62 = tpu.memref_squeeze %dma_start3A_61 : memref<1x128xi32, #tpu.memory_space<vmem>> -> memref<128xi32, #tpu.memory_space<vmem>>
      %dma_start3A_63 = arith.constant 0 : i32
      %dma_start3A_64 = arith.constant 0 : i32
      %dma_start3A_65 = tpu.memref_slice %arg2[%dma_start3A_63, %dma_start3A_64] : memref<100000x128xf32, #tpu.memory_space<hbm>> -> memref<100000x128xf32, #tpu.memory_space<hbm>>
      tpu.enqueue_indirect_dma source(%dma_start3A_65 : memref<100000x128xf32, #tpu.memory_space<hbm>>) target(%dma_start3A_59 : memref<128x128xf32, #tpu.memory_space<vmem>>) offsets(%dma_start3A_62 : memref<128xi32, #tpu.memory_space<vmem>>) semaphore(%arg9 : memref<!tpu.dma_semaphore, #tpu.memory_space<semaphore_mem>>)
      %mul3A_66 = arith.constant 2 : i32
      %mul3A_67 = arith.muli %add3A_52, %mul3A_66 : i32
      %add3A_68 = arith.constant 1 : i32
      %add3A_69 = arith.addi %mul3A_67, %add3A_68 : i32
      %dma_start3A_70 = arith.constant 128 : i32
      %dma_start3A_71 = arith.constant 0 : i32
      %dma_start3A_72 = tpu.memref_slice %arg7[%dma_start3A_70, %dma_start3A_71] : memref<256x128xf32, #tpu.memory_space<vmem>> -> memref<128x128xf32, #tpu.memory_space<vmem>>
      %dma_start3A_73 = arith.constant 0 : i32
      %dma_start3A_74 = tpu.memref_slice %arg5[%add3A_69, %dma_start3A_73] : memref<12x128xi32, #tpu.memory_space<vmem>> -> memref<1x128xi32, #tpu.memory_space<vmem>>
      %dma_start3A_75 = tpu.memref_squeeze %dma_start3A_74 : memref<1x128xi32, #tpu.memory_space<vmem>> -> memref<128xi32, #tpu.memory_space<vmem>>
      %dma_start3A_76 = arith.constant 0 : i32
      %dma_start3A_77 = arith.constant 0 : i32
      %dma_start3A_78 = tpu.memref_slice %arg2[%dma_start3A_76, %dma_start3A_77] : memref<100000x128xf32, #tpu.memory_space<hbm>> -> memref<100000x128xf32, #tpu.memory_space<hbm>>
      tpu.enqueue_indirect_dma source(%dma_start3A_78 : memref<100000x128xf32, #tpu.memory_space<hbm>>) target(%dma_start3A_72 : memref<128x128xf32, #tpu.memory_space<vmem>>) offsets(%dma_start3A_75 : memref<128xi32, #tpu.memory_space<vmem>>) semaphore(%arg9 : memref<!tpu.dma_semaphore, #tpu.memory_space<semaphore_mem>>)
      %dma_wait3A_79 = arith.constant 0 : i32
      %dma_wait3A_80 = arith.constant 0 : i32
      %dma_wait3A_81 = tpu.memref_slice %arg7[%dma_wait3A_79, %dma_wait3A_80] : memref<256x128xf32, #tpu.memory_space<vmem>> -> memref<128x128xf32, #tpu.memory_space<vmem>>
      %dma_wait3A_82 = arith.constant 0 : i32
      %dma_wait3A_83 = tpu.memref_slice %arg5[%add3A_56, %dma_wait3A_82] : memref<12x128xi32, #tpu.memory_space<vmem>> -> memref<1x128xi32, #tpu.memory_space<vmem>>
      %dma_wait3A_84 = tpu.memref_squeeze %dma_wait3A_83 : memref<1x128xi32, #tpu.memory_space<vmem>> -> memref<128xi32, #tpu.memory_space<vmem>>
      %dma_wait3A_85 = arith.constant 0 : i32
      %dma_wait3A_86 = arith.constant 0 : i32
      %dma_wait3A_87 = tpu.memref_slice %arg2[%dma_wait3A_85, %dma_wait3A_86] : memref<100000x128xf32, #tpu.memory_space<hbm>> -> memref<100000x128xf32, #tpu.memory_space<hbm>>
      tpu.wait_indirect_dma semaphore(%arg9 : memref<!tpu.dma_semaphore, #tpu.memory_space<semaphore_mem>>) src(%dma_wait3A_87 : memref<100000x128xf32, #tpu.memory_space<hbm>>) dst(%dma_wait3A_81 : memref<128x128xf32, #tpu.memory_space<vmem>>)
      %dma_wait3A_88 = arith.constant 128 : i32
      %dma_wait3A_89 = arith.constant 0 : i32
      %dma_wait3A_90 = tpu.memref_slice %arg7[%dma_wait3A_88, %dma_wait3A_89] : memref<256x128xf32, #tpu.memory_space<vmem>> -> memref<128x128xf32, #tpu.memory_space<vmem>>
      %dma_wait3A_91 = arith.constant 0 : i32
      %dma_wait3A_92 = tpu.memref_slice %arg5[%add3A_69, %dma_wait3A_91] : memref<12x128xi32, #tpu.memory_space<vmem>> -> memref<1x128xi32, #tpu.memory_space<vmem>>
      %dma_wait3A_93 = tpu.memref_squeeze %dma_wait3A_92 : memref<1x128xi32, #tpu.memory_space<vmem>> -> memref<128xi32, #tpu.memory_space<vmem>>
      %dma_wait3A_94 = arith.constant 0 : i32
      %dma_wait3A_95 = arith.constant 0 : i32
      %dma_wait3A_96 = tpu.memref_slice %arg2[%dma_wait3A_94, %dma_wait3A_95] : memref<100000x128xf32, #tpu.memory_space<hbm>> -> memref<100000x128xf32, #tpu.memory_space<hbm>>
      tpu.wait_indirect_dma semaphore(%arg9 : memref<!tpu.dma_semaphore, #tpu.memory_space<semaphore_mem>>) src(%dma_wait3A_96 : memref<100000x128xf32, #tpu.memory_space<hbm>>) dst(%dma_wait3A_90 : memref<128x128xf32, #tpu.memory_space<vmem>>)
      %add3A_97 = arith.constant 1 : i32
      %add3A_98 = arith.addi %add3A_37, %add3A_97 : i32
      %mul3A_99 = arith.constant 256 : i32
      %mul3A_100 = arith.muli %add3A_98, %mul3A_99 : i32
      %add3A_101 = arith.addi %mul3A_2, %mul3A_100 : i32
      %dma_start3A_102 = arith.constant 0 : i32
      %dma_start3A_103 = tpu.memref_slice %arg4[%add3A_101, %dma_start3A_102] : memref<49152x128xf32, #tpu.memory_space<hbm>> -> memref<256x128xf32, #tpu.memory_space<hbm>>
      %dma_start3A_104 = arith.constant 0 : i32
      %dma_start3A_105 = tpu.memref_slice %arg4[%add3A_101, %dma_start3A_104] : memref<49152x128xf32, #tpu.memory_space<hbm>> -> memref<256x128xf32, #tpu.memory_space<hbm>>
      tpu.enqueue_dma source(%arg7 : memref<256x128xf32, #tpu.memory_space<vmem>>) target(%dma_start3A_105 : memref<256x128xf32, #tpu.memory_space<hbm>>) target_semaphore(%arg11 : memref<!tpu.dma_semaphore, #tpu.memory_space<semaphore_mem>>)
      %add3A_106 = arith.constant 2 : i32
      %add3A_107 = arith.addi %add3A_37, %add3A_106 : i32
      %lt3A = arith.constant 6 : i32
      %lt3A_108 = arith.cmpi slt, %add3A_107, %lt3A : i32
      %convert_element_type3A_109 = arith.extui %lt3A_108 : i1 to i32
      %cond3A_110 = arith.constant 0 : i32
      %cond3A_111 = arith.cmpi ne, %convert_element_type3A_109, %cond3A_110 : i32
      scf.if %cond3A_111 {
        %dma_wait3A_112 = arith.constant 0 : i32
        %dma_wait3A_113 = tpu.memref_slice %arg4[%add3A_44, %dma_wait3A_112] : memref<49152x128xf32, #tpu.memory_space<hbm>> -> memref<256x128xf32, #tpu.memory_space<hbm>>
        %dma_wait3A_114 = arith.constant 0 : i32
        %dma_wait3A_115 = tpu.memref_slice %arg4[%add3A_44, %dma_wait3A_114] : memref<49152x128xf32, #tpu.memory_space<hbm>> -> memref<256x128xf32, #tpu.memory_space<hbm>>
        tpu.wait_dma2 semaphore(%arg10 : memref<!tpu.dma_semaphore, #tpu.memory_space<semaphore_mem>>) src(%arg6 : memref<256x128xf32, #tpu.memory_space<vmem>>) dst(%dma_wait3A_115 : memref<256x128xf32, #tpu.memory_space<hbm>>)
        %add3A_116 = arith.constant 2 : i32
        %add3A_117 = arith.addi %add3A_37, %add3A_116 : i32
        %mul3A_118 = arith.constant 2 : i32
        %mul3A_119 = arith.muli %add3A_117, %mul3A_118 : i32
        %add3A_120 = arith.constant 0 : i32
        %add3A_121 = arith.addi %mul3A_119, %add3A_120 : i32
        %dma_start3A_122 = arith.constant 0 : i32
        %dma_start3A_123 = arith.constant 0 : i32
        %dma_start3A_124 = tpu.memref_slice %arg6[%dma_start3A_122, %dma_start3A_123] : memref<256x128xf32, #tpu.memory_space<vmem>> -> memref<128x128xf32, #tpu.memory_space<vmem>>
        %dma_start3A_125 = arith.constant 0 : i32
        %dma_start3A_126 = tpu.memref_slice %arg5[%add3A_121, %dma_start3A_125] : memref<12x128xi32, #tpu.memory_space<vmem>> -> memref<1x128xi32, #tpu.memory_space<vmem>>
        %dma_start3A_127 = tpu.memref_squeeze %dma_start3A_126 : memref<1x128xi32, #tpu.memory_space<vmem>> -> memref<128xi32, #tpu.memory_space<vmem>>
        %dma_start3A_128 = arith.constant 0 : i32
        %dma_start3A_129 = arith.constant 0 : i32
        %dma_start3A_130 = tpu.memref_slice %arg2[%dma_start3A_128, %dma_start3A_129] : memref<100000x128xf32, #tpu.memory_space<hbm>> -> memref<100000x128xf32, #tpu.memory_space<hbm>>
        tpu.enqueue_indirect_dma source(%dma_start3A_130 : memref<100000x128xf32, #tpu.memory_space<hbm>>) target(%dma_start3A_124 : memref<128x128xf32, #tpu.memory_space<vmem>>) offsets(%dma_start3A_127 : memref<128xi32, #tpu.memory_space<vmem>>) semaphore(%arg8 : memref<!tpu.dma_semaphore, #tpu.memory_space<semaphore_mem>>)
        %mul3A_131 = arith.constant 2 : i32
        %mul3A_132 = arith.muli %add3A_117, %mul3A_131 : i32
        %add3A_133 = arith.constant 1 : i32
        %add3A_134 = arith.addi %mul3A_132, %add3A_133 : i32
        %dma_start3A_135 = arith.constant 128 : i32
        %dma_start3A_136 = arith.constant 0 : i32
        %dma_start3A_137 = tpu.memref_slice %arg6[%dma_start3A_135, %dma_start3A_136] : memref<256x128xf32, #tpu.memory_space<vmem>> -> memref<128x128xf32, #tpu.memory_space<vmem>>
        %dma_start3A_138 = arith.constant 0 : i32
        %dma_start3A_139 = tpu.memref_slice %arg5[%add3A_134, %dma_start3A_138] : memref<12x128xi32, #tpu.memory_space<vmem>> -> memref<1x128xi32, #tpu.memory_space<vmem>>
        %dma_start3A_140 = tpu.memref_squeeze %dma_start3A_139 : memref<1x128xi32, #tpu.memory_space<vmem>> -> memref<128xi32, #tpu.memory_space<vmem>>
        %dma_start3A_141 = arith.constant 0 : i32
        %dma_start3A_142 = arith.constant 0 : i32
        %dma_start3A_143 = tpu.memref_slice %arg2[%dma_start3A_141, %dma_start3A_142] : memref<100000x128xf32, #tpu.memory_space<hbm>> -> memref<100000x128xf32, #tpu.memory_space<hbm>>
        tpu.enqueue_indirect_dma source(%dma_start3A_143 : memref<100000x128xf32, #tpu.memory_space<hbm>>) target(%dma_start3A_137 : memref<128x128xf32, #tpu.memory_space<vmem>>) offsets(%dma_start3A_140 : memref<128xi32, #tpu.memory_space<vmem>>) semaphore(%arg8 : memref<!tpu.dma_semaphore, #tpu.memory_space<semaphore_mem>>)
      } else {
      }
    }
    %scan3A_25 = arith.constant 3 : i32
    %dma_wait3A = arith.constant 0 : i32
    %dma_wait3A_26 = tpu.memref_slice %arg4[%mul3A_2, %dma_wait3A] : memref<49152x128xf32, #tpu.memory_space<hbm>> -> memref<256x128xf32, #tpu.memory_space<hbm>>
    %dma_wait3A_27 = arith.constant 0 : i32
    %dma_wait3A_28 = tpu.memref_slice %arg4[%mul3A_2, %dma_wait3A_27] : memref<49152x128xf32, #tpu.memory_space<hbm>> -> memref<256x128xf32, #tpu.memory_space<hbm>>
    tpu.wait_dma2 semaphore(%arg10 : memref<!tpu.dma_semaphore, #tpu.memory_space<semaphore_mem>>) src(%dma_wait3A_28 : memref<256x128xf32, #tpu.memory_space<hbm>>) dst(%arg6 : memref<256x128xf32, #tpu.memory_space<vmem>>)
    %dma_wait3A_29 = arith.constant 0 : i32
    %dma_wait3A_30 = tpu.memref_slice %arg4[%mul3A_2, %dma_wait3A_29] : memref<49152x128xf32, #tpu.memory_space<hbm>> -> memref<256x128xf32, #tpu.memory_space<hbm>>
    %dma_wait3A_31 = arith.constant 0 : i32
    %dma_wait3A_32 = tpu.memref_slice %arg4[%mul3A_2, %dma_wait3A_31] : memref<49152x128xf32, #tpu.memory_space<hbm>> -> memref<256x128xf32, #tpu.memory_space<hbm>>
    tpu.wait_dma2 semaphore(%arg11 : memref<!tpu.dma_semaphore, #tpu.memory_space<semaphore_mem>>) src(%dma_wait3A_32 : memref<256x128xf32, #tpu.memory_space<hbm>>) dst(%arg7 : memref<256x128xf32, #tpu.memory_space<vmem>>)
    return
  }
}

module attributes {stable_mosaic.version = 14 : i64} {
  func.func @_tc_a_body(%arg0: i32, %arg1: memref<2048x128xf32, #tpu.memory_space<vmem>>, %arg2: memref<4096x128xf32, #tpu.memory_space<vmem>>, %arg3: memref<4x1x2048xi32, #tpu.memory_space<vmem>>, %arg4: memref<4x1x1024xi32, #tpu.memory_space<vmem>>, %arg5: memref<4x1x512xi32, #tpu.memory_space<vmem>>, %arg6: memref<384x128xf32, #tpu.memory_space<vmem>>, %arg7: memref<1x128xf32, #tpu.memory_space<vmem>>, %arg8: memref<384x128xf32, #tpu.memory_space<vmem>>, %arg9: memref<1x128xf32, #tpu.memory_space<vmem>>, %arg10: memref<384x128xf32, #tpu.memory_space<vmem>>, %arg11: memref<1x128xf32, #tpu.memory_space<vmem>>, %arg12: memref<128x128xf32, #tpu.memory_space<vmem>>, %arg13: memref<1x128xf32, #tpu.memory_space<vmem>>, %arg14: memref<4x2048x128xf32, #tpu.memory_space<vmem>>) attributes {dimension_semantics = [#tpu.dimension_semantics<arbitrary>], iteration_bounds = array<i64: 8>, scalar_prefetch = 0 : i64, scratch_operands = 0 : i64, tpu.core_type = #tpu.core_type<tc>, window_params = [{transform_indices = @transform_0, window_bounds = array<i64: 2048, 128>}, {transform_indices = @transform_1, window_bounds = array<i64: 4096, 128>}, {transform_indices = @transform_2, window_bounds = array<i64: 4, 1, 2048>}, {transform_indices = @transform_3, window_bounds = array<i64: 4, 1, 1024>}, {transform_indices = @transform_4, window_bounds = array<i64: 4, 1, 512>}, {pipeline_mode = #tpu.pipeline_mode<synchronous>, transform_indices = @transform_5, window_bounds = array<i64: 384, 128>}, {pipeline_mode = #tpu.pipeline_mode<synchronous>, transform_indices = @transform_6, window_bounds = array<i64: 1, 128>}, {pipeline_mode = #tpu.pipeline_mode<synchronous>, transform_indices = @transform_7, window_bounds = array<i64: 384, 128>}, {pipeline_mode = #tpu.pipeline_mode<synchronous>, transform_indices = @transform_8, window_bounds = array<i64: 1, 128>}, {pipeline_mode = #tpu.pipeline_mode<synchronous>, transform_indices = @transform_9, window_bounds = array<i64: 384, 128>}, {pipeline_mode = #tpu.pipeline_mode<synchronous>, transform_indices = @transform_10, window_bounds = array<i64: 1, 128>}, {pipeline_mode = #tpu.pipeline_mode<synchronous>, transform_indices = @transform_11, window_bounds = array<i64: 128, 128>}, {pipeline_mode = #tpu.pipeline_mode<synchronous>, transform_indices = @transform_12, window_bounds = array<i64: 1, 128>}, {transform_indices = @transform_13, window_bounds = array<i64: 4, 2048, 128>}]} {
    %get3A = arith.constant 0 : index
    %get3A_0 = arith.constant 0 : index
    %get3A_1 = vector.load %arg1[%get3A, %get3A_0] : memref<2048x128xf32, #tpu.memory_space<vmem>>, vector<512x128xf32>
    %get3A_2 = arith.constant 0 : index
    %get3A_3 = arith.constant 0 : index
    %get3A_4 = vector.load %arg2[%get3A_2, %get3A_3] : memref<4096x128xf32, #tpu.memory_space<vmem>>, vector<1024x128xf32>
    %get3A_5 = arith.constant 0 : index
    %get3A_6 = arith.constant 0 : index
    %get3A_7 = arith.constant 0 : index
    %get3A_8 = vector.load %arg3[%get3A_5, %get3A_6, %get3A_7] : memref<4x1x2048xi32, #tpu.memory_space<vmem>>, vector<1x1x2048xi32>
    %get3A_9 = vector.shape_cast %get3A_8 : vector<1x1x2048xi32> to vector<1x2048xi32>
    %get3A_10 = arith.constant 0 : index
    %get3A_11 = arith.constant 0 : index
    %get3A_12 = arith.constant 0 : index
    %get3A_13 = vector.load %arg4[%get3A_10, %get3A_11, %get3A_12] : memref<4x1x1024xi32, #tpu.memory_space<vmem>>, vector<1x1x1024xi32>
    %get3A_14 = vector.shape_cast %get3A_13 : vector<1x1x1024xi32> to vector<1x1024xi32>
    %ne3A = arith.constant 1 : i32
    %ne3A_15 = vector.broadcast %ne3A : i32 to vector<1x1024xi32>
    %ne3A_16 = arith.cmpi ne, %get3A_14, %ne3A_15 : vector<1x1024xi32>
    %convert_element_type3A = arith.extui %ne3A_16 : vector<1x1024xi1> to vector<1x1024xi32>
    %convert_element_type3A_17 = arith.sitofp %convert_element_type3A : vector<1x1024xi32> to vector<1x1024xf32>
    %transpose3A = tpu.transpose %convert_element_type3A_17, [1, 0] : vector<1x1024xf32> -> vector<1024x1xf32>
    %get3A_18 = arith.constant 0 : index
    %get3A_19 = arith.constant 0 : index
    %get3A_20 = arith.constant 0 : index
    %get3A_21 = vector.load %arg5[%get3A_18, %get3A_19, %get3A_20] : memref<4x1x512xi32, #tpu.memory_space<vmem>>, vector<1x1x512xi32>
    %get3A_22 = vector.shape_cast %get3A_21 : vector<1x1x512xi32> to vector<1x512xi32>
    %ne3A_23 = arith.constant 1 : i32
    %ne3A_24 = vector.broadcast %ne3A_23 : i32 to vector<1x512xi32>
    %ne3A_25 = arith.cmpi ne, %get3A_22, %ne3A_24 : vector<1x512xi32>
    %convert_element_type3A_26 = arith.extui %ne3A_25 : vector<1x512xi1> to vector<1x512xi32>
    %convert_element_type3A_27 = arith.sitofp %convert_element_type3A_26 : vector<1x512xi32> to vector<1x512xf32>
    %transpose3A_28 = tpu.transpose %convert_element_type3A_27, [1, 0] : vector<1x512xf32> -> vector<512x1xf32>
    %iota3A = tpu.iota {dimensions = array<i32: 0>} : vector<512x2048xi32>
    %eq3A = vector.broadcast %get3A_9 : vector<1x2048xi32> to vector<512x2048xi32>
    %eq3A_29 = arith.cmpi eq, %iota3A, %eq3A : vector<512x2048xi32>
    %convert_element_type3A_30 = arith.extui %eq3A_29 : vector<512x2048xi1> to vector<512x2048xi32>
    %convert_element_type3A_31 = arith.sitofp %convert_element_type3A_30 : vector<512x2048xi32> to vector<512x2048xf32>
    %dot_general3A = arith.constant dense<0.000000e+00> : vector<2048x128xf32>
    %dot_general3A_32 = tpu.matmul %convert_element_type3A_31, %get3A_1, %dot_general3A {dimension_numbers = #tpu.dot_dimension_numbers<[0], [0], [1], [1], [0, 1, 1, 1], [], []>, transpose_lhs_hint = false} : vector<512x2048xf32>, vector<512x128xf32>, vector<2048x128xf32> -> vector<2048x128xf32>
    %slice3A = vector.extract_strided_slice %dot_general3A_32 {offsets = [0, 0], sizes = [1024, 128], strides = [1, 1]} : vector<2048x128xf32> to vector<1024x128xf32>
    %slice3A_33 = vector.extract_strided_slice %dot_general3A_32 {offsets = [1024, 0], sizes = [1024, 128], strides = [1, 1]} : vector<2048x128xf32> to vector<1024x128xf32>
    %concatenate3A = tpu.concatenate %slice3A, %slice3A_33, %get3A_4 in 1 : vector<1024x128xf32>, vector<1024x128xf32>, vector<1024x128xf32> -> vector<1024x384xf32>
    %get3A_34 = arith.constant 0 : index
    %get3A_35 = arith.constant 0 : index
    %get3A_36 = vector.load %arg6[%get3A_34, %get3A_35] : memref<384x128xf32, #tpu.memory_space<vmem>>, vector<384x128xf32>
    %dot_general3A_37 = arith.constant dense<0.000000e+00> : vector<1024x128xf32>
    %dot_general3A_38 = tpu.matmul %concatenate3A, %get3A_36, %dot_general3A_37 {dimension_numbers = #tpu.dot_dimension_numbers<[1], [0], [0], [1], [0, 0, 1, 1], [], []>, transpose_lhs_hint = false} : vector<1024x384xf32>, vector<384x128xf32>, vector<1024x128xf32> -> vector<1024x128xf32>
    %get3A_39 = arith.constant 0 : index
    %get3A_40 = arith.constant 0 : index
    %get3A_41 = vector.load %arg7[%get3A_39, %get3A_40] : memref<1x128xf32, #tpu.memory_space<vmem>>, vector<1x128xf32>
    %add3A = vector.broadcast %get3A_41 : vector<1x128xf32> to vector<1024x128xf32>
    %add3A_42 = arith.addf %dot_general3A_38, %add3A : vector<1024x128xf32>
    %max3A = arith.constant 0.000000e+00 : f32
    %max3A_43 = vector.broadcast %max3A : f32 to vector<1024x128xf32>
    %max3A_44 = arith.maximumf %add3A_42, %max3A_43 : vector<1024x128xf32>
    %mul3A = vector.broadcast %transpose3A : vector<1024x1xf32> to vector<1024x128xf32>
    %mul3A_45 = arith.mulf %max3A_44, %mul3A : vector<1024x128xf32>
    %concatenate3A_46 = tpu.concatenate %mul3A_45, %slice3A_33, %get3A_4 in 1 : vector<1024x128xf32>, vector<1024x128xf32>, vector<1024x128xf32> -> vector<1024x384xf32>
    %get3A_47 = arith.constant 0 : index
    %get3A_48 = arith.constant 0 : index
    %get3A_49 = vector.load %arg8[%get3A_47, %get3A_48] : memref<384x128xf32, #tpu.memory_space<vmem>>, vector<384x128xf32>
    %dot_general3A_50 = arith.constant dense<0.000000e+00> : vector<1024x128xf32>
    %dot_general3A_51 = tpu.matmul %concatenate3A_46, %get3A_49, %dot_general3A_50 {dimension_numbers = #tpu.dot_dimension_numbers<[1], [0], [0], [1], [0, 0, 1, 1], [], []>, transpose_lhs_hint = false} : vector<1024x384xf32>, vector<384x128xf32>, vector<1024x128xf32> -> vector<1024x128xf32>
    %get3A_52 = arith.constant 0 : index
    %get3A_53 = arith.constant 0 : index
    %get3A_54 = vector.load %arg9[%get3A_52, %get3A_53] : memref<1x128xf32, #tpu.memory_space<vmem>>, vector<1x128xf32>
    %add3A_55 = vector.broadcast %get3A_54 : vector<1x128xf32> to vector<1024x128xf32>
    %add3A_56 = arith.addf %dot_general3A_51, %add3A_55 : vector<1024x128xf32>
    %max3A_57 = arith.constant 0.000000e+00 : f32
    %max3A_58 = vector.broadcast %max3A_57 : f32 to vector<1024x128xf32>
    %max3A_59 = arith.maximumf %add3A_56, %max3A_58 : vector<1024x128xf32>
    %mul3A_60 = vector.broadcast %transpose3A : vector<1024x1xf32> to vector<1024x128xf32>
    %mul3A_61 = arith.mulf %max3A_59, %mul3A_60 : vector<1024x128xf32>
    %concatenate3A_62 = tpu.concatenate %mul3A_45, %mul3A_61, %get3A_4 in 1 : vector<1024x128xf32>, vector<1024x128xf32>, vector<1024x128xf32> -> vector<1024x384xf32>
    %get3A_63 = arith.constant 0 : index
    %get3A_64 = arith.constant 0 : index
    %get3A_65 = vector.load %arg10[%get3A_63, %get3A_64] : memref<384x128xf32, #tpu.memory_space<vmem>>, vector<384x128xf32>
    %dot_general3A_66 = arith.constant dense<0.000000e+00> : vector<1024x128xf32>
    %dot_general3A_67 = tpu.matmul %concatenate3A_62, %get3A_65, %dot_general3A_66 {dimension_numbers = #tpu.dot_dimension_numbers<[1], [0], [0], [1], [0, 0, 1, 1], [], []>, transpose_lhs_hint = false} : vector<1024x384xf32>, vector<384x128xf32>, vector<1024x128xf32> -> vector<1024x128xf32>
    %get3A_68 = arith.constant 0 : index
    %get3A_69 = arith.constant 0 : index
    %get3A_70 = vector.load %arg11[%get3A_68, %get3A_69] : memref<1x128xf32, #tpu.memory_space<vmem>>, vector<1x128xf32>
    %add3A_71 = vector.broadcast %get3A_70 : vector<1x128xf32> to vector<1024x128xf32>
    %add3A_72 = arith.addf %dot_general3A_67, %add3A_71 : vector<1024x128xf32>
    %max3A_73 = arith.constant 0.000000e+00 : f32
    %max3A_74 = vector.broadcast %max3A_73 : f32 to vector<1024x128xf32>
    %max3A_75 = arith.maximumf %add3A_72, %max3A_74 : vector<1024x128xf32>
    %mul3A_76 = vector.broadcast %transpose3A : vector<1024x1xf32> to vector<1024x128xf32>
    %mul3A_77 = arith.mulf %max3A_75, %mul3A_76 : vector<1024x128xf32>
    %get3A_78 = arith.constant 0 : index
    %get3A_79 = arith.constant 0 : index
    %get3A_80 = vector.load %arg12[%get3A_78, %get3A_79] : memref<128x128xf32, #tpu.memory_space<vmem>>, vector<128x128xf32>
    %dot_general3A_81 = arith.constant dense<0.000000e+00> : vector<512x128xf32>
    %dot_general3A_82 = tpu.matmul %get3A_1, %get3A_80, %dot_general3A_81 {dimension_numbers = #tpu.dot_dimension_numbers<[1], [0], [0], [1], [0, 0, 1, 1], [], []>, transpose_lhs_hint = false} : vector<512x128xf32>, vector<128x128xf32>, vector<512x128xf32> -> vector<512x128xf32>
    %get3A_83 = arith.constant 0 : index
    %get3A_84 = arith.constant 0 : index
    %get3A_85 = vector.load %arg13[%get3A_83, %get3A_84] : memref<1x128xf32, #tpu.memory_space<vmem>>, vector<1x128xf32>
    %add3A_86 = vector.broadcast %get3A_85 : vector<1x128xf32> to vector<512x128xf32>
    %add3A_87 = arith.addf %dot_general3A_82, %add3A_86 : vector<512x128xf32>
    %max3A_88 = arith.constant 0.000000e+00 : f32
    %max3A_89 = vector.broadcast %max3A_88 : f32 to vector<512x128xf32>
    %max3A_90 = arith.maximumf %add3A_87, %max3A_89 : vector<512x128xf32>
    %mul3A_91 = vector.broadcast %transpose3A_28 : vector<512x1xf32> to vector<512x128xf32>
    %mul3A_92 = arith.mulf %max3A_90, %mul3A_91 : vector<512x128xf32>
    %concatenate3A_93 = tpu.concatenate %mul3A_45, %mul3A_61 in 0 : vector<1024x128xf32>, vector<1024x128xf32> -> vector<2048x128xf32>
    %dot_general3A_94 = arith.constant dense<0.000000e+00> : vector<512x128xf32>
    %dot_general3A_95 = tpu.matmul %convert_element_type3A_31, %concatenate3A_93, %dot_general3A_94 {dimension_numbers = #tpu.dot_dimension_numbers<[1], [0], [0], [1], [0, 0, 1, 1], [], []>, transpose_lhs_hint = false} : vector<512x2048xf32>, vector<2048x128xf32>, vector<512x128xf32> -> vector<512x128xf32>
    %add3A_96 = arith.addf %mul3A_92, %dot_general3A_95 : vector<512x128xf32>
    %mul3A_97 = arith.constant 4.8828125E-4 : f32
    %mul3A_98 = vector.broadcast %mul3A_97 : f32 to vector<512x128xf32>
    %mul3A_99 = arith.mulf %add3A_96, %mul3A_98 : vector<512x128xf32>
    %swap3A = arith.constant 0 : index
    %swap3A_100 = arith.constant 0 : index
    %swap3A_101 = arith.constant 0 : index
    %swap3A_102 = vector.load %arg14[%swap3A, %swap3A_100, %swap3A_101] : memref<4x2048x128xf32, #tpu.memory_space<vmem>>, vector<1x512x128xf32>
    %swap3A_103 = vector.shape_cast %swap3A_102 : vector<1x512x128xf32> to vector<512x128xf32>
    %swap3A_104 = vector.shape_cast %mul3A_99 : vector<512x128xf32> to vector<1x512x128xf32>
    tpu.vector_store %arg14[%swap3A, %swap3A_100, %swap3A_101], %swap3A_104 {strides = array<i32>} : memref<4x2048x128xf32, #tpu.memory_space<vmem>>, vector<1x512x128xf32>,
    %swap3A_105 = arith.constant 0 : index
    %swap3A_106 = arith.constant 512 : index
    %swap3A_107 = arith.constant 0 : index
    %swap3A_108 = vector.load %arg14[%swap3A_105, %swap3A_106, %swap3A_107] : memref<4x2048x128xf32, #tpu.memory_space<vmem>>, vector<1x1024x128xf32>
    %swap3A_109 = vector.shape_cast %swap3A_108 : vector<1x1024x128xf32> to vector<1024x128xf32>
    %swap3A_110 = vector.shape_cast %mul3A_77 : vector<1024x128xf32> to vector<1x1024x128xf32>
    tpu.vector_store %arg14[%swap3A_105, %swap3A_106, %swap3A_107], %swap3A_110 {strides = array<i32>} : memref<4x2048x128xf32, #tpu.memory_space<vmem>>, vector<1x1024x128xf32>,
    %get3A_111 = arith.constant 512 : index
    %get3A_112 = arith.constant 0 : index
    %get3A_113 = vector.load %arg1[%get3A_111, %get3A_112] : memref<2048x128xf32, #tpu.memory_space<vmem>>, vector<512x128xf32>
    %get3A_114 = arith.constant 1024 : index
    %get3A_115 = arith.constant 0 : index
    %get3A_116 = vector.load %arg2[%get3A_114, %get3A_115] : memref<4096x128xf32, #tpu.memory_space<vmem>>, vector<1024x128xf32>
    %get3A_117 = arith.constant 1 : index
    %get3A_118 = arith.constant 0 : index
    %get3A_119 = arith.constant 0 : index
    %get3A_120 = vector.load %arg3[%get3A_117, %get3A_118, %get3A_119] : memref<4x1x2048xi32, #tpu.memory_space<vmem>>, vector<1x1x2048xi32>
    %get3A_121 = vector.shape_cast %get3A_120 : vector<1x1x2048xi32> to vector<1x2048xi32>
    %get3A_122 = arith.constant 1 : index
    %get3A_123 = arith.constant 0 : index
    %get3A_124 = arith.constant 0 : index
    %get3A_125 = vector.load %arg4[%get3A_122, %get3A_123, %get3A_124] : memref<4x1x1024xi32, #tpu.memory_space<vmem>>, vector<1x1x1024xi32>
    %get3A_126 = vector.shape_cast %get3A_125 : vector<1x1x1024xi32> to vector<1x1024xi32>
    %ne3A_127 = arith.constant 1 : i32
    %ne3A_128 = vector.broadcast %ne3A_127 : i32 to vector<1x1024xi32>
    %ne3A_129 = arith.cmpi ne, %get3A_126, %ne3A_128 : vector<1x1024xi32>
    %convert_element_type3A_130 = arith.extui %ne3A_129 : vector<1x1024xi1> to vector<1x1024xi32>
    %convert_element_type3A_131 = arith.sitofp %convert_element_type3A_130 : vector<1x1024xi32> to vector<1x1024xf32>
    %transpose3A_132 = tpu.transpose %convert_element_type3A_131, [1, 0] : vector<1x1024xf32> -> vector<1024x1xf32>
    %get3A_133 = arith.constant 1 : index
    %get3A_134 = arith.constant 0 : index
    %get3A_135 = arith.constant 0 : index
    %get3A_136 = vector.load %arg5[%get3A_133, %get3A_134, %get3A_135] : memref<4x1x512xi32, #tpu.memory_space<vmem>>, vector<1x1x512xi32>
    %get3A_137 = vector.shape_cast %get3A_136 : vector<1x1x512xi32> to vector<1x512xi32>
    %ne3A_138 = arith.constant 1 : i32
    %ne3A_139 = vector.broadcast %ne3A_138 : i32 to vector<1x512xi32>
    %ne3A_140 = arith.cmpi ne, %get3A_137, %ne3A_139 : vector<1x512xi32>
    %convert_element_type3A_141 = arith.extui %ne3A_140 : vector<1x512xi1> to vector<1x512xi32>
    %convert_element_type3A_142 = arith.sitofp %convert_element_type3A_141 : vector<1x512xi32> to vector<1x512xf32>
    %transpose3A_143 = tpu.transpose %convert_element_type3A_142, [1, 0] : vector<1x512xf32> -> vector<512x1xf32>
    %iota3A_144 = tpu.iota {dimensions = array<i32: 0>} : vector<512x2048xi32>
    %eq3A_145 = vector.broadcast %get3A_121 : vector<1x2048xi32> to vector<512x2048xi32>
    %eq3A_146 = arith.cmpi eq, %iota3A_144, %eq3A_145 : vector<512x2048xi32>
    %convert_element_type3A_147 = arith.extui %eq3A_146 : vector<512x2048xi1> to vector<512x2048xi32>
    %convert_element_type3A_148 = arith.sitofp %convert_element_type3A_147 : vector<512x2048xi32> to vector<512x2048xf32>
    %dot_general3A_149 = arith.constant dense<0.000000e+00> : vector<2048x128xf32>
    %dot_general3A_150 = tpu.matmul %convert_element_type3A_148, %get3A_113, %dot_general3A_149 {dimension_numbers = #tpu.dot_dimension_numbers<[0], [0], [1], [1], [0, 1, 1, 1], [], []>, transpose_lhs_hint = false} : vector<512x2048xf32>, vector<512x128xf32>, vector<2048x128xf32> -> vector<2048x128xf32>
    %slice3A_151 = vector.extract_strided_slice %dot_general3A_150 {offsets = [0, 0], sizes = [1024, 128], strides = [1, 1]} : vector<2048x128xf32> to vector<1024x128xf32>
    %slice3A_152 = vector.extract_strided_slice %dot_general3A_150 {offsets = [1024, 0], sizes = [1024, 128], strides = [1, 1]} : vector<2048x128xf32> to vector<1024x128xf32>
    %concatenate3A_153 = tpu.concatenate %slice3A_151, %slice3A_152, %get3A_116 in 1 : vector<1024x128xf32>, vector<1024x128xf32>, vector<1024x128xf32> -> vector<1024x384xf32>
    %get3A_154 = arith.constant 0 : index
    %get3A_155 = arith.constant 0 : index
    %get3A_156 = vector.load %arg6[%get3A_154, %get3A_155] : memref<384x128xf32, #tpu.memory_space<vmem>>, vector<384x128xf32>
    %dot_general3A_157 = arith.constant dense<0.000000e+00> : vector<1024x128xf32>
    %dot_general3A_158 = tpu.matmul %concatenate3A_153, %get3A_156, %dot_general3A_157 {dimension_numbers = #tpu.dot_dimension_numbers<[1], [0], [0], [1], [0, 0, 1, 1], [], []>, transpose_lhs_hint = false} : vector<1024x384xf32>, vector<384x128xf32>, vector<1024x128xf32> -> vector<1024x128xf32>
    %get3A_159 = arith.constant 0 : index
    %get3A_160 = arith.constant 0 : index
    %get3A_161 = vector.load %arg7[%get3A_159, %get3A_160] : memref<1x128xf32, #tpu.memory_space<vmem>>, vector<1x128xf32>
    %add3A_162 = vector.broadcast %get3A_161 : vector<1x128xf32> to vector<1024x128xf32>
    %add3A_163 = arith.addf %dot_general3A_158, %add3A_162 : vector<1024x128xf32>
    %max3A_164 = arith.constant 0.000000e+00 : f32
    %max3A_165 = vector.broadcast %max3A_164 : f32 to vector<1024x128xf32>
    %max3A_166 = arith.maximumf %add3A_163, %max3A_165 : vector<1024x128xf32>
    %mul3A_167 = vector.broadcast %transpose3A_132 : vector<1024x1xf32> to vector<1024x128xf32>
    %mul3A_168 = arith.mulf %max3A_166, %mul3A_167 : vector<1024x128xf32>
    %concatenate3A_169 = tpu.concatenate %mul3A_168, %slice3A_152, %get3A_116 in 1 : vector<1024x128xf32>, vector<1024x128xf32>, vector<1024x128xf32> -> vector<1024x384xf32>
    %get3A_170 = arith.constant 0 : index
    %get3A_171 = arith.constant 0 : index
    %get3A_172 = vector.load %arg8[%get3A_170, %get3A_171] : memref<384x128xf32, #tpu.memory_space<vmem>>, vector<384x128xf32>
    %dot_general3A_173 = arith.constant dense<0.000000e+00> : vector<1024x128xf32>
    %dot_general3A_174 = tpu.matmul %concatenate3A_169, %get3A_172, %dot_general3A_173 {dimension_numbers = #tpu.dot_dimension_numbers<[1], [0], [0], [1], [0, 0, 1, 1], [], []>, transpose_lhs_hint = false} : vector<1024x384xf32>, vector<384x128xf32>, vector<1024x128xf32> -> vector<1024x128xf32>
    %get3A_175 = arith.constant 0 : index
    %get3A_176 = arith.constant 0 : index
    %get3A_177 = vector.load %arg9[%get3A_175, %get3A_176] : memref<1x128xf32, #tpu.memory_space<vmem>>, vector<1x128xf32>
    %add3A_178 = vector.broadcast %get3A_177 : vector<1x128xf32> to vector<1024x128xf32>
    %add3A_179 = arith.addf %dot_general3A_174, %add3A_178 : vector<1024x128xf32>
    %max3A_180 = arith.constant 0.000000e+00 : f32
    %max3A_181 = vector.broadcast %max3A_180 : f32 to vector<1024x128xf32>
    %max3A_182 = arith.maximumf %add3A_179, %max3A_181 : vector<1024x128xf32>
    %mul3A_183 = vector.broadcast %transpose3A_132 : vector<1024x1xf32> to vector<1024x128xf32>
    %mul3A_184 = arith.mulf %max3A_182, %mul3A_183 : vector<1024x128xf32>
    %concatenate3A_185 = tpu.concatenate %mul3A_168, %mul3A_184, %get3A_116 in 1 : vector<1024x128xf32>, vector<1024x128xf32>, vector<1024x128xf32> -> vector<1024x384xf32>
    %get3A_186 = arith.constant 0 : index
    %get3A_187 = arith.constant 0 : index
    %get3A_188 = vector.load %arg10[%get3A_186, %get3A_187] : memref<384x128xf32, #tpu.memory_space<vmem>>, vector<384x128xf32>
    %dot_general3A_189 = arith.constant dense<0.000000e+00> : vector<1024x128xf32>
    %dot_general3A_190 = tpu.matmul %concatenate3A_185, %get3A_188, %dot_general3A_189 {dimension_numbers = #tpu.dot_dimension_numbers<[1], [0], [0], [1], [0, 0, 1, 1], [], []>, transpose_lhs_hint = false} : vector<1024x384xf32>, vector<384x128xf32>, vector<1024x128xf32> -> vector<1024x128xf32>
    %get3A_191 = arith.constant 0 : index
    %get3A_192 = arith.constant 0 : index
    %get3A_193 = vector.load %arg11[%get3A_191, %get3A_192] : memref<1x128xf32, #tpu.memory_space<vmem>>, vector<1x128xf32>
    %add3A_194 = vector.broadcast %get3A_193 : vector<1x128xf32> to vector<1024x128xf32>
    %add3A_195 = arith.addf %dot_general3A_190, %add3A_194 : vector<1024x128xf32>
    %max3A_196 = arith.constant 0.000000e+00 : f32
    %max3A_197 = vector.broadcast %max3A_196 : f32 to vector<1024x128xf32>
    %max3A_198 = arith.maximumf %add3A_195, %max3A_197 : vector<1024x128xf32>
    %mul3A_199 = vector.broadcast %transpose3A_132 : vector<1024x1xf32> to vector<1024x128xf32>
    %mul3A_200 = arith.mulf %max3A_198, %mul3A_199 : vector<1024x128xf32>
    %get3A_201 = arith.constant 0 : index
    %get3A_202 = arith.constant 0 : index
    %get3A_203 = vector.load %arg12[%get3A_201, %get3A_202] : memref<128x128xf32, #tpu.memory_space<vmem>>, vector<128x128xf32>
    %dot_general3A_204 = arith.constant dense<0.000000e+00> : vector<512x128xf32>
    %dot_general3A_205 = tpu.matmul %get3A_113, %get3A_203, %dot_general3A_204 {dimension_numbers = #tpu.dot_dimension_numbers<[1], [0], [0], [1], [0, 0, 1, 1], [], []>, transpose_lhs_hint = false} : vector<512x128xf32>, vector<128x128xf32>, vector<512x128xf32> -> vector<512x128xf32>
    %get3A_206 = arith.constant 0 : index
    %get3A_207 = arith.constant 0 : index
    %get3A_208 = vector.load %arg13[%get3A_206, %get3A_207] : memref<1x128xf32, #tpu.memory_space<vmem>>, vector<1x128xf32>
    %add3A_209 = vector.broadcast %get3A_208 : vector<1x128xf32> to vector<512x128xf32>
    %add3A_210 = arith.addf %dot_general3A_205, %add3A_209 : vector<512x128xf32>
    %max3A_211 = arith.constant 0.000000e+00 : f32
    %max3A_212 = vector.broadcast %max3A_211 : f32 to vector<512x128xf32>
    %max3A_213 = arith.maximumf %add3A_210, %max3A_212 : vector<512x128xf32>
    %mul3A_214 = vector.broadcast %transpose3A_143 : vector<512x1xf32> to vector<512x128xf32>
    %mul3A_215 = arith.mulf %max3A_213, %mul3A_214 : vector<512x128xf32>
    %concatenate3A_216 = tpu.concatenate %mul3A_168, %mul3A_184 in 0 : vector<1024x128xf32>, vector<1024x128xf32> -> vector<2048x128xf32>
    %dot_general3A_217 = arith.constant dense<0.000000e+00> : vector<512x128xf32>
    %dot_general3A_218 = tpu.matmul %convert_element_type3A_148, %concatenate3A_216, %dot_general3A_217 {dimension_numbers = #tpu.dot_dimension_numbers<[1], [0], [0], [1], [0, 0, 1, 1], [], []>, transpose_lhs_hint = false} : vector<512x2048xf32>, vector<2048x128xf32>, vector<512x128xf32> -> vector<512x128xf32>
    %add3A_219 = arith.addf %mul3A_215, %dot_general3A_218 : vector<512x128xf32>
    %mul3A_220 = arith.constant 4.8828125E-4 : f32
    %mul3A_221 = vector.broadcast %mul3A_220 : f32 to vector<512x128xf32>
    %mul3A_222 = arith.mulf %add3A_219, %mul3A_221 : vector<512x128xf32>
    %swap3A_223 = arith.constant 1 : index
    %swap3A_224 = arith.constant 0 : index
    %swap3A_225 = arith.constant 0 : index
    %swap3A_226 = vector.load %arg14[%swap3A_223, %swap3A_224, %swap3A_225] : memref<4x2048x128xf32, #tpu.memory_space<vmem>>, vector<1x512x128xf32>
    %swap3A_227 = vector.shape_cast %swap3A_226 : vector<1x512x128xf32> to vector<512x128xf32>
    %swap3A_228 = vector.shape_cast %mul3A_222 : vector<512x128xf32> to vector<1x512x128xf32>
    tpu.vector_store %arg14[%swap3A_223, %swap3A_224, %swap3A_225], %swap3A_228 {strides = array<i32>} : memref<4x2048x128xf32, #tpu.memory_space<vmem>>, vector<1x512x128xf32>,
    %swap3A_229 = arith.constant 1 : index
    %swap3A_230 = arith.constant 512 : index
    %swap3A_231 = arith.constant 0 : index
    %swap3A_232 = vector.load %arg14[%swap3A_229, %swap3A_230, %swap3A_231] : memref<4x2048x128xf32, #tpu.memory_space<vmem>>, vector<1x1024x128xf32>
    %swap3A_233 = vector.shape_cast %swap3A_232 : vector<1x1024x128xf32> to vector<1024x128xf32>
    %swap3A_234 = vector.shape_cast %mul3A_200 : vector<1024x128xf32> to vector<1x1024x128xf32>
    tpu.vector_store %arg14[%swap3A_229, %swap3A_230, %swap3A_231], %swap3A_234 {strides = array<i32>} : memref<4x2048x128xf32, #tpu.memory_space<vmem>>, vector<1x1024x128xf32>,
    %get3A_235 = arith.constant 1024 : index
    %get3A_236 = arith.constant 0 : index
    %get3A_237 = vector.load %arg1[%get3A_235, %get3A_236] : memref<2048x128xf32, #tpu.memory_space<vmem>>, vector<512x128xf32>
    %get3A_238 = arith.constant 2048 : index
    %get3A_239 = arith.constant 0 : index
    %get3A_240 = vector.load %arg2[%get3A_238, %get3A_239] : memref<4096x128xf32, #tpu.memory_space<vmem>>, vector<1024x128xf32>
    %get3A_241 = arith.constant 2 : index
    %get3A_242 = arith.constant 0 : index
    %get3A_243 = arith.constant 0 : index
    %get3A_244 = vector.load %arg3[%get3A_241, %get3A_242, %get3A_243] : memref<4x1x2048xi32, #tpu.memory_space<vmem>>, vector<1x1x2048xi32>
    %get3A_245 = vector.shape_cast %get3A_244 : vector<1x1x2048xi32> to vector<1x2048xi32>
    %get3A_246 = arith.constant 2 : index
    %get3A_247 = arith.constant 0 : index
    %get3A_248 = arith.constant 0 : index
    %get3A_249 = vector.load %arg4[%get3A_246, %get3A_247, %get3A_248] : memref<4x1x1024xi32, #tpu.memory_space<vmem>>, vector<1x1x1024xi32>
    %get3A_250 = vector.shape_cast %get3A_249 : vector<1x1x1024xi32> to vector<1x1024xi32>
    %ne3A_251 = arith.constant 1 : i32
    %ne3A_252 = vector.broadcast %ne3A_251 : i32 to vector<1x1024xi32>
    %ne3A_253 = arith.cmpi ne, %get3A_250, %ne3A_252 : vector<1x1024xi32>
    %convert_element_type3A_254 = arith.extui %ne3A_253 : vector<1x1024xi1> to vector<1x1024xi32>
    %convert_element_type3A_255 = arith.sitofp %convert_element_type3A_254 : vector<1x1024xi32> to vector<1x1024xf32>
    %transpose3A_256 = tpu.transpose %convert_element_type3A_255, [1, 0] : vector<1x1024xf32> -> vector<1024x1xf32>
    %get3A_257 = arith.constant 2 : index
    %get3A_258 = arith.constant 0 : index
    %get3A_259 = arith.constant 0 : index
    %get3A_260 = vector.load %arg5[%get3A_257, %get3A_258, %get3A_259] : memref<4x1x512xi32, #tpu.memory_space<vmem>>, vector<1x1x512xi32>
    %get3A_261 = vector.shape_cast %get3A_260 : vector<1x1x512xi32> to vector<1x512xi32>
    %ne3A_262 = arith.constant 1 : i32
    %ne3A_263 = vector.broadcast %ne3A_262 : i32 to vector<1x512xi32>
    %ne3A_264 = arith.cmpi ne, %get3A_261, %ne3A_263 : vector<1x512xi32>
    %convert_element_type3A_265 = arith.extui %ne3A_264 : vector<1x512xi1> to vector<1x512xi32>
    %convert_element_type3A_266 = arith.sitofp %convert_element_type3A_265 : vector<1x512xi32> to vector<1x512xf32>
    %transpose3A_267 = tpu.transpose %convert_element_type3A_266, [1, 0] : vector<1x512xf32> -> vector<512x1xf32>
    %iota3A_268 = tpu.iota {dimensions = array<i32: 0>} : vector<512x2048xi32>
    %eq3A_269 = vector.broadcast %get3A_245 : vector<1x2048xi32> to vector<512x2048xi32>
    %eq3A_270 = arith.cmpi eq, %iota3A_268, %eq3A_269 : vector<512x2048xi32>
    %convert_element_type3A_271 = arith.extui %eq3A_270 : vector<512x2048xi1> to vector<512x2048xi32>
    %convert_element_type3A_272 = arith.sitofp %convert_element_type3A_271 : vector<512x2048xi32> to vector<512x2048xf32>
    %dot_general3A_273 = arith.constant dense<0.000000e+00> : vector<2048x128xf32>
    %dot_general3A_274 = tpu.matmul %convert_element_type3A_272, %get3A_237, %dot_general3A_273 {dimension_numbers = #tpu.dot_dimension_numbers<[0], [0], [1], [1], [0, 1, 1, 1], [], []>, transpose_lhs_hint = false} : vector<512x2048xf32>, vector<512x128xf32>, vector<2048x128xf32> -> vector<2048x128xf32>
    %slice3A_275 = vector.extract_strided_slice %dot_general3A_274 {offsets = [0, 0], sizes = [1024, 128], strides = [1, 1]} : vector<2048x128xf32> to vector<1024x128xf32>
    %slice3A_276 = vector.extract_strided_slice %dot_general3A_274 {offsets = [1024, 0], sizes = [1024, 128], strides = [1, 1]} : vector<2048x128xf32> to vector<1024x128xf32>
    %concatenate3A_277 = tpu.concatenate %slice3A_275, %slice3A_276, %get3A_240 in 1 : vector<1024x128xf32>, vector<1024x128xf32>, vector<1024x128xf32> -> vector<1024x384xf32>
    %get3A_278 = arith.constant 0 : index
    %get3A_279 = arith.constant 0 : index
    %get3A_280 = vector.load %arg6[%get3A_278, %get3A_279] : memref<384x128xf32, #tpu.memory_space<vmem>>, vector<384x128xf32>
    %dot_general3A_281 = arith.constant dense<0.000000e+00> : vector<1024x128xf32>
    %dot_general3A_282 = tpu.matmul %concatenate3A_277, %get3A_280, %dot_general3A_281 {dimension_numbers = #tpu.dot_dimension_numbers<[1], [0], [0], [1], [0, 0, 1, 1], [], []>, transpose_lhs_hint = false} : vector<1024x384xf32>, vector<384x128xf32>, vector<1024x128xf32> -> vector<1024x128xf32>
    %get3A_283 = arith.constant 0 : index
    %get3A_284 = arith.constant 0 : index
    %get3A_285 = vector.load %arg7[%get3A_283, %get3A_284] : memref<1x128xf32, #tpu.memory_space<vmem>>, vector<1x128xf32>
    %add3A_286 = vector.broadcast %get3A_285 : vector<1x128xf32> to vector<1024x128xf32>
    %add3A_287 = arith.addf %dot_general3A_282, %add3A_286 : vector<1024x128xf32>
    %max3A_288 = arith.constant 0.000000e+00 : f32
    %max3A_289 = vector.broadcast %max3A_288 : f32 to vector<1024x128xf32>
    %max3A_290 = arith.maximumf %add3A_287, %max3A_289 : vector<1024x128xf32>
    %mul3A_291 = vector.broadcast %transpose3A_256 : vector<1024x1xf32> to vector<1024x128xf32>
    %mul3A_292 = arith.mulf %max3A_290, %mul3A_291 : vector<1024x128xf32>
    %concatenate3A_293 = tpu.concatenate %mul3A_292, %slice3A_276, %get3A_240 in 1 : vector<1024x128xf32>, vector<1024x128xf32>, vector<1024x128xf32> -> vector<1024x384xf32>
    %get3A_294 = arith.constant 0 : index
    %get3A_295 = arith.constant 0 : index
    %get3A_296 = vector.load %arg8[%get3A_294, %get3A_295] : memref<384x128xf32, #tpu.memory_space<vmem>>, vector<384x128xf32>
    %dot_general3A_297 = arith.constant dense<0.000000e+00> : vector<1024x128xf32>
    %dot_general3A_298 = tpu.matmul %concatenate3A_293, %get3A_296, %dot_general3A_297 {dimension_numbers = #tpu.dot_dimension_numbers<[1], [0], [0], [1], [0, 0, 1, 1], [], []>, transpose_lhs_hint = false} : vector<1024x384xf32>, vector<384x128xf32>, vector<1024x128xf32> -> vector<1024x128xf32>
    %get3A_299 = arith.constant 0 : index
    %get3A_300 = arith.constant 0 : index
    %get3A_301 = vector.load %arg9[%get3A_299, %get3A_300] : memref<1x128xf32, #tpu.memory_space<vmem>>, vector<1x128xf32>
    %add3A_302 = vector.broadcast %get3A_301 : vector<1x128xf32> to vector<1024x128xf32>
    %add3A_303 = arith.addf %dot_general3A_298, %add3A_302 : vector<1024x128xf32>
    %max3A_304 = arith.constant 0.000000e+00 : f32
    %max3A_305 = vector.broadcast %max3A_304 : f32 to vector<1024x128xf32>
    %max3A_306 = arith.maximumf %add3A_303, %max3A_305 : vector<1024x128xf32>
    %mul3A_307 = vector.broadcast %transpose3A_256 : vector<1024x1xf32> to vector<1024x128xf32>
    %mul3A_308 = arith.mulf %max3A_306, %mul3A_307 : vector<1024x128xf32>
    %concatenate3A_309 = tpu.concatenate %mul3A_292, %mul3A_308, %get3A_240 in 1 : vector<1024x128xf32>, vector<1024x128xf32>, vector<1024x128xf32> -> vector<1024x384xf32>
    %get3A_310 = arith.constant 0 : index
    %get3A_311 = arith.constant 0 : index
    %get3A_312 = vector.load %arg10[%get3A_310, %get3A_311] : memref<384x128xf32, #tpu.memory_space<vmem>>, vector<384x128xf32>
    %dot_general3A_313 = arith.constant dense<0.000000e+00> : vector<1024x128xf32>
    %dot_general3A_314 = tpu.matmul %concatenate3A_309, %get3A_312, %dot_general3A_313 {dimension_numbers = #tpu.dot_dimension_numbers<[1], [0], [0], [1], [0, 0, 1, 1], [], []>, transpose_lhs_hint = false} : vector<1024x384xf32>, vector<384x128xf32>, vector<1024x128xf32> -> vector<1024x128xf32>
    %get3A_315 = arith.constant 0 : index
    %get3A_316 = arith.constant 0 : index
    %get3A_317 = vector.load %arg11[%get3A_315, %get3A_316] : memref<1x128xf32, #tpu.memory_space<vmem>>, vector<1x128xf32>
    %add3A_318 = vector.broadcast %get3A_317 : vector<1x128xf32> to vector<1024x128xf32>
    %add3A_319 = arith.addf %dot_general3A_314, %add3A_318 : vector<1024x128xf32>
    %max3A_320 = arith.constant 0.000000e+00 : f32
    %max3A_321 = vector.broadcast %max3A_320 : f32 to vector<1024x128xf32>
    %max3A_322 = arith.maximumf %add3A_319, %max3A_321 : vector<1024x128xf32>
    %mul3A_323 = vector.broadcast %transpose3A_256 : vector<1024x1xf32> to vector<1024x128xf32>
    %mul3A_324 = arith.mulf %max3A_322, %mul3A_323 : vector<1024x128xf32>
    %get3A_325 = arith.constant 0 : index
    %get3A_326 = arith.constant 0 : index
    %get3A_327 = vector.load %arg12[%get3A_325, %get3A_326] : memref<128x128xf32, #tpu.memory_space<vmem>>, vector<128x128xf32>
    %dot_general3A_328 = arith.constant dense<0.000000e+00> : vector<512x128xf32>
    %dot_general3A_329 = tpu.matmul %get3A_237, %get3A_327, %dot_general3A_328 {dimension_numbers = #tpu.dot_dimension_numbers<[1], [0], [0], [1], [0, 0, 1, 1], [], []>, transpose_lhs_hint = false} : vector<512x128xf32>, vector<128x128xf32>, vector<512x128xf32> -> vector<512x128xf32>
    %get3A_330 = arith.constant 0 : index
    %get3A_331 = arith.constant 0 : index
    %get3A_332 = vector.load %arg13[%get3A_330, %get3A_331] : memref<1x128xf32, #tpu.memory_space<vmem>>, vector<1x128xf32>
    %add3A_333 = vector.broadcast %get3A_332 : vector<1x128xf32> to vector<512x128xf32>
    %add3A_334 = arith.addf %dot_general3A_329, %add3A_333 : vector<512x128xf32>
    %max3A_335 = arith.constant 0.000000e+00 : f32
    %max3A_336 = vector.broadcast %max3A_335 : f32 to vector<512x128xf32>
    %max3A_337 = arith.maximumf %add3A_334, %max3A_336 : vector<512x128xf32>
    %mul3A_338 = vector.broadcast %transpose3A_267 : vector<512x1xf32> to vector<512x128xf32>
    %mul3A_339 = arith.mulf %max3A_337, %mul3A_338 : vector<512x128xf32>
    %concatenate3A_340 = tpu.concatenate %mul3A_292, %mul3A_308 in 0 : vector<1024x128xf32>, vector<1024x128xf32> -> vector<2048x128xf32>
    %dot_general3A_341 = arith.constant dense<0.000000e+00> : vector<512x128xf32>
    %dot_general3A_342 = tpu.matmul %convert_element_type3A_272, %concatenate3A_340, %dot_general3A_341 {dimension_numbers = #tpu.dot_dimension_numbers<[1], [0], [0], [1], [0, 0, 1, 1], [], []>, transpose_lhs_hint = false} : vector<512x2048xf32>, vector<2048x128xf32>, vector<512x128xf32> -> vector<512x128xf32>
    %add3A_343 = arith.addf %mul3A_339, %dot_general3A_342 : vector<512x128xf32>
    %mul3A_344 = arith.constant 4.8828125E-4 : f32
    %mul3A_345 = vector.broadcast %mul3A_344 : f32 to vector<512x128xf32>
    %mul3A_346 = arith.mulf %add3A_343, %mul3A_345 : vector<512x128xf32>
    %swap3A_347 = arith.constant 2 : index
    %swap3A_348 = arith.constant 0 : index
    %swap3A_349 = arith.constant 0 : index
    %swap3A_350 = vector.load %arg14[%swap3A_347, %swap3A_348, %swap3A_349] : memref<4x2048x128xf32, #tpu.memory_space<vmem>>, vector<1x512x128xf32>
    %swap3A_351 = vector.shape_cast %swap3A_350 : vector<1x512x128xf32> to vector<512x128xf32>
    %swap3A_352 = vector.shape_cast %mul3A_346 : vector<512x128xf32> to vector<1x512x128xf32>
    tpu.vector_store %arg14[%swap3A_347, %swap3A_348, %swap3A_349], %swap3A_352 {strides = array<i32>} : memref<4x2048x128xf32, #tpu.memory_space<vmem>>, vector<1x512x128xf32>,
    %swap3A_353 = arith.constant 2 : index
    %swap3A_354 = arith.constant 512 : index
    %swap3A_355 = arith.constant 0 : index
    %swap3A_356 = vector.load %arg14[%swap3A_353, %swap3A_354, %swap3A_355] : memref<4x2048x128xf32, #tpu.memory_space<vmem>>, vector<1x1024x128xf32>
    %swap3A_357 = vector.shape_cast %swap3A_356 : vector<1x1024x128xf32> to vector<1024x128xf32>
    %swap3A_358 = vector.shape_cast %mul3A_324 : vector<1024x128xf32> to vector<1x1024x128xf32>
    tpu.vector_store %arg14[%swap3A_353, %swap3A_354, %swap3A_355], %swap3A_358 {strides = array<i32>} : memref<4x2048x128xf32, #tpu.memory_space<vmem>>, vector<1x1024x128xf32>,
    %get3A_359 = arith.constant 1536 : index
    %get3A_360 = arith.constant 0 : index
    %get3A_361 = vector.load %arg1[%get3A_359, %get3A_360] : memref<2048x128xf32, #tpu.memory_space<vmem>>, vector<512x128xf32>
    %get3A_362 = arith.constant 3072 : index
    %get3A_363 = arith.constant 0 : index
    %get3A_364 = vector.load %arg2[%get3A_362, %get3A_363] : memref<4096x128xf32, #tpu.memory_space<vmem>>, vector<1024x128xf32>
    %get3A_365 = arith.constant 3 : index
    %get3A_366 = arith.constant 0 : index
    %get3A_367 = arith.constant 0 : index
    %get3A_368 = vector.load %arg3[%get3A_365, %get3A_366, %get3A_367] : memref<4x1x2048xi32, #tpu.memory_space<vmem>>, vector<1x1x2048xi32>
    %get3A_369 = vector.shape_cast %get3A_368 : vector<1x1x2048xi32> to vector<1x2048xi32>
    %get3A_370 = arith.constant 3 : index
    %get3A_371 = arith.constant 0 : index
    %get3A_372 = arith.constant 0 : index
    %get3A_373 = vector.load %arg4[%get3A_370, %get3A_371, %get3A_372] : memref<4x1x1024xi32, #tpu.memory_space<vmem>>, vector<1x1x1024xi32>
    %get3A_374 = vector.shape_cast %get3A_373 : vector<1x1x1024xi32> to vector<1x1024xi32>
    %ne3A_375 = arith.constant 1 : i32
    %ne3A_376 = vector.broadcast %ne3A_375 : i32 to vector<1x1024xi32>
    %ne3A_377 = arith.cmpi ne, %get3A_374, %ne3A_376 : vector<1x1024xi32>
    %convert_element_type3A_378 = arith.extui %ne3A_377 : vector<1x1024xi1> to vector<1x1024xi32>
    %convert_element_type3A_379 = arith.sitofp %convert_element_type3A_378 : vector<1x1024xi32> to vector<1x1024xf32>
    %transpose3A_380 = tpu.transpose %convert_element_type3A_379, [1, 0] : vector<1x1024xf32> -> vector<1024x1xf32>
    %get3A_381 = arith.constant 3 : index
    %get3A_382 = arith.constant 0 : index
    %get3A_383 = arith.constant 0 : index
    %get3A_384 = vector.load %arg5[%get3A_381, %get3A_382, %get3A_383] : memref<4x1x512xi32, #tpu.memory_space<vmem>>, vector<1x1x512xi32>
    %get3A_385 = vector.shape_cast %get3A_384 : vector<1x1x512xi32> to vector<1x512xi32>
    %ne3A_386 = arith.constant 1 : i32
    %ne3A_387 = vector.broadcast %ne3A_386 : i32 to vector<1x512xi32>
    %ne3A_388 = arith.cmpi ne, %get3A_385, %ne3A_387 : vector<1x512xi32>
    %convert_element_type3A_389 = arith.extui %ne3A_388 : vector<1x512xi1> to vector<1x512xi32>
    %convert_element_type3A_390 = arith.sitofp %convert_element_type3A_389 : vector<1x512xi32> to vector<1x512xf32>
    %transpose3A_391 = tpu.transpose %convert_element_type3A_390, [1, 0] : vector<1x512xf32> -> vector<512x1xf32>
    %iota3A_392 = tpu.iota {dimensions = array<i32: 0>} : vector<512x2048xi32>
    %eq3A_393 = vector.broadcast %get3A_369 : vector<1x2048xi32> to vector<512x2048xi32>
    %eq3A_394 = arith.cmpi eq, %iota3A_392, %eq3A_393 : vector<512x2048xi32>
    %convert_element_type3A_395 = arith.extui %eq3A_394 : vector<512x2048xi1> to vector<512x2048xi32>
    %convert_element_type3A_396 = arith.sitofp %convert_element_type3A_395 : vector<512x2048xi32> to vector<512x2048xf32>
    %dot_general3A_397 = arith.constant dense<0.000000e+00> : vector<2048x128xf32>
    %dot_general3A_398 = tpu.matmul %convert_element_type3A_396, %get3A_361, %dot_general3A_397 {dimension_numbers = #tpu.dot_dimension_numbers<[0], [0], [1], [1], [0, 1, 1, 1], [], []>, transpose_lhs_hint = false} : vector<512x2048xf32>, vector<512x128xf32>, vector<2048x128xf32> -> vector<2048x128xf32>
    %slice3A_399 = vector.extract_strided_slice %dot_general3A_398 {offsets = [0, 0], sizes = [1024, 128], strides = [1, 1]} : vector<2048x128xf32> to vector<1024x128xf32>
    %slice3A_400 = vector.extract_strided_slice %dot_general3A_398 {offsets = [1024, 0], sizes = [1024, 128], strides = [1, 1]} : vector<2048x128xf32> to vector<1024x128xf32>
    %concatenate3A_401 = tpu.concatenate %slice3A_399, %slice3A_400, %get3A_364 in 1 : vector<1024x128xf32>, vector<1024x128xf32>, vector<1024x128xf32> -> vector<1024x384xf32>
    %get3A_402 = arith.constant 0 : index
    %get3A_403 = arith.constant 0 : index
    %get3A_404 = vector.load %arg6[%get3A_402, %get3A_403] : memref<384x128xf32, #tpu.memory_space<vmem>>, vector<384x128xf32>
    %dot_general3A_405 = arith.constant dense<0.000000e+00> : vector<1024x128xf32>
    %dot_general3A_406 = tpu.matmul %concatenate3A_401, %get3A_404, %dot_general3A_405 {dimension_numbers = #tpu.dot_dimension_numbers<[1], [0], [0], [1], [0, 0, 1, 1], [], []>, transpose_lhs_hint = false} : vector<1024x384xf32>, vector<384x128xf32>, vector<1024x128xf32> -> vector<1024x128xf32>
    %get3A_407 = arith.constant 0 : index
    %get3A_408 = arith.constant 0 : index
    %get3A_409 = vector.load %arg7[%get3A_407, %get3A_408] : memref<1x128xf32, #tpu.memory_space<vmem>>, vector<1x128xf32>
    %add3A_410 = vector.broadcast %get3A_409 : vector<1x128xf32> to vector<1024x128xf32>
    %add3A_411 = arith.addf %dot_general3A_406, %add3A_410 : vector<1024x128xf32>
    %max3A_412 = arith.constant 0.000000e+00 : f32
    %max3A_413 = vector.broadcast %max3A_412 : f32 to vector<1024x128xf32>
    %max3A_414 = arith.maximumf %add3A_411, %max3A_413 : vector<1024x128xf32>
    %mul3A_415 = vector.broadcast %transpose3A_380 : vector<1024x1xf32> to vector<1024x128xf32>
    %mul3A_416 = arith.mulf %max3A_414, %mul3A_415 : vector<1024x128xf32>
    %concatenate3A_417 = tpu.concatenate %mul3A_416, %slice3A_400, %get3A_364 in 1 : vector<1024x128xf32>, vector<1024x128xf32>, vector<1024x128xf32> -> vector<1024x384xf32>
    %get3A_418 = arith.constant 0 : index
    %get3A_419 = arith.constant 0 : index
    %get3A_420 = vector.load %arg8[%get3A_418, %get3A_419] : memref<384x128xf32, #tpu.memory_space<vmem>>, vector<384x128xf32>
    %dot_general3A_421 = arith.constant dense<0.000000e+00> : vector<1024x128xf32>
    %dot_general3A_422 = tpu.matmul %concatenate3A_417, %get3A_420, %dot_general3A_421 {dimension_numbers = #tpu.dot_dimension_numbers<[1], [0], [0], [1], [0, 0, 1, 1], [], []>, transpose_lhs_hint = false} : vector<1024x384xf32>, vector<384x128xf32>, vector<1024x128xf32> -> vector<1024x128xf32>
    %get3A_423 = arith.constant 0 : index
    %get3A_424 = arith.constant 0 : index
    %get3A_425 = vector.load %arg9[%get3A_423, %get3A_424] : memref<1x128xf32, #tpu.memory_space<vmem>>, vector<1x128xf32>
    %add3A_426 = vector.broadcast %get3A_425 : vector<1x128xf32> to vector<1024x128xf32>
    %add3A_427 = arith.addf %dot_general3A_422, %add3A_426 : vector<1024x128xf32>
    %max3A_428 = arith.constant 0.000000e+00 : f32
    %max3A_429 = vector.broadcast %max3A_428 : f32 to vector<1024x128xf32>
    %max3A_430 = arith.maximumf %add3A_427, %max3A_429 : vector<1024x128xf32>
    %mul3A_431 = vector.broadcast %transpose3A_380 : vector<1024x1xf32> to vector<1024x128xf32>
    %mul3A_432 = arith.mulf %max3A_430, %mul3A_431 : vector<1024x128xf32>
    %concatenate3A_433 = tpu.concatenate %mul3A_416, %mul3A_432, %get3A_364 in 1 : vector<1024x128xf32>, vector<1024x128xf32>, vector<1024x128xf32> -> vector<1024x384xf32>
    %get3A_434 = arith.constant 0 : index
    %get3A_435 = arith.constant 0 : index
    %get3A_436 = vector.load %arg10[%get3A_434, %get3A_435] : memref<384x128xf32, #tpu.memory_space<vmem>>, vector<384x128xf32>
    %dot_general3A_437 = arith.constant dense<0.000000e+00> : vector<1024x128xf32>
    %dot_general3A_438 = tpu.matmul %concatenate3A_433, %get3A_436, %dot_general3A_437 {dimension_numbers = #tpu.dot_dimension_numbers<[1], [0], [0], [1], [0, 0, 1, 1], [], []>, transpose_lhs_hint = false} : vector<1024x384xf32>, vector<384x128xf32>, vector<1024x128xf32> -> vector<1024x128xf32>
    %get3A_439 = arith.constant 0 : index
    %get3A_440 = arith.constant 0 : index
    %get3A_441 = vector.load %arg11[%get3A_439, %get3A_440] : memref<1x128xf32, #tpu.memory_space<vmem>>, vector<1x128xf32>
    %add3A_442 = vector.broadcast %get3A_441 : vector<1x128xf32> to vector<1024x128xf32>
    %add3A_443 = arith.addf %dot_general3A_438, %add3A_442 : vector<1024x128xf32>
    %max3A_444 = arith.constant 0.000000e+00 : f32
    %max3A_445 = vector.broadcast %max3A_444 : f32 to vector<1024x128xf32>
    %max3A_446 = arith.maximumf %add3A_443, %max3A_445 : vector<1024x128xf32>
    %mul3A_447 = vector.broadcast %transpose3A_380 : vector<1024x1xf32> to vector<1024x128xf32>
    %mul3A_448 = arith.mulf %max3A_446, %mul3A_447 : vector<1024x128xf32>
    %get3A_449 = arith.constant 0 : index
    %get3A_450 = arith.constant 0 : index
    %get3A_451 = vector.load %arg12[%get3A_449, %get3A_450] : memref<128x128xf32, #tpu.memory_space<vmem>>, vector<128x128xf32>
    %dot_general3A_452 = arith.constant dense<0.000000e+00> : vector<512x128xf32>
    %dot_general3A_453 = tpu.matmul %get3A_361, %get3A_451, %dot_general3A_452 {dimension_numbers = #tpu.dot_dimension_numbers<[1], [0], [0], [1], [0, 0, 1, 1], [], []>, transpose_lhs_hint = false} : vector<512x128xf32>, vector<128x128xf32>, vector<512x128xf32> -> vector<512x128xf32>
    %get3A_454 = arith.constant 0 : index
    %get3A_455 = arith.constant 0 : index
    %get3A_456 = vector.load %arg13[%get3A_454, %get3A_455] : memref<1x128xf32, #tpu.memory_space<vmem>>, vector<1x128xf32>
    %add3A_457 = vector.broadcast %get3A_456 : vector<1x128xf32> to vector<512x128xf32>
    %add3A_458 = arith.addf %dot_general3A_453, %add3A_457 : vector<512x128xf32>
    %max3A_459 = arith.constant 0.000000e+00 : f32
    %max3A_460 = vector.broadcast %max3A_459 : f32 to vector<512x128xf32>
    %max3A_461 = arith.maximumf %add3A_458, %max3A_460 : vector<512x128xf32>
    %mul3A_462 = vector.broadcast %transpose3A_391 : vector<512x1xf32> to vector<512x128xf32>
    %mul3A_463 = arith.mulf %max3A_461, %mul3A_462 : vector<512x128xf32>
    %concatenate3A_464 = tpu.concatenate %mul3A_416, %mul3A_432 in 0 : vector<1024x128xf32>, vector<1024x128xf32> -> vector<2048x128xf32>
    %dot_general3A_465 = arith.constant dense<0.000000e+00> : vector<512x128xf32>
    %dot_general3A_466 = tpu.matmul %convert_element_type3A_396, %concatenate3A_464, %dot_general3A_465 {dimension_numbers = #tpu.dot_dimension_numbers<[1], [0], [0], [1], [0, 0, 1, 1], [], []>, transpose_lhs_hint = false} : vector<512x2048xf32>, vector<2048x128xf32>, vector<512x128xf32> -> vector<512x128xf32>
    %add3A_467 = arith.addf %mul3A_463, %dot_general3A_466 : vector<512x128xf32>
    %mul3A_468 = arith.constant 4.8828125E-4 : f32
    %mul3A_469 = vector.broadcast %mul3A_468 : f32 to vector<512x128xf32>
    %mul3A_470 = arith.mulf %add3A_467, %mul3A_469 : vector<512x128xf32>
    %swap3A_471 = arith.constant 3 : index
    %swap3A_472 = arith.constant 0 : index
    %swap3A_473 = arith.constant 0 : index
    %swap3A_474 = vector.load %arg14[%swap3A_471, %swap3A_472, %swap3A_473] : memref<4x2048x128xf32, #tpu.memory_space<vmem>>, vector<1x512x128xf32>
    %swap3A_475 = vector.shape_cast %swap3A_474 : vector<1x512x128xf32> to vector<512x128xf32>
    %swap3A_476 = vector.shape_cast %mul3A_470 : vector<512x128xf32> to vector<1x512x128xf32>
    tpu.vector_store %arg14[%swap3A_471, %swap3A_472, %swap3A_473], %swap3A_476 {strides = array<i32>} : memref<4x2048x128xf32, #tpu.memory_space<vmem>>, vector<1x512x128xf32>,
    %swap3A_477 = arith.constant 3 : index
    %swap3A_478 = arith.constant 512 : index
    %swap3A_479 = arith.constant 0 : index
    %swap3A_480 = vector.load %arg14[%swap3A_477, %swap3A_478, %swap3A_479] : memref<4x2048x128xf32, #tpu.memory_space<vmem>>, vector<1x1024x128xf32>
    %swap3A_481 = vector.shape_cast %swap3A_480 : vector<1x1024x128xf32> to vector<1024x128xf32>
    %swap3A_482 = vector.shape_cast %mul3A_448 : vector<1024x128xf32> to vector<1x1024x128xf32>
    tpu.vector_store %arg14[%swap3A_477, %swap3A_478, %swap3A_479], %swap3A_482 {strides = array<i32>} : memref<4x2048x128xf32, #tpu.memory_space<vmem>>, vector<1x1024x128xf32>,
    return
  }
  func.func @transform_0(%arg0: i32) -> (i32, i32) {
    %add3A = arith.constant 16 : i32
    %add3A_0 = arith.addi %add3A, %arg0 : i32
    %c0_i32 = arith.constant 0 : i32
    %c0_i32_1 = arith.constant 0 : i32
    return %add3A_0, %c0_i32 : i32, i32
  }
  func.func @transform_1(%arg0: i32) -> (i32, i32) {
    %c0_i32 = arith.constant 0 : i32
    %c0_i32_0 = arith.constant 0 : i32
    return %arg0, %c0_i32 : i32, i32
  }
  func.func @transform_2(%arg0: i32) -> (i32, i32, i32) {
    %c0_i32 = arith.constant 0 : i32
    %c0_i32_0 = arith.constant 0 : i32
    %c0_i32_1 = arith.constant 0 : i32
    return %arg0, %c0_i32, %c0_i32_0 : i32, i32, i32
  }
  func.func @transform_3(%arg0: i32) -> (i32, i32, i32) {
    %c0_i32 = arith.constant 0 : i32
    %c0_i32_0 = arith.constant 0 : i32
    %c0_i32_1 = arith.constant 0 : i32
    return %arg0, %c0_i32, %c0_i32_0 : i32, i32, i32
  }
  func.func @transform_4(%arg0: i32) -> (i32, i32, i32) {
    %c0_i32 = arith.constant 0 : i32
    %c0_i32_0 = arith.constant 0 : i32
    %c0_i32_1 = arith.constant 0 : i32
    return %arg0, %c0_i32, %c0_i32_0 : i32, i32, i32
  }
  func.func @transform_5(%arg0: i32) -> (i32, i32) {
    %c0_i32 = arith.constant 0 : i32
    %c0_i32_0 = arith.constant 0 : i32
    %c0_i32_1 = arith.constant 0 : i32
    return %c0_i32, %c0_i32_0 : i32, i32
  }
  func.func @transform_6(%arg0: i32) -> (i32, i32) {
    %c0_i32 = arith.constant 0 : i32
    %c0_i32_0 = arith.constant 0 : i32
    %c0_i32_1 = arith.constant 0 : i32
    return %c0_i32, %c0_i32_0 : i32, i32
  }
  func.func @transform_7(%arg0: i32) -> (i32, i32) {
    %c0_i32 = arith.constant 0 : i32
    %c0_i32_0 = arith.constant 0 : i32
    %c0_i32_1 = arith.constant 0 : i32
    return %c0_i32, %c0_i32_0 : i32, i32
  }
  func.func @transform_8(%arg0: i32) -> (i32, i32) {
    %c0_i32 = arith.constant 0 : i32
    %c0_i32_0 = arith.constant 0 : i32
    %c0_i32_1 = arith.constant 0 : i32
    return %c0_i32, %c0_i32_0 : i32, i32
  }
  func.func @transform_9(%arg0: i32) -> (i32, i32) {
    %c0_i32 = arith.constant 0 : i32
    %c0_i32_0 = arith.constant 0 : i32
    %c0_i32_1 = arith.constant 0 : i32
    return %c0_i32, %c0_i32_0 : i32, i32
  }
  func.func @transform_10(%arg0: i32) -> (i32, i32) {
    %c0_i32 = arith.constant 0 : i32
    %c0_i32_0 = arith.constant 0 : i32
    %c0_i32_1 = arith.constant 0 : i32
    return %c0_i32, %c0_i32_0 : i32, i32
  }
  func.func @transform_11(%arg0: i32) -> (i32, i32) {
    %c0_i32 = arith.constant 0 : i32
    %c0_i32_0 = arith.constant 0 : i32
    %c0_i32_1 = arith.constant 0 : i32
    return %c0_i32, %c0_i32_0 : i32, i32
  }
  func.func @transform_12(%arg0: i32) -> (i32, i32) {
    %c0_i32 = arith.constant 0 : i32
    %c0_i32_0 = arith.constant 0 : i32
    %c0_i32_1 = arith.constant 0 : i32
    return %c0_i32, %c0_i32_0 : i32, i32
  }
  func.func @transform_13(%arg0: i32) -> (i32, i32, i32) {
    %c0_i32 = arith.constant 0 : i32
    %c0_i32_0 = arith.constant 0 : i32
    %c0_i32_1 = arith.constant 0 : i32
    return %arg0, %c0_i32, %c0_i32_0 : i32, i32, i32
  }
}

module attributes {stable_mosaic.version = 14 : i64} {
  func.func @_tc_b_body(%arg0: i32, %arg1: memref<32x2048x128xf32, #tpu.memory_space<any>>, %arg2: memref<2048x128xf32, #tpu.memory_space<vmem>>, %arg3: memref<16384x128xf32, #tpu.memory_space<vmem>>, %arg4: memref<4x8x512xi32, #tpu.memory_space<vmem>>, %arg5: memref<256x128xf32, #tpu.memory_space<vmem>>, %arg6: memref<1x128xf32, #tpu.memory_space<vmem>>, %arg7: memref<4x512x128xf32, #tpu.memory_space<vmem>>) attributes {dimension_semantics = [#tpu.dimension_semantics<arbitrary>], iteration_bounds = array<i64: 8>, scalar_prefetch = 0 : i64, scratch_operands = 0 : i64, tpu.core_type = #tpu.core_type<tc>, window_params = [{}, {transform_indices = @transform_1, window_bounds = array<i64: 2048, 128>}, {transform_indices = @transform_2, window_bounds = array<i64: 16384, 128>}, {transform_indices = @transform_3, window_bounds = array<i64: 4, 8, 512>}, {pipeline_mode = #tpu.pipeline_mode<synchronous>, transform_indices = @transform_4, window_bounds = array<i64: 256, 128>}, {pipeline_mode = #tpu.pipeline_mode<synchronous>, transform_indices = @transform_5, window_bounds = array<i64: 1, 128>}, {transform_indices = @transform_6, window_bounds = array<i64: 4, 512, 128>}]} {
    %get3A = arith.constant 0 : index
    %get3A_0 = arith.constant 0 : index
    %get3A_1 = vector.load %arg2[%get3A, %get3A_0] : memref<2048x128xf32, #tpu.memory_space<vmem>>, vector<512x128xf32>
    %get3A_2 = arith.constant 0 : index
    %get3A_3 = arith.constant 0 : index
    %get3A_4 = vector.load %arg3[%get3A_2, %get3A_3] : memref<16384x128xf32, #tpu.memory_space<vmem>>, vector<4096x128xf32>
    %get3A_5 = arith.constant 0 : index
    %get3A_6 = arith.constant 0 : index
    %get3A_7 = arith.constant 0 : index
    %get3A_8 = vector.load %arg4[%get3A_5, %get3A_6, %get3A_7] : memref<4x8x512xi32, #tpu.memory_space<vmem>>, vector<1x8x512xi32>
    %get3A_9 = vector.shape_cast %get3A_8 : vector<1x8x512xi32> to vector<8x512xi32>
    %ne3A = arith.constant 1 : i32
    %ne3A_10 = vector.broadcast %ne3A : i32 to vector<8x512xi32>
    %ne3A_11 = arith.cmpi ne, %get3A_9, %ne3A_10 : vector<8x512xi32>
    %convert_element_type3A = arith.extui %ne3A_11 : vector<8x512xi1> to vector<8x512xi32>
    %convert_element_type3A_12 = arith.sitofp %convert_element_type3A : vector<8x512xi32> to vector<8x512xf32>
    %reduce_sum3A = arith.constant dense<0.000000e+00> : vector<512xf32>
    %reduce_sum3A_13 = vector.multi_reduction <add>, %convert_element_type3A_12, %reduce_sum3A [0] : vector<8x512xf32> to vector<512xf32>
    %broadcast_in_dim3A = vector.shape_cast %reduce_sum3A_13 : vector<512xf32> to vector<1x512xf32>
    %eq3A = arith.constant 0.000000e+00 : f32
    %eq3A_14 = vector.broadcast %eq3A : f32 to vector<1x512xf32>
    %eq3A_15 = arith.cmpf oeq, %broadcast_in_dim3A, %eq3A_14 : vector<1x512xf32>
    %eq3A_16 = arith.constant 0.000000e+00 : f32
    %eq3A_17 = vector.broadcast %eq3A_16 : f32 to vector<1x512xf32>
    %eq3A_18 = arith.cmpf oeq, %broadcast_in_dim3A, %eq3A_17 : vector<1x512xf32>
    %jit3A = arith.constant 1.000000e+00 : f32
    %broadcast_in_dim3A_19 = vector.broadcast %jit3A : f32 to vector<1x512xf32>
    %select_n3A = arith.select %eq3A_18, %broadcast_in_dim3A_19, %broadcast_in_dim3A : vector<1x512xi1>, vector<1x512xf32>
    %div3A = arith.constant 1.000000e+00 : f32
    %div3A_20 = vector.broadcast %div3A : f32 to vector<1x512xf32>
    %div3A_21 = arith.divf %div3A_20, %select_n3A : vector<1x512xf32>
    %jit3A_22 = arith.constant 0.000000e+00 : f32
    %broadcast_in_dim3A_23 = vector.broadcast %jit3A_22 : f32 to vector<1x512xf32>
    %select_n3A_24 = arith.select %eq3A_15, %broadcast_in_dim3A_23, %div3A_21 : vector<1x512xi1>, vector<1x512xf32>
    %transpose3A = tpu.transpose %select_n3A_24, [1, 0] : vector<1x512xf32> -> vector<512x1xf32>
    %broadcast_in_dim3A_25 = arith.constant 1.000000e+00 : f32
    %broadcast_in_dim3A_26 = vector.broadcast %broadcast_in_dim3A_25 : f32 to vector<1x128xf32>
    %dot_general3A = arith.constant dense<0.000000e+00> : vector<512x128xf32>
    %dot_general3A_27 = tpu.matmul %transpose3A, %broadcast_in_dim3A_26, %dot_general3A {dimension_numbers = #tpu.dot_dimension_numbers<[1], [0], [0], [1], [0, 0, 1, 1], [], []>, transpose_lhs_hint = false} : vector<512x1xf32>, vector<1x128xf32>, vector<512x128xf32> -> vector<512x128xf32>
    %transpose3A_28 = tpu.transpose %convert_element_type3A_12, [1, 0] : vector<8x512xf32> -> vector<512x8xf32>
    %iota3A = tpu.iota {dimensions = array<i32: 0>} : vector<8x1024xi32>
    %iota3A_29 = tpu.iota {dimensions = array<i32: 1>} : vector<8x1024xi32>
    %jit3A_30 = arith.constant 128 : i32
    %div3A_31 = vector.broadcast %jit3A_30 : i32 to vector<8x1024xi32>
    %div3A_32 = arith.divsi %iota3A_29, %div3A_31 : vector<8x1024xi32>
    %sign3A = arith.constant 0 : i32
    %sign3A_33 = vector.broadcast %sign3A : i32 to vector<8x1024xi32>
    %sign3A_34 = arith.cmpi sgt, %iota3A_29, %sign3A_33 : vector<8x1024xi32>
    %sign3A_35 = arith.extui %sign3A_34 : vector<8x1024xi1> to vector<8x1024xi32>
    %sign3A_36 = arith.constant 0 : i32
    %sign3A_37 = vector.broadcast %sign3A_36 : i32 to vector<8x1024xi32>
    %sign3A_38 = arith.cmpi slt, %iota3A_29, %sign3A_37 : vector<8x1024xi32>
    %sign3A_39 = arith.extui %sign3A_38 : vector<8x1024xi1> to vector<8x1024xi32>
    %sign3A_40 = arith.subi %sign3A_35, %sign3A_39 : vector<8x1024xi32>
    %sign3A_41 = arith.constant 0 : i32
    %sign3A_42 = arith.cmpi sgt, %jit3A_30, %sign3A_41 : i32
    %sign3A_43 = arith.extui %sign3A_42 : i1 to i32
    %sign3A_44 = arith.constant 0 : i32
    %sign3A_45 = arith.cmpi slt, %jit3A_30, %sign3A_44 : i32
    %sign3A_46 = arith.extui %sign3A_45 : i1 to i32
    %sign3A_47 = arith.subi %sign3A_43, %sign3A_46 : i32
    %ne3A_48 = vector.broadcast %sign3A_47 : i32 to vector<8x1024xi32>
    %ne3A_49 = arith.cmpi ne, %sign3A_40, %ne3A_48 : vector<8x1024xi32>
    %rem3A = vector.broadcast %jit3A_30 : i32 to vector<8x1024xi32>
    %rem3A_50 = arith.remsi %iota3A_29, %rem3A : vector<8x1024xi32>
    %ne3A_51 = arith.constant 0 : i32
    %ne3A_52 = vector.broadcast %ne3A_51 : i32 to vector<8x1024xi32>
    %ne3A_53 = arith.cmpi ne, %rem3A_50, %ne3A_52 : vector<8x1024xi32>
    %and3A = arith.andi %ne3A_49, %ne3A_53 : vector<8x1024xi1>
    %sub3A = arith.constant 1 : i32
    %sub3A_54 = vector.broadcast %sub3A : i32 to vector<8x1024xi32>
    %sub3A_55 = arith.subi %div3A_32, %sub3A_54 : vector<8x1024xi32>
    %select_n3A_56 = arith.select %and3A, %sub3A_55, %div3A_32 : vector<8x1024xi1>, vector<8x1024xi32>
    %eq3A_57 = arith.cmpi eq, %iota3A, %select_n3A_56 : vector<8x1024xi32>
    %convert_element_type3A_58 = arith.extui %eq3A_57 : vector<8x1024xi1> to vector<8x1024xi32>
    %convert_element_type3A_59 = arith.sitofp %convert_element_type3A_58 : vector<8x1024xi32> to vector<8x1024xf32>
    %dot_general3A_60 = arith.constant dense<0.000000e+00> : vector<512x1024xf32>
    %dot_general3A_61 = tpu.matmul %transpose3A_28, %convert_element_type3A_59, %dot_general3A_60 {dimension_numbers = #tpu.dot_dimension_numbers<[1], [0], [0], [1], [0, 0, 1, 1], [], []>, transpose_lhs_hint = false} : vector<512x8xf32>, vector<8x1024xf32>, vector<512x1024xf32> -> vector<512x1024xf32>
    %get3A_62 = arith.constant 0 : index
    %get3A_63 = arith.constant 0 : index
    %get3A_64 = vector.load %arg5[%get3A_62, %get3A_63] : memref<256x128xf32, #tpu.memory_space<vmem>>, vector<128x128xf32>
    %dot_general3A_65 = arith.constant dense<0.000000e+00> : vector<512x128xf32>
    %dot_general3A_66 = tpu.matmul %get3A_1, %get3A_64, %dot_general3A_65 {dimension_numbers = #tpu.dot_dimension_numbers<[1], [0], [0], [1], [0, 0, 1, 1], [], []>, transpose_lhs_hint = false} : vector<512x128xf32>, vector<128x128xf32>, vector<512x128xf32> -> vector<512x128xf32>
    %get3A_67 = arith.constant 0 : index
    %get3A_68 = arith.constant 0 : index
    %get3A_69 = vector.load %arg6[%get3A_67, %get3A_68] : memref<1x128xf32, #tpu.memory_space<vmem>>, vector<1x128xf32>
    %add3A = vector.broadcast %get3A_69 : vector<1x128xf32> to vector<512x128xf32>
    %add3A_70 = arith.addf %dot_general3A_66, %add3A : vector<512x128xf32>
    %get3A_71 = arith.constant 128 : index
    %get3A_72 = arith.constant 0 : index
    %get3A_73 = vector.load %arg5[%get3A_71, %get3A_72] : memref<256x128xf32, #tpu.memory_space<vmem>>, vector<128x128xf32>
    %dot_general3A_74 = arith.constant dense<0.000000e+00> : vector<4096x128xf32>
    %dot_general3A_75 = tpu.matmul %get3A_4, %get3A_73, %dot_general3A_74 {dimension_numbers = #tpu.dot_dimension_numbers<[1], [0], [0], [1], [0, 0, 1, 1], [], []>, transpose_lhs_hint = false} : vector<4096x128xf32>, vector<128x128xf32>, vector<4096x128xf32> -> vector<4096x128xf32>
    %broadcast_in_dim3A_76 = arith.constant 0.000000e+00 : f32
    %broadcast_in_dim3A_77 = vector.broadcast %broadcast_in_dim3A_76 : f32 to vector<512x128xf32>
    %slice3A = vector.extract_strided_slice %dot_general3A_75 {offsets = [0, 0], sizes = [512, 128], strides = [1, 1]} : vector<4096x128xf32> to vector<512x128xf32>
    %slice3A_78 = vector.extract_strided_slice %dot_general3A_61 {offsets = [0, 0], sizes = [512, 128], strides = [1, 1]} : vector<512x1024xf32> to vector<512x128xf32>
    %add3A_79 = arith.addf %slice3A, %add3A_70 : vector<512x128xf32>
    %max3A = arith.constant 0.000000e+00 : f32
    %max3A_80 = vector.broadcast %max3A : f32 to vector<512x128xf32>
    %max3A_81 = arith.maximumf %add3A_79, %max3A_80 : vector<512x128xf32>
    %mul3A = arith.mulf %max3A_81, %slice3A_78 : vector<512x128xf32>
    %add3A_82 = arith.addf %broadcast_in_dim3A_77, %mul3A : vector<512x128xf32>
    %slice3A_83 = vector.extract_strided_slice %dot_general3A_75 {offsets = [512, 0], sizes = [512, 128], strides = [1, 1]} : vector<4096x128xf32> to vector<512x128xf32>
    %slice3A_84 = vector.extract_strided_slice %dot_general3A_61 {offsets = [0, 128], sizes = [512, 128], strides = [1, 1]} : vector<512x1024xf32> to vector<512x128xf32>
    %add3A_85 = arith.addf %slice3A_83, %add3A_70 : vector<512x128xf32>
    %max3A_86 = arith.constant 0.000000e+00 : f32
    %max3A_87 = vector.broadcast %max3A_86 : f32 to vector<512x128xf32>
    %max3A_88 = arith.maximumf %add3A_85, %max3A_87 : vector<512x128xf32>
    %mul3A_89 = arith.mulf %max3A_88, %slice3A_84 : vector<512x128xf32>
    %add3A_90 = arith.addf %add3A_82, %mul3A_89 : vector<512x128xf32>
    %slice3A_91 = vector.extract_strided_slice %dot_general3A_75 {offsets = [1024, 0], sizes = [512, 128], strides = [1, 1]} : vector<4096x128xf32> to vector<512x128xf32>
    %slice3A_92 = vector.extract_strided_slice %dot_general3A_61 {offsets = [0, 256], sizes = [512, 128], strides = [1, 1]} : vector<512x1024xf32> to vector<512x128xf32>
    %add3A_93 = arith.addf %slice3A_91, %add3A_70 : vector<512x128xf32>
    %max3A_94 = arith.constant 0.000000e+00 : f32
    %max3A_95 = vector.broadcast %max3A_94 : f32 to vector<512x128xf32>
    %max3A_96 = arith.maximumf %add3A_93, %max3A_95 : vector<512x128xf32>
    %mul3A_97 = arith.mulf %max3A_96, %slice3A_92 : vector<512x128xf32>
    %add3A_98 = arith.addf %add3A_90, %mul3A_97 : vector<512x128xf32>
    %slice3A_99 = vector.extract_strided_slice %dot_general3A_75 {offsets = [1536, 0], sizes = [512, 128], strides = [1, 1]} : vector<4096x128xf32> to vector<512x128xf32>
    %slice3A_100 = vector.extract_strided_slice %dot_general3A_61 {offsets = [0, 384], sizes = [512, 128], strides = [1, 1]} : vector<512x1024xf32> to vector<512x128xf32>
    %add3A_101 = arith.addf %slice3A_99, %add3A_70 : vector<512x128xf32>
    %max3A_102 = arith.constant 0.000000e+00 : f32
    %max3A_103 = vector.broadcast %max3A_102 : f32 to vector<512x128xf32>
    %max3A_104 = arith.maximumf %add3A_101, %max3A_103 : vector<512x128xf32>
    %mul3A_105 = arith.mulf %max3A_104, %slice3A_100 : vector<512x128xf32>
    %add3A_106 = arith.addf %add3A_98, %mul3A_105 : vector<512x128xf32>
    %slice3A_107 = vector.extract_strided_slice %dot_general3A_75 {offsets = [2048, 0], sizes = [512, 128], strides = [1, 1]} : vector<4096x128xf32> to vector<512x128xf32>
    %slice3A_108 = vector.extract_strided_slice %dot_general3A_61 {offsets = [0, 512], sizes = [512, 128], strides = [1, 1]} : vector<512x1024xf32> to vector<512x128xf32>
    %add3A_109 = arith.addf %slice3A_107, %add3A_70 : vector<512x128xf32>
    %max3A_110 = arith.constant 0.000000e+00 : f32
    %max3A_111 = vector.broadcast %max3A_110 : f32 to vector<512x128xf32>
    %max3A_112 = arith.maximumf %add3A_109, %max3A_111 : vector<512x128xf32>
    %mul3A_113 = arith.mulf %max3A_112, %slice3A_108 : vector<512x128xf32>
    %add3A_114 = arith.addf %add3A_106, %mul3A_113 : vector<512x128xf32>
    %slice3A_115 = vector.extract_strided_slice %dot_general3A_75 {offsets = [2560, 0], sizes = [512, 128], strides = [1, 1]} : vector<4096x128xf32> to vector<512x128xf32>
    %slice3A_116 = vector.extract_strided_slice %dot_general3A_61 {offsets = [0, 640], sizes = [512, 128], strides = [1, 1]} : vector<512x1024xf32> to vector<512x128xf32>
    %add3A_117 = arith.addf %slice3A_115, %add3A_70 : vector<512x128xf32>
    %max3A_118 = arith.constant 0.000000e+00 : f32
    %max3A_119 = vector.broadcast %max3A_118 : f32 to vector<512x128xf32>
    %max3A_120 = arith.maximumf %add3A_117, %max3A_119 : vector<512x128xf32>
    %mul3A_121 = arith.mulf %max3A_120, %slice3A_116 : vector<512x128xf32>
    %add3A_122 = arith.addf %add3A_114, %mul3A_121 : vector<512x128xf32>
    %slice3A_123 = vector.extract_strided_slice %dot_general3A_75 {offsets = [3072, 0], sizes = [512, 128], strides = [1, 1]} : vector<4096x128xf32> to vector<512x128xf32>
    %slice3A_124 = vector.extract_strided_slice %dot_general3A_61 {offsets = [0, 768], sizes = [512, 128], strides = [1, 1]} : vector<512x1024xf32> to vector<512x128xf32>
    %add3A_125 = arith.addf %slice3A_123, %add3A_70 : vector<512x128xf32>
    %max3A_126 = arith.constant 0.000000e+00 : f32
    %max3A_127 = vector.broadcast %max3A_126 : f32 to vector<512x128xf32>
    %max3A_128 = arith.maximumf %add3A_125, %max3A_127 : vector<512x128xf32>
    %mul3A_129 = arith.mulf %max3A_128, %slice3A_124 : vector<512x128xf32>
    %add3A_130 = arith.addf %add3A_122, %mul3A_129 : vector<512x128xf32>
    %slice3A_131 = vector.extract_strided_slice %dot_general3A_75 {offsets = [3584, 0], sizes = [512, 128], strides = [1, 1]} : vector<4096x128xf32> to vector<512x128xf32>
    %slice3A_132 = vector.extract_strided_slice %dot_general3A_61 {offsets = [0, 896], sizes = [512, 128], strides = [1, 1]} : vector<512x1024xf32> to vector<512x128xf32>
    %add3A_133 = arith.addf %slice3A_131, %add3A_70 : vector<512x128xf32>
    %max3A_134 = arith.constant 0.000000e+00 : f32
    %max3A_135 = vector.broadcast %max3A_134 : f32 to vector<512x128xf32>
    %max3A_136 = arith.maximumf %add3A_133, %max3A_135 : vector<512x128xf32>
    %mul3A_137 = arith.mulf %max3A_136, %slice3A_132 : vector<512x128xf32>
    %add3A_138 = arith.addf %add3A_130, %mul3A_137 : vector<512x128xf32>
    %mul3A_139 = arith.mulf %add3A_138, %dot_general3A_27 : vector<512x128xf32>
    %swap3A = arith.constant 0 : index
    %swap3A_140 = arith.constant 0 : index
    %swap3A_141 = arith.constant 0 : index
    %swap3A_142 = vector.load %arg7[%swap3A, %swap3A_140, %swap3A_141] : memref<4x512x128xf32, #tpu.memory_space<vmem>>, vector<1x512x128xf32>
    %swap3A_143 = vector.shape_cast %swap3A_142 : vector<1x512x128xf32> to vector<512x128xf32>
    %swap3A_144 = vector.shape_cast %mul3A_139 : vector<512x128xf32> to vector<1x512x128xf32>
    tpu.vector_store %arg7[%swap3A, %swap3A_140, %swap3A_141], %swap3A_144 {strides = array<i32>} : memref<4x512x128xf32, #tpu.memory_space<vmem>>, vector<1x512x128xf32>,
    %get3A_145 = arith.constant 512 : index
    %get3A_146 = arith.constant 0 : index
    %get3A_147 = vector.load %arg2[%get3A_145, %get3A_146] : memref<2048x128xf32, #tpu.memory_space<vmem>>, vector<512x128xf32>
    %get3A_148 = arith.constant 4096 : index
    %get3A_149 = arith.constant 0 : index
    %get3A_150 = vector.load %arg3[%get3A_148, %get3A_149] : memref<16384x128xf32, #tpu.memory_space<vmem>>, vector<4096x128xf32>
    %get3A_151 = arith.constant 1 : index
    %get3A_152 = arith.constant 0 : index
    %get3A_153 = arith.constant 0 : index
    %get3A_154 = vector.load %arg4[%get3A_151, %get3A_152, %get3A_153] : memref<4x8x512xi32, #tpu.memory_space<vmem>>, vector<1x8x512xi32>
    %get3A_155 = vector.shape_cast %get3A_154 : vector<1x8x512xi32> to vector<8x512xi32>
    %ne3A_156 = arith.constant 1 : i32
    %ne3A_157 = vector.broadcast %ne3A_156 : i32 to vector<8x512xi32>
    %ne3A_158 = arith.cmpi ne, %get3A_155, %ne3A_157 : vector<8x512xi32>
    %convert_element_type3A_159 = arith.extui %ne3A_158 : vector<8x512xi1> to vector<8x512xi32>
    %convert_element_type3A_160 = arith.sitofp %convert_element_type3A_159 : vector<8x512xi32> to vector<8x512xf32>
    %reduce_sum3A_161 = arith.constant dense<0.000000e+00> : vector<512xf32>
    %reduce_sum3A_162 = vector.multi_reduction <add>, %convert_element_type3A_160, %reduce_sum3A_161 [0] : vector<8x512xf32> to vector<512xf32>
    %broadcast_in_dim3A_163 = vector.shape_cast %reduce_sum3A_162 : vector<512xf32> to vector<1x512xf32>
    %eq3A_164 = arith.constant 0.000000e+00 : f32
    %eq3A_165 = vector.broadcast %eq3A_164 : f32 to vector<1x512xf32>
    %eq3A_166 = arith.cmpf oeq, %broadcast_in_dim3A_163, %eq3A_165 : vector<1x512xf32>
    %eq3A_167 = arith.constant 0.000000e+00 : f32
    %eq3A_168 = vector.broadcast %eq3A_167 : f32 to vector<1x512xf32>
    %eq3A_169 = arith.cmpf oeq, %broadcast_in_dim3A_163, %eq3A_168 : vector<1x512xf32>
    %jit3A_170 = arith.constant 1.000000e+00 : f32
    %broadcast_in_dim3A_171 = vector.broadcast %jit3A_170 : f32 to vector<1x512xf32>
    %select_n3A_172 = arith.select %eq3A_169, %broadcast_in_dim3A_171, %broadcast_in_dim3A_163 : vector<1x512xi1>, vector<1x512xf32>
    %div3A_173 = arith.constant 1.000000e+00 : f32
    %div3A_174 = vector.broadcast %div3A_173 : f32 to vector<1x512xf32>
    %div3A_175 = arith.divf %div3A_174, %select_n3A_172 : vector<1x512xf32>
    %jit3A_176 = arith.constant 0.000000e+00 : f32
    %broadcast_in_dim3A_177 = vector.broadcast %jit3A_176 : f32 to vector<1x512xf32>
    %select_n3A_178 = arith.select %eq3A_166, %broadcast_in_dim3A_177, %div3A_175 : vector<1x512xi1>, vector<1x512xf32>
    %transpose3A_179 = tpu.transpose %select_n3A_178, [1, 0] : vector<1x512xf32> -> vector<512x1xf32>
    %broadcast_in_dim3A_180 = arith.constant 1.000000e+00 : f32
    %broadcast_in_dim3A_181 = vector.broadcast %broadcast_in_dim3A_180 : f32 to vector<1x128xf32>
    %dot_general3A_182 = arith.constant dense<0.000000e+00> : vector<512x128xf32>
    %dot_general3A_183 = tpu.matmul %transpose3A_179, %broadcast_in_dim3A_181, %dot_general3A_182 {dimension_numbers = #tpu.dot_dimension_numbers<[1], [0], [0], [1], [0, 0, 1, 1], [], []>, transpose_lhs_hint = false} : vector<512x1xf32>, vector<1x128xf32>, vector<512x128xf32> -> vector<512x128xf32>
    %transpose3A_184 = tpu.transpose %convert_element_type3A_160, [1, 0] : vector<8x512xf32> -> vector<512x8xf32>
    %iota3A_185 = tpu.iota {dimensions = array<i32: 0>} : vector<8x1024xi32>
    %iota3A_186 = tpu.iota {dimensions = array<i32: 1>} : vector<8x1024xi32>
    %jit3A_187 = arith.constant 128 : i32
    %div3A_188 = vector.broadcast %jit3A_187 : i32 to vector<8x1024xi32>
    %div3A_189 = arith.divsi %iota3A_186, %div3A_188 : vector<8x1024xi32>
    %sign3A_190 = arith.constant 0 : i32
    %sign3A_191 = vector.broadcast %sign3A_190 : i32 to vector<8x1024xi32>
    %sign3A_192 = arith.cmpi sgt, %iota3A_186, %sign3A_191 : vector<8x1024xi32>
    %sign3A_193 = arith.extui %sign3A_192 : vector<8x1024xi1> to vector<8x1024xi32>
    %sign3A_194 = arith.constant 0 : i32
    %sign3A_195 = vector.broadcast %sign3A_194 : i32 to vector<8x1024xi32>
    %sign3A_196 = arith.cmpi slt, %iota3A_186, %sign3A_195 : vector<8x1024xi32>
    %sign3A_197 = arith.extui %sign3A_196 : vector<8x1024xi1> to vector<8x1024xi32>
    %sign3A_198 = arith.subi %sign3A_193, %sign3A_197 : vector<8x1024xi32>
    %sign3A_199 = arith.constant 0 : i32
    %sign3A_200 = arith.cmpi sgt, %jit3A_187, %sign3A_199 : i32
    %sign3A_201 = arith.extui %sign3A_200 : i1 to i32
    %sign3A_202 = arith.constant 0 : i32
    %sign3A_203 = arith.cmpi slt, %jit3A_187, %sign3A_202 : i32
    %sign3A_204 = arith.extui %sign3A_203 : i1 to i32
    %sign3A_205 = arith.subi %sign3A_201, %sign3A_204 : i32
    %ne3A_206 = vector.broadcast %sign3A_205 : i32 to vector<8x1024xi32>
    %ne3A_207 = arith.cmpi ne, %sign3A_198, %ne3A_206 : vector<8x1024xi32>
    %rem3A_208 = vector.broadcast %jit3A_187 : i32 to vector<8x1024xi32>
    %rem3A_209 = arith.remsi %iota3A_186, %rem3A_208 : vector<8x1024xi32>
    %ne3A_210 = arith.constant 0 : i32
    %ne3A_211 = vector.broadcast %ne3A_210 : i32 to vector<8x1024xi32>
    %ne3A_212 = arith.cmpi ne, %rem3A_209, %ne3A_211 : vector<8x1024xi32>
    %and3A_213 = arith.andi %ne3A_207, %ne3A_212 : vector<8x1024xi1>
    %sub3A_214 = arith.constant 1 : i32
    %sub3A_215 = vector.broadcast %sub3A_214 : i32 to vector<8x1024xi32>
    %sub3A_216 = arith.subi %div3A_189, %sub3A_215 : vector<8x1024xi32>
    %select_n3A_217 = arith.select %and3A_213, %sub3A_216, %div3A_189 : vector<8x1024xi1>, vector<8x1024xi32>
    %eq3A_218 = arith.cmpi eq, %iota3A_185, %select_n3A_217 : vector<8x1024xi32>
    %convert_element_type3A_219 = arith.extui %eq3A_218 : vector<8x1024xi1> to vector<8x1024xi32>
    %convert_element_type3A_220 = arith.sitofp %convert_element_type3A_219 : vector<8x1024xi32> to vector<8x1024xf32>
    %dot_general3A_221 = arith.constant dense<0.000000e+00> : vector<512x1024xf32>
    %dot_general3A_222 = tpu.matmul %transpose3A_184, %convert_element_type3A_220, %dot_general3A_221 {dimension_numbers = #tpu.dot_dimension_numbers<[1], [0], [0], [1], [0, 0, 1, 1], [], []>, transpose_lhs_hint = false} : vector<512x8xf32>, vector<8x1024xf32>, vector<512x1024xf32> -> vector<512x1024xf32>
    %get3A_223 = arith.constant 0 : index
    %get3A_224 = arith.constant 0 : index
    %get3A_225 = vector.load %arg5[%get3A_223, %get3A_224] : memref<256x128xf32, #tpu.memory_space<vmem>>, vector<128x128xf32>
    %dot_general3A_226 = arith.constant dense<0.000000e+00> : vector<512x128xf32>
    %dot_general3A_227 = tpu.matmul %get3A_147, %get3A_225, %dot_general3A_226 {dimension_numbers = #tpu.dot_dimension_numbers<[1], [0], [0], [1], [0, 0, 1, 1], [], []>, transpose_lhs_hint = false} : vector<512x128xf32>, vector<128x128xf32>, vector<512x128xf32> -> vector<512x128xf32>
    %get3A_228 = arith.constant 0 : index
    %get3A_229 = arith.constant 0 : index
    %get3A_230 = vector.load %arg6[%get3A_228, %get3A_229] : memref<1x128xf32, #tpu.memory_space<vmem>>, vector<1x128xf32>
    %add3A_231 = vector.broadcast %get3A_230 : vector<1x128xf32> to vector<512x128xf32>
    %add3A_232 = arith.addf %dot_general3A_227, %add3A_231 : vector<512x128xf32>
    %get3A_233 = arith.constant 128 : index
    %get3A_234 = arith.constant 0 : index
    %get3A_235 = vector.load %arg5[%get3A_233, %get3A_234] : memref<256x128xf32, #tpu.memory_space<vmem>>, vector<128x128xf32>
    %dot_general3A_236 = arith.constant dense<0.000000e+00> : vector<4096x128xf32>
    %dot_general3A_237 = tpu.matmul %get3A_150, %get3A_235, %dot_general3A_236 {dimension_numbers = #tpu.dot_dimension_numbers<[1], [0], [0], [1], [0, 0, 1, 1], [], []>, transpose_lhs_hint = false} : vector<4096x128xf32>, vector<128x128xf32>, vector<4096x128xf32> -> vector<4096x128xf32>
    %broadcast_in_dim3A_238 = arith.constant 0.000000e+00 : f32
    %broadcast_in_dim3A_239 = vector.broadcast %broadcast_in_dim3A_238 : f32 to vector<512x128xf32>
    %slice3A_240 = vector.extract_strided_slice %dot_general3A_237 {offsets = [0, 0], sizes = [512, 128], strides = [1, 1]} : vector<4096x128xf32> to vector<512x128xf32>
    %slice3A_241 = vector.extract_strided_slice %dot_general3A_222 {offsets = [0, 0], sizes = [512, 128], strides = [1, 1]} : vector<512x1024xf32> to vector<512x128xf32>
    %add3A_242 = arith.addf %slice3A_240, %add3A_232 : vector<512x128xf32>
    %max3A_243 = arith.constant 0.000000e+00 : f32
    %max3A_244 = vector.broadcast %max3A_243 : f32 to vector<512x128xf32>
    %max3A_245 = arith.maximumf %add3A_242, %max3A_244 : vector<512x128xf32>
    %mul3A_246 = arith.mulf %max3A_245, %slice3A_241 : vector<512x128xf32>
    %add3A_247 = arith.addf %broadcast_in_dim3A_239, %mul3A_246 : vector<512x128xf32>
    %slice3A_248 = vector.extract_strided_slice %dot_general3A_237 {offsets = [512, 0], sizes = [512, 128], strides = [1, 1]} : vector<4096x128xf32> to vector<512x128xf32>
    %slice3A_249 = vector.extract_strided_slice %dot_general3A_222 {offsets = [0, 128], sizes = [512, 128], strides = [1, 1]} : vector<512x1024xf32> to vector<512x128xf32>
    %add3A_250 = arith.addf %slice3A_248, %add3A_232 : vector<512x128xf32>
    %max3A_251 = arith.constant 0.000000e+00 : f32
    %max3A_252 = vector.broadcast %max3A_251 : f32 to vector<512x128xf32>
    %max3A_253 = arith.maximumf %add3A_250, %max3A_252 : vector<512x128xf32>
    %mul3A_254 = arith.mulf %max3A_253, %slice3A_249 : vector<512x128xf32>
    %add3A_255 = arith.addf %add3A_247, %mul3A_254 : vector<512x128xf32>
    %slice3A_256 = vector.extract_strided_slice %dot_general3A_237 {offsets = [1024, 0], sizes = [512, 128], strides = [1, 1]} : vector<4096x128xf32> to vector<512x128xf32>
    %slice3A_257 = vector.extract_strided_slice %dot_general3A_222 {offsets = [0, 256], sizes = [512, 128], strides = [1, 1]} : vector<512x1024xf32> to vector<512x128xf32>
    %add3A_258 = arith.addf %slice3A_256, %add3A_232 : vector<512x128xf32>
    %max3A_259 = arith.constant 0.000000e+00 : f32
    %max3A_260 = vector.broadcast %max3A_259 : f32 to vector<512x128xf32>
    %max3A_261 = arith.maximumf %add3A_258, %max3A_260 : vector<512x128xf32>
    %mul3A_262 = arith.mulf %max3A_261, %slice3A_257 : vector<512x128xf32>
    %add3A_263 = arith.addf %add3A_255, %mul3A_262 : vector<512x128xf32>
    %slice3A_264 = vector.extract_strided_slice %dot_general3A_237 {offsets = [1536, 0], sizes = [512, 128], strides = [1, 1]} : vector<4096x128xf32> to vector<512x128xf32>
    %slice3A_265 = vector.extract_strided_slice %dot_general3A_222 {offsets = [0, 384], sizes = [512, 128], strides = [1, 1]} : vector<512x1024xf32> to vector<512x128xf32>
    %add3A_266 = arith.addf %slice3A_264, %add3A_232 : vector<512x128xf32>
    %max3A_267 = arith.constant 0.000000e+00 : f32
    %max3A_268 = vector.broadcast %max3A_267 : f32 to vector<512x128xf32>
    %max3A_269 = arith.maximumf %add3A_266, %max3A_268 : vector<512x128xf32>
    %mul3A_270 = arith.mulf %max3A_269, %slice3A_265 : vector<512x128xf32>
    %add3A_271 = arith.addf %add3A_263, %mul3A_270 : vector<512x128xf32>
    %slice3A_272 = vector.extract_strided_slice %dot_general3A_237 {offsets = [2048, 0], sizes = [512, 128], strides = [1, 1]} : vector<4096x128xf32> to vector<512x128xf32>
    %slice3A_273 = vector.extract_strided_slice %dot_general3A_222 {offsets = [0, 512], sizes = [512, 128], strides = [1, 1]} : vector<512x1024xf32> to vector<512x128xf32>
    %add3A_274 = arith.addf %slice3A_272, %add3A_232 : vector<512x128xf32>
    %max3A_275 = arith.constant 0.000000e+00 : f32
    %max3A_276 = vector.broadcast %max3A_275 : f32 to vector<512x128xf32>
    %max3A_277 = arith.maximumf %add3A_274, %max3A_276 : vector<512x128xf32>
    %mul3A_278 = arith.mulf %max3A_277, %slice3A_273 : vector<512x128xf32>
    %add3A_279 = arith.addf %add3A_271, %mul3A_278 : vector<512x128xf32>
    %slice3A_280 = vector.extract_strided_slice %dot_general3A_237 {offsets = [2560, 0], sizes = [512, 128], strides = [1, 1]} : vector<4096x128xf32> to vector<512x128xf32>
    %slice3A_281 = vector.extract_strided_slice %dot_general3A_222 {offsets = [0, 640], sizes = [512, 128], strides = [1, 1]} : vector<512x1024xf32> to vector<512x128xf32>
    %add3A_282 = arith.addf %slice3A_280, %add3A_232 : vector<512x128xf32>
    %max3A_283 = arith.constant 0.000000e+00 : f32
    %max3A_284 = vector.broadcast %max3A_283 : f32 to vector<512x128xf32>
    %max3A_285 = arith.maximumf %add3A_282, %max3A_284 : vector<512x128xf32>
    %mul3A_286 = arith.mulf %max3A_285, %slice3A_281 : vector<512x128xf32>
    %add3A_287 = arith.addf %add3A_279, %mul3A_286 : vector<512x128xf32>
    %slice3A_288 = vector.extract_strided_slice %dot_general3A_237 {offsets = [3072, 0], sizes = [512, 128], strides = [1, 1]} : vector<4096x128xf32> to vector<512x128xf32>
    %slice3A_289 = vector.extract_strided_slice %dot_general3A_222 {offsets = [0, 768], sizes = [512, 128], strides = [1, 1]} : vector<512x1024xf32> to vector<512x128xf32>
    %add3A_290 = arith.addf %slice3A_288, %add3A_232 : vector<512x128xf32>
    %max3A_291 = arith.constant 0.000000e+00 : f32
    %max3A_292 = vector.broadcast %max3A_291 : f32 to vector<512x128xf32>
    %max3A_293 = arith.maximumf %add3A_290, %max3A_292 : vector<512x128xf32>
    %mul3A_294 = arith.mulf %max3A_293, %slice3A_289 : vector<512x128xf32>
    %add3A_295 = arith.addf %add3A_287, %mul3A_294 : vector<512x128xf32>
    %slice3A_296 = vector.extract_strided_slice %dot_general3A_237 {offsets = [3584, 0], sizes = [512, 128], strides = [1, 1]} : vector<4096x128xf32> to vector<512x128xf32>
    %slice3A_297 = vector.extract_strided_slice %dot_general3A_222 {offsets = [0, 896], sizes = [512, 128], strides = [1, 1]} : vector<512x1024xf32> to vector<512x128xf32>
    %add3A_298 = arith.addf %slice3A_296, %add3A_232 : vector<512x128xf32>
    %max3A_299 = arith.constant 0.000000e+00 : f32
    %max3A_300 = vector.broadcast %max3A_299 : f32 to vector<512x128xf32>
    %max3A_301 = arith.maximumf %add3A_298, %max3A_300 : vector<512x128xf32>
    %mul3A_302 = arith.mulf %max3A_301, %slice3A_297 : vector<512x128xf32>
    %add3A_303 = arith.addf %add3A_295, %mul3A_302 : vector<512x128xf32>
    %mul3A_304 = arith.mulf %add3A_303, %dot_general3A_183 : vector<512x128xf32>
    %swap3A_305 = arith.constant 1 : index
    %swap3A_306 = arith.constant 0 : index
    %swap3A_307 = arith.constant 0 : index
    %swap3A_308 = vector.load %arg7[%swap3A_305, %swap3A_306, %swap3A_307] : memref<4x512x128xf32, #tpu.memory_space<vmem>>, vector<1x512x128xf32>
    %swap3A_309 = vector.shape_cast %swap3A_308 : vector<1x512x128xf32> to vector<512x128xf32>
    %swap3A_310 = vector.shape_cast %mul3A_304 : vector<512x128xf32> to vector<1x512x128xf32>
    tpu.vector_store %arg7[%swap3A_305, %swap3A_306, %swap3A_307], %swap3A_310 {strides = array<i32>} : memref<4x512x128xf32, #tpu.memory_space<vmem>>, vector<1x512x128xf32>,
    %get3A_311 = arith.constant 1024 : index
    %get3A_312 = arith.constant 0 : index
    %get3A_313 = vector.load %arg2[%get3A_311, %get3A_312] : memref<2048x128xf32, #tpu.memory_space<vmem>>, vector<512x128xf32>
    %get3A_314 = arith.constant 8192 : index
    %get3A_315 = arith.constant 0 : index
    %get3A_316 = vector.load %arg3[%get3A_314, %get3A_315] : memref<16384x128xf32, #tpu.memory_space<vmem>>, vector<4096x128xf32>
    %get3A_317 = arith.constant 2 : index
    %get3A_318 = arith.constant 0 : index
    %get3A_319 = arith.constant 0 : index
    %get3A_320 = vector.load %arg4[%get3A_317, %get3A_318, %get3A_319] : memref<4x8x512xi32, #tpu.memory_space<vmem>>, vector<1x8x512xi32>
    %get3A_321 = vector.shape_cast %get3A_320 : vector<1x8x512xi32> to vector<8x512xi32>
    %ne3A_322 = arith.constant 1 : i32
    %ne3A_323 = vector.broadcast %ne3A_322 : i32 to vector<8x512xi32>
    %ne3A_324 = arith.cmpi ne, %get3A_321, %ne3A_323 : vector<8x512xi32>
    %convert_element_type3A_325 = arith.extui %ne3A_324 : vector<8x512xi1> to vector<8x512xi32>
    %convert_element_type3A_326 = arith.sitofp %convert_element_type3A_325 : vector<8x512xi32> to vector<8x512xf32>
    %reduce_sum3A_327 = arith.constant dense<0.000000e+00> : vector<512xf32>
    %reduce_sum3A_328 = vector.multi_reduction <add>, %convert_element_type3A_326, %reduce_sum3A_327 [0] : vector<8x512xf32> to vector<512xf32>
    %broadcast_in_dim3A_329 = vector.shape_cast %reduce_sum3A_328 : vector<512xf32> to vector<1x512xf32>
    %eq3A_330 = arith.constant 0.000000e+00 : f32
    %eq3A_331 = vector.broadcast %eq3A_330 : f32 to vector<1x512xf32>
    %eq3A_332 = arith.cmpf oeq, %broadcast_in_dim3A_329, %eq3A_331 : vector<1x512xf32>
    %eq3A_333 = arith.constant 0.000000e+00 : f32
    %eq3A_334 = vector.broadcast %eq3A_333 : f32 to vector<1x512xf32>
    %eq3A_335 = arith.cmpf oeq, %broadcast_in_dim3A_329, %eq3A_334 : vector<1x512xf32>
    %jit3A_336 = arith.constant 1.000000e+00 : f32
    %broadcast_in_dim3A_337 = vector.broadcast %jit3A_336 : f32 to vector<1x512xf32>
    %select_n3A_338 = arith.select %eq3A_335, %broadcast_in_dim3A_337, %broadcast_in_dim3A_329 : vector<1x512xi1>, vector<1x512xf32>
    %div3A_339 = arith.constant 1.000000e+00 : f32
    %div3A_340 = vector.broadcast %div3A_339 : f32 to vector<1x512xf32>
    %div3A_341 = arith.divf %div3A_340, %select_n3A_338 : vector<1x512xf32>
    %jit3A_342 = arith.constant 0.000000e+00 : f32
    %broadcast_in_dim3A_343 = vector.broadcast %jit3A_342 : f32 to vector<1x512xf32>
    %select_n3A_344 = arith.select %eq3A_332, %broadcast_in_dim3A_343, %div3A_341 : vector<1x512xi1>, vector<1x512xf32>
    %transpose3A_345 = tpu.transpose %select_n3A_344, [1, 0] : vector<1x512xf32> -> vector<512x1xf32>
    %broadcast_in_dim3A_346 = arith.constant 1.000000e+00 : f32
    %broadcast_in_dim3A_347 = vector.broadcast %broadcast_in_dim3A_346 : f32 to vector<1x128xf32>
    %dot_general3A_348 = arith.constant dense<0.000000e+00> : vector<512x128xf32>
    %dot_general3A_349 = tpu.matmul %transpose3A_345, %broadcast_in_dim3A_347, %dot_general3A_348 {dimension_numbers = #tpu.dot_dimension_numbers<[1], [0], [0], [1], [0, 0, 1, 1], [], []>, transpose_lhs_hint = false} : vector<512x1xf32>, vector<1x128xf32>, vector<512x128xf32> -> vector<512x128xf32>
    %transpose3A_350 = tpu.transpose %convert_element_type3A_326, [1, 0] : vector<8x512xf32> -> vector<512x8xf32>
    %iota3A_351 = tpu.iota {dimensions = array<i32: 0>} : vector<8x1024xi32>
    %iota3A_352 = tpu.iota {dimensions = array<i32: 1>} : vector<8x1024xi32>
    %jit3A_353 = arith.constant 128 : i32
    %div3A_354 = vector.broadcast %jit3A_353 : i32 to vector<8x1024xi32>
    %div3A_355 = arith.divsi %iota3A_352, %div3A_354 : vector<8x1024xi32>
    %sign3A_356 = arith.constant 0 : i32
    %sign3A_357 = vector.broadcast %sign3A_356 : i32 to vector<8x1024xi32>
    %sign3A_358 = arith.cmpi sgt, %iota3A_352, %sign3A_357 : vector<8x1024xi32>
    %sign3A_359 = arith.extui %sign3A_358 : vector<8x1024xi1> to vector<8x1024xi32>
    %sign3A_360 = arith.constant 0 : i32
    %sign3A_361 = vector.broadcast %sign3A_360 : i32 to vector<8x1024xi32>
    %sign3A_362 = arith.cmpi slt, %iota3A_352, %sign3A_361 : vector<8x1024xi32>
    %sign3A_363 = arith.extui %sign3A_362 : vector<8x1024xi1> to vector<8x1024xi32>
    %sign3A_364 = arith.subi %sign3A_359, %sign3A_363 : vector<8x1024xi32>
    %sign3A_365 = arith.constant 0 : i32
    %sign3A_366 = arith.cmpi sgt, %jit3A_353, %sign3A_365 : i32
    %sign3A_367 = arith.extui %sign3A_366 : i1 to i32
    %sign3A_368 = arith.constant 0 : i32
    %sign3A_369 = arith.cmpi slt, %jit3A_353, %sign3A_368 : i32
    %sign3A_370 = arith.extui %sign3A_369 : i1 to i32
    %sign3A_371 = arith.subi %sign3A_367, %sign3A_370 : i32
    %ne3A_372 = vector.broadcast %sign3A_371 : i32 to vector<8x1024xi32>
    %ne3A_373 = arith.cmpi ne, %sign3A_364, %ne3A_372 : vector<8x1024xi32>
    %rem3A_374 = vector.broadcast %jit3A_353 : i32 to vector<8x1024xi32>
    %rem3A_375 = arith.remsi %iota3A_352, %rem3A_374 : vector<8x1024xi32>
    %ne3A_376 = arith.constant 0 : i32
    %ne3A_377 = vector.broadcast %ne3A_376 : i32 to vector<8x1024xi32>
    %ne3A_378 = arith.cmpi ne, %rem3A_375, %ne3A_377 : vector<8x1024xi32>
    %and3A_379 = arith.andi %ne3A_373, %ne3A_378 : vector<8x1024xi1>
    %sub3A_380 = arith.constant 1 : i32
    %sub3A_381 = vector.broadcast %sub3A_380 : i32 to vector<8x1024xi32>
    %sub3A_382 = arith.subi %div3A_355, %sub3A_381 : vector<8x1024xi32>
    %select_n3A_383 = arith.select %and3A_379, %sub3A_382, %div3A_355 : vector<8x1024xi1>, vector<8x1024xi32>
    %eq3A_384 = arith.cmpi eq, %iota3A_351, %select_n3A_383 : vector<8x1024xi32>
    %convert_element_type3A_385 = arith.extui %eq3A_384 : vector<8x1024xi1> to vector<8x1024xi32>
    %convert_element_type3A_386 = arith.sitofp %convert_element_type3A_385 : vector<8x1024xi32> to vector<8x1024xf32>
    %dot_general3A_387 = arith.constant dense<0.000000e+00> : vector<512x1024xf32>
    %dot_general3A_388 = tpu.matmul %transpose3A_350, %convert_element_type3A_386, %dot_general3A_387 {dimension_numbers = #tpu.dot_dimension_numbers<[1], [0], [0], [1], [0, 0, 1, 1], [], []>, transpose_lhs_hint = false} : vector<512x8xf32>, vector<8x1024xf32>, vector<512x1024xf32> -> vector<512x1024xf32>
    %get3A_389 = arith.constant 0 : index
    %get3A_390 = arith.constant 0 : index
    %get3A_391 = vector.load %arg5[%get3A_389, %get3A_390] : memref<256x128xf32, #tpu.memory_space<vmem>>, vector<128x128xf32>
    %dot_general3A_392 = arith.constant dense<0.000000e+00> : vector<512x128xf32>
    %dot_general3A_393 = tpu.matmul %get3A_313, %get3A_391, %dot_general3A_392 {dimension_numbers = #tpu.dot_dimension_numbers<[1], [0], [0], [1], [0, 0, 1, 1], [], []>, transpose_lhs_hint = false} : vector<512x128xf32>, vector<128x128xf32>, vector<512x128xf32> -> vector<512x128xf32>
    %get3A_394 = arith.constant 0 : index
    %get3A_395 = arith.constant 0 : index
    %get3A_396 = vector.load %arg6[%get3A_394, %get3A_395] : memref<1x128xf32, #tpu.memory_space<vmem>>, vector<1x128xf32>
    %add3A_397 = vector.broadcast %get3A_396 : vector<1x128xf32> to vector<512x128xf32>
    %add3A_398 = arith.addf %dot_general3A_393, %add3A_397 : vector<512x128xf32>
    %get3A_399 = arith.constant 128 : index
    %get3A_400 = arith.constant 0 : index
    %get3A_401 = vector.load %arg5[%get3A_399, %get3A_400] : memref<256x128xf32, #tpu.memory_space<vmem>>, vector<128x128xf32>
    %dot_general3A_402 = arith.constant dense<0.000000e+00> : vector<4096x128xf32>
    %dot_general3A_403 = tpu.matmul %get3A_316, %get3A_401, %dot_general3A_402 {dimension_numbers = #tpu.dot_dimension_numbers<[1], [0], [0], [1], [0, 0, 1, 1], [], []>, transpose_lhs_hint = false} : vector<4096x128xf32>, vector<128x128xf32>, vector<4096x128xf32> -> vector<4096x128xf32>
    %broadcast_in_dim3A_404 = arith.constant 0.000000e+00 : f32
    %broadcast_in_dim3A_405 = vector.broadcast %broadcast_in_dim3A_404 : f32 to vector<512x128xf32>
    %slice3A_406 = vector.extract_strided_slice %dot_general3A_403 {offsets = [0, 0], sizes = [512, 128], strides = [1, 1]} : vector<4096x128xf32> to vector<512x128xf32>
    %slice3A_407 = vector.extract_strided_slice %dot_general3A_388 {offsets = [0, 0], sizes = [512, 128], strides = [1, 1]} : vector<512x1024xf32> to vector<512x128xf32>
    %add3A_408 = arith.addf %slice3A_406, %add3A_398 : vector<512x128xf32>
    %max3A_409 = arith.constant 0.000000e+00 : f32
    %max3A_410 = vector.broadcast %max3A_409 : f32 to vector<512x128xf32>
    %max3A_411 = arith.maximumf %add3A_408, %max3A_410 : vector<512x128xf32>
    %mul3A_412 = arith.mulf %max3A_411, %slice3A_407 : vector<512x128xf32>
    %add3A_413 = arith.addf %broadcast_in_dim3A_405, %mul3A_412 : vector<512x128xf32>
    %slice3A_414 = vector.extract_strided_slice %dot_general3A_403 {offsets = [512, 0], sizes = [512, 128], strides = [1, 1]} : vector<4096x128xf32> to vector<512x128xf32>
    %slice3A_415 = vector.extract_strided_slice %dot_general3A_388 {offsets = [0, 128], sizes = [512, 128], strides = [1, 1]} : vector<512x1024xf32> to vector<512x128xf32>
    %add3A_416 = arith.addf %slice3A_414, %add3A_398 : vector<512x128xf32>
    %max3A_417 = arith.constant 0.000000e+00 : f32
    %max3A_418 = vector.broadcast %max3A_417 : f32 to vector<512x128xf32>
    %max3A_419 = arith.maximumf %add3A_416, %max3A_418 : vector<512x128xf32>
    %mul3A_420 = arith.mulf %max3A_419, %slice3A_415 : vector<512x128xf32>
    %add3A_421 = arith.addf %add3A_413, %mul3A_420 : vector<512x128xf32>
    %slice3A_422 = vector.extract_strided_slice %dot_general3A_403 {offsets = [1024, 0], sizes = [512, 128], strides = [1, 1]} : vector<4096x128xf32> to vector<512x128xf32>
    %slice3A_423 = vector.extract_strided_slice %dot_general3A_388 {offsets = [0, 256], sizes = [512, 128], strides = [1, 1]} : vector<512x1024xf32> to vector<512x128xf32>
    %add3A_424 = arith.addf %slice3A_422, %add3A_398 : vector<512x128xf32>
    %max3A_425 = arith.constant 0.000000e+00 : f32
    %max3A_426 = vector.broadcast %max3A_425 : f32 to vector<512x128xf32>
    %max3A_427 = arith.maximumf %add3A_424, %max3A_426 : vector<512x128xf32>
    %mul3A_428 = arith.mulf %max3A_427, %slice3A_423 : vector<512x128xf32>
    %add3A_429 = arith.addf %add3A_421, %mul3A_428 : vector<512x128xf32>
    %slice3A_430 = vector.extract_strided_slice %dot_general3A_403 {offsets = [1536, 0], sizes = [512, 128], strides = [1, 1]} : vector<4096x128xf32> to vector<512x128xf32>
    %slice3A_431 = vector.extract_strided_slice %dot_general3A_388 {offsets = [0, 384], sizes = [512, 128], strides = [1, 1]} : vector<512x1024xf32> to vector<512x128xf32>
    %add3A_432 = arith.addf %slice3A_430, %add3A_398 : vector<512x128xf32>
    %max3A_433 = arith.constant 0.000000e+00 : f32
    %max3A_434 = vector.broadcast %max3A_433 : f32 to vector<512x128xf32>
    %max3A_435 = arith.maximumf %add3A_432, %max3A_434 : vector<512x128xf32>
    %mul3A_436 = arith.mulf %max3A_435, %slice3A_431 : vector<512x128xf32>
    %add3A_437 = arith.addf %add3A_429, %mul3A_436 : vector<512x128xf32>
    %slice3A_438 = vector.extract_strided_slice %dot_general3A_403 {offsets = [2048, 0], sizes = [512, 128], strides = [1, 1]} : vector<4096x128xf32> to vector<512x128xf32>
    %slice3A_439 = vector.extract_strided_slice %dot_general3A_388 {offsets = [0, 512], sizes = [512, 128], strides = [1, 1]} : vector<512x1024xf32> to vector<512x128xf32>
    %add3A_440 = arith.addf %slice3A_438, %add3A_398 : vector<512x128xf32>
    %max3A_441 = arith.constant 0.000000e+00 : f32
    %max3A_442 = vector.broadcast %max3A_441 : f32 to vector<512x128xf32>
    %max3A_443 = arith.maximumf %add3A_440, %max3A_442 : vector<512x128xf32>
    %mul3A_444 = arith.mulf %max3A_443, %slice3A_439 : vector<512x128xf32>
    %add3A_445 = arith.addf %add3A_437, %mul3A_444 : vector<512x128xf32>
    %slice3A_446 = vector.extract_strided_slice %dot_general3A_403 {offsets = [2560, 0], sizes = [512, 128], strides = [1, 1]} : vector<4096x128xf32> to vector<512x128xf32>
    %slice3A_447 = vector.extract_strided_slice %dot_general3A_388 {offsets = [0, 640], sizes = [512, 128], strides = [1, 1]} : vector<512x1024xf32> to vector<512x128xf32>
    %add3A_448 = arith.addf %slice3A_446, %add3A_398 : vector<512x128xf32>
    %max3A_449 = arith.constant 0.000000e+00 : f32
    %max3A_450 = vector.broadcast %max3A_449 : f32 to vector<512x128xf32>
    %max3A_451 = arith.maximumf %add3A_448, %max3A_450 : vector<512x128xf32>
    %mul3A_452 = arith.mulf %max3A_451, %slice3A_447 : vector<512x128xf32>
    %add3A_453 = arith.addf %add3A_445, %mul3A_452 : vector<512x128xf32>
    %slice3A_454 = vector.extract_strided_slice %dot_general3A_403 {offsets = [3072, 0], sizes = [512, 128], strides = [1, 1]} : vector<4096x128xf32> to vector<512x128xf32>
    %slice3A_455 = vector.extract_strided_slice %dot_general3A_388 {offsets = [0, 768], sizes = [512, 128], strides = [1, 1]} : vector<512x1024xf32> to vector<512x128xf32>
    %add3A_456 = arith.addf %slice3A_454, %add3A_398 : vector<512x128xf32>
    %max3A_457 = arith.constant 0.000000e+00 : f32
    %max3A_458 = vector.broadcast %max3A_457 : f32 to vector<512x128xf32>
    %max3A_459 = arith.maximumf %add3A_456, %max3A_458 : vector<512x128xf32>
    %mul3A_460 = arith.mulf %max3A_459, %slice3A_455 : vector<512x128xf32>
    %add3A_461 = arith.addf %add3A_453, %mul3A_460 : vector<512x128xf32>
    %slice3A_462 = vector.extract_strided_slice %dot_general3A_403 {offsets = [3584, 0], sizes = [512, 128], strides = [1, 1]} : vector<4096x128xf32> to vector<512x128xf32>
    %slice3A_463 = vector.extract_strided_slice %dot_general3A_388 {offsets = [0, 896], sizes = [512, 128], strides = [1, 1]} : vector<512x1024xf32> to vector<512x128xf32>
    %add3A_464 = arith.addf %slice3A_462, %add3A_398 : vector<512x128xf32>
    %max3A_465 = arith.constant 0.000000e+00 : f32
    %max3A_466 = vector.broadcast %max3A_465 : f32 to vector<512x128xf32>
    %max3A_467 = arith.maximumf %add3A_464, %max3A_466 : vector<512x128xf32>
    %mul3A_468 = arith.mulf %max3A_467, %slice3A_463 : vector<512x128xf32>
    %add3A_469 = arith.addf %add3A_461, %mul3A_468 : vector<512x128xf32>
    %mul3A_470 = arith.mulf %add3A_469, %dot_general3A_349 : vector<512x128xf32>
    %swap3A_471 = arith.constant 2 : index
    %swap3A_472 = arith.constant 0 : index
    %swap3A_473 = arith.constant 0 : index
    %swap3A_474 = vector.load %arg7[%swap3A_471, %swap3A_472, %swap3A_473] : memref<4x512x128xf32, #tpu.memory_space<vmem>>, vector<1x512x128xf32>
    %swap3A_475 = vector.shape_cast %swap3A_474 : vector<1x512x128xf32> to vector<512x128xf32>
    %swap3A_476 = vector.shape_cast %mul3A_470 : vector<512x128xf32> to vector<1x512x128xf32>
    tpu.vector_store %arg7[%swap3A_471, %swap3A_472, %swap3A_473], %swap3A_476 {strides = array<i32>} : memref<4x512x128xf32, #tpu.memory_space<vmem>>, vector<1x512x128xf32>,
    %get3A_477 = arith.constant 1536 : index
    %get3A_478 = arith.constant 0 : index
    %get3A_479 = vector.load %arg2[%get3A_477, %get3A_478] : memref<2048x128xf32, #tpu.memory_space<vmem>>, vector<512x128xf32>
    %get3A_480 = arith.constant 12288 : index
    %get3A_481 = arith.constant 0 : index
    %get3A_482 = vector.load %arg3[%get3A_480, %get3A_481] : memref<16384x128xf32, #tpu.memory_space<vmem>>, vector<4096x128xf32>
    %get3A_483 = arith.constant 3 : index
    %get3A_484 = arith.constant 0 : index
    %get3A_485 = arith.constant 0 : index
    %get3A_486 = vector.load %arg4[%get3A_483, %get3A_484, %get3A_485] : memref<4x8x512xi32, #tpu.memory_space<vmem>>, vector<1x8x512xi32>
    %get3A_487 = vector.shape_cast %get3A_486 : vector<1x8x512xi32> to vector<8x512xi32>
    %ne3A_488 = arith.constant 1 : i32
    %ne3A_489 = vector.broadcast %ne3A_488 : i32 to vector<8x512xi32>
    %ne3A_490 = arith.cmpi ne, %get3A_487, %ne3A_489 : vector<8x512xi32>
    %convert_element_type3A_491 = arith.extui %ne3A_490 : vector<8x512xi1> to vector<8x512xi32>
    %convert_element_type3A_492 = arith.sitofp %convert_element_type3A_491 : vector<8x512xi32> to vector<8x512xf32>
    %reduce_sum3A_493 = arith.constant dense<0.000000e+00> : vector<512xf32>
    %reduce_sum3A_494 = vector.multi_reduction <add>, %convert_element_type3A_492, %reduce_sum3A_493 [0] : vector<8x512xf32> to vector<512xf32>
    %broadcast_in_dim3A_495 = vector.shape_cast %reduce_sum3A_494 : vector<512xf32> to vector<1x512xf32>
    %eq3A_496 = arith.constant 0.000000e+00 : f32
    %eq3A_497 = vector.broadcast %eq3A_496 : f32 to vector<1x512xf32>
    %eq3A_498 = arith.cmpf oeq, %broadcast_in_dim3A_495, %eq3A_497 : vector<1x512xf32>
    %eq3A_499 = arith.constant 0.000000e+00 : f32
    %eq3A_500 = vector.broadcast %eq3A_499 : f32 to vector<1x512xf32>
    %eq3A_501 = arith.cmpf oeq, %broadcast_in_dim3A_495, %eq3A_500 : vector<1x512xf32>
    %jit3A_502 = arith.constant 1.000000e+00 : f32
    %broadcast_in_dim3A_503 = vector.broadcast %jit3A_502 : f32 to vector<1x512xf32>
    %select_n3A_504 = arith.select %eq3A_501, %broadcast_in_dim3A_503, %broadcast_in_dim3A_495 : vector<1x512xi1>, vector<1x512xf32>
    %div3A_505 = arith.constant 1.000000e+00 : f32
    %div3A_506 = vector.broadcast %div3A_505 : f32 to vector<1x512xf32>
    %div3A_507 = arith.divf %div3A_506, %select_n3A_504 : vector<1x512xf32>
    %jit3A_508 = arith.constant 0.000000e+00 : f32
    %broadcast_in_dim3A_509 = vector.broadcast %jit3A_508 : f32 to vector<1x512xf32>
    %select_n3A_510 = arith.select %eq3A_498, %broadcast_in_dim3A_509, %div3A_507 : vector<1x512xi1>, vector<1x512xf32>
    %transpose3A_511 = tpu.transpose %select_n3A_510, [1, 0] : vector<1x512xf32> -> vector<512x1xf32>
    %broadcast_in_dim3A_512 = arith.constant 1.000000e+00 : f32
    %broadcast_in_dim3A_513 = vector.broadcast %broadcast_in_dim3A_512 : f32 to vector<1x128xf32>
    %dot_general3A_514 = arith.constant dense<0.000000e+00> : vector<512x128xf32>
    %dot_general3A_515 = tpu.matmul %transpose3A_511, %broadcast_in_dim3A_513, %dot_general3A_514 {dimension_numbers = #tpu.dot_dimension_numbers<[1], [0], [0], [1], [0, 0, 1, 1], [], []>, transpose_lhs_hint = false} : vector<512x1xf32>, vector<1x128xf32>, vector<512x128xf32> -> vector<512x128xf32>
    %transpose3A_516 = tpu.transpose %convert_element_type3A_492, [1, 0] : vector<8x512xf32> -> vector<512x8xf32>
    %iota3A_517 = tpu.iota {dimensions = array<i32: 0>} : vector<8x1024xi32>
    %iota3A_518 = tpu.iota {dimensions = array<i32: 1>} : vector<8x1024xi32>
    %jit3A_519 = arith.constant 128 : i32
    %div3A_520 = vector.broadcast %jit3A_519 : i32 to vector<8x1024xi32>
    %div3A_521 = arith.divsi %iota3A_518, %div3A_520 : vector<8x1024xi32>
    %sign3A_522 = arith.constant 0 : i32
    %sign3A_523 = vector.broadcast %sign3A_522 : i32 to vector<8x1024xi32>
    %sign3A_524 = arith.cmpi sgt, %iota3A_518, %sign3A_523 : vector<8x1024xi32>
    %sign3A_525 = arith.extui %sign3A_524 : vector<8x1024xi1> to vector<8x1024xi32>
    %sign3A_526 = arith.constant 0 : i32
    %sign3A_527 = vector.broadcast %sign3A_526 : i32 to vector<8x1024xi32>
    %sign3A_528 = arith.cmpi slt, %iota3A_518, %sign3A_527 : vector<8x1024xi32>
    %sign3A_529 = arith.extui %sign3A_528 : vector<8x1024xi1> to vector<8x1024xi32>
    %sign3A_530 = arith.subi %sign3A_525, %sign3A_529 : vector<8x1024xi32>
    %sign3A_531 = arith.constant 0 : i32
    %sign3A_532 = arith.cmpi sgt, %jit3A_519, %sign3A_531 : i32
    %sign3A_533 = arith.extui %sign3A_532 : i1 to i32
    %sign3A_534 = arith.constant 0 : i32
    %sign3A_535 = arith.cmpi slt, %jit3A_519, %sign3A_534 : i32
    %sign3A_536 = arith.extui %sign3A_535 : i1 to i32
    %sign3A_537 = arith.subi %sign3A_533, %sign3A_536 : i32
    %ne3A_538 = vector.broadcast %sign3A_537 : i32 to vector<8x1024xi32>
    %ne3A_539 = arith.cmpi ne, %sign3A_530, %ne3A_538 : vector<8x1024xi32>
    %rem3A_540 = vector.broadcast %jit3A_519 : i32 to vector<8x1024xi32>
    %rem3A_541 = arith.remsi %iota3A_518, %rem3A_540 : vector<8x1024xi32>
    %ne3A_542 = arith.constant 0 : i32
    %ne3A_543 = vector.broadcast %ne3A_542 : i32 to vector<8x1024xi32>
    %ne3A_544 = arith.cmpi ne, %rem3A_541, %ne3A_543 : vector<8x1024xi32>
    %and3A_545 = arith.andi %ne3A_539, %ne3A_544 : vector<8x1024xi1>
    %sub3A_546 = arith.constant 1 : i32
    %sub3A_547 = vector.broadcast %sub3A_546 : i32 to vector<8x1024xi32>
    %sub3A_548 = arith.subi %div3A_521, %sub3A_547 : vector<8x1024xi32>
    %select_n3A_549 = arith.select %and3A_545, %sub3A_548, %div3A_521 : vector<8x1024xi1>, vector<8x1024xi32>
    %eq3A_550 = arith.cmpi eq, %iota3A_517, %select_n3A_549 : vector<8x1024xi32>
    %convert_element_type3A_551 = arith.extui %eq3A_550 : vector<8x1024xi1> to vector<8x1024xi32>
    %convert_element_type3A_552 = arith.sitofp %convert_element_type3A_551 : vector<8x1024xi32> to vector<8x1024xf32>
    %dot_general3A_553 = arith.constant dense<0.000000e+00> : vector<512x1024xf32>
    %dot_general3A_554 = tpu.matmul %transpose3A_516, %convert_element_type3A_552, %dot_general3A_553 {dimension_numbers = #tpu.dot_dimension_numbers<[1], [0], [0], [1], [0, 0, 1, 1], [], []>, transpose_lhs_hint = false} : vector<512x8xf32>, vector<8x1024xf32>, vector<512x1024xf32> -> vector<512x1024xf32>
    %get3A_555 = arith.constant 0 : index
    %get3A_556 = arith.constant 0 : index
    %get3A_557 = vector.load %arg5[%get3A_555, %get3A_556] : memref<256x128xf32, #tpu.memory_space<vmem>>, vector<128x128xf32>
    %dot_general3A_558 = arith.constant dense<0.000000e+00> : vector<512x128xf32>
    %dot_general3A_559 = tpu.matmul %get3A_479, %get3A_557, %dot_general3A_558 {dimension_numbers = #tpu.dot_dimension_numbers<[1], [0], [0], [1], [0, 0, 1, 1], [], []>, transpose_lhs_hint = false} : vector<512x128xf32>, vector<128x128xf32>, vector<512x128xf32> -> vector<512x128xf32>
    %get3A_560 = arith.constant 0 : index
    %get3A_561 = arith.constant 0 : index
    %get3A_562 = vector.load %arg6[%get3A_560, %get3A_561] : memref<1x128xf32, #tpu.memory_space<vmem>>, vector<1x128xf32>
    %add3A_563 = vector.broadcast %get3A_562 : vector<1x128xf32> to vector<512x128xf32>
    %add3A_564 = arith.addf %dot_general3A_559, %add3A_563 : vector<512x128xf32>
    %get3A_565 = arith.constant 128 : index
    %get3A_566 = arith.constant 0 : index
    %get3A_567 = vector.load %arg5[%get3A_565, %get3A_566] : memref<256x128xf32, #tpu.memory_space<vmem>>, vector<128x128xf32>
    %dot_general3A_568 = arith.constant dense<0.000000e+00> : vector<4096x128xf32>
    %dot_general3A_569 = tpu.matmul %get3A_482, %get3A_567, %dot_general3A_568 {dimension_numbers = #tpu.dot_dimension_numbers<[1], [0], [0], [1], [0, 0, 1, 1], [], []>, transpose_lhs_hint = false} : vector<4096x128xf32>, vector<128x128xf32>, vector<4096x128xf32> -> vector<4096x128xf32>
    %broadcast_in_dim3A_570 = arith.constant 0.000000e+00 : f32
    %broadcast_in_dim3A_571 = vector.broadcast %broadcast_in_dim3A_570 : f32 to vector<512x128xf32>
    %slice3A_572 = vector.extract_strided_slice %dot_general3A_569 {offsets = [0, 0], sizes = [512, 128], strides = [1, 1]} : vector<4096x128xf32> to vector<512x128xf32>
    %slice3A_573 = vector.extract_strided_slice %dot_general3A_554 {offsets = [0, 0], sizes = [512, 128], strides = [1, 1]} : vector<512x1024xf32> to vector<512x128xf32>
    %add3A_574 = arith.addf %slice3A_572, %add3A_564 : vector<512x128xf32>
    %max3A_575 = arith.constant 0.000000e+00 : f32
    %max3A_576 = vector.broadcast %max3A_575 : f32 to vector<512x128xf32>
    %max3A_577 = arith.maximumf %add3A_574, %max3A_576 : vector<512x128xf32>
    %mul3A_578 = arith.mulf %max3A_577, %slice3A_573 : vector<512x128xf32>
    %add3A_579 = arith.addf %broadcast_in_dim3A_571, %mul3A_578 : vector<512x128xf32>
    %slice3A_580 = vector.extract_strided_slice %dot_general3A_569 {offsets = [512, 0], sizes = [512, 128], strides = [1, 1]} : vector<4096x128xf32> to vector<512x128xf32>
    %slice3A_581 = vector.extract_strided_slice %dot_general3A_554 {offsets = [0, 128], sizes = [512, 128], strides = [1, 1]} : vector<512x1024xf32> to vector<512x128xf32>
    %add3A_582 = arith.addf %slice3A_580, %add3A_564 : vector<512x128xf32>
    %max3A_583 = arith.constant 0.000000e+00 : f32
    %max3A_584 = vector.broadcast %max3A_583 : f32 to vector<512x128xf32>
    %max3A_585 = arith.maximumf %add3A_582, %max3A_584 : vector<512x128xf32>
    %mul3A_586 = arith.mulf %max3A_585, %slice3A_581 : vector<512x128xf32>
    %add3A_587 = arith.addf %add3A_579, %mul3A_586 : vector<512x128xf32>
    %slice3A_588 = vector.extract_strided_slice %dot_general3A_569 {offsets = [1024, 0], sizes = [512, 128], strides = [1, 1]} : vector<4096x128xf32> to vector<512x128xf32>
    %slice3A_589 = vector.extract_strided_slice %dot_general3A_554 {offsets = [0, 256], sizes = [512, 128], strides = [1, 1]} : vector<512x1024xf32> to vector<512x128xf32>
    %add3A_590 = arith.addf %slice3A_588, %add3A_564 : vector<512x128xf32>
    %max3A_591 = arith.constant 0.000000e+00 : f32
    %max3A_592 = vector.broadcast %max3A_591 : f32 to vector<512x128xf32>
    %max3A_593 = arith.maximumf %add3A_590, %max3A_592 : vector<512x128xf32>
    %mul3A_594 = arith.mulf %max3A_593, %slice3A_589 : vector<512x128xf32>
    %add3A_595 = arith.addf %add3A_587, %mul3A_594 : vector<512x128xf32>
    %slice3A_596 = vector.extract_strided_slice %dot_general3A_569 {offsets = [1536, 0], sizes = [512, 128], strides = [1, 1]} : vector<4096x128xf32> to vector<512x128xf32>
    %slice3A_597 = vector.extract_strided_slice %dot_general3A_554 {offsets = [0, 384], sizes = [512, 128], strides = [1, 1]} : vector<512x1024xf32> to vector<512x128xf32>
    %add3A_598 = arith.addf %slice3A_596, %add3A_564 : vector<512x128xf32>
    %max3A_599 = arith.constant 0.000000e+00 : f32
    %max3A_600 = vector.broadcast %max3A_599 : f32 to vector<512x128xf32>
    %max3A_601 = arith.maximumf %add3A_598, %max3A_600 : vector<512x128xf32>
    %mul3A_602 = arith.mulf %max3A_601, %slice3A_597 : vector<512x128xf32>
    %add3A_603 = arith.addf %add3A_595, %mul3A_602 : vector<512x128xf32>
    %slice3A_604 = vector.extract_strided_slice %dot_general3A_569 {offsets = [2048, 0], sizes = [512, 128], strides = [1, 1]} : vector<4096x128xf32> to vector<512x128xf32>
    %slice3A_605 = vector.extract_strided_slice %dot_general3A_554 {offsets = [0, 512], sizes = [512, 128], strides = [1, 1]} : vector<512x1024xf32> to vector<512x128xf32>
    %add3A_606 = arith.addf %slice3A_604, %add3A_564 : vector<512x128xf32>
    %max3A_607 = arith.constant 0.000000e+00 : f32
    %max3A_608 = vector.broadcast %max3A_607 : f32 to vector<512x128xf32>
    %max3A_609 = arith.maximumf %add3A_606, %max3A_608 : vector<512x128xf32>
    %mul3A_610 = arith.mulf %max3A_609, %slice3A_605 : vector<512x128xf32>
    %add3A_611 = arith.addf %add3A_603, %mul3A_610 : vector<512x128xf32>
    %slice3A_612 = vector.extract_strided_slice %dot_general3A_569 {offsets = [2560, 0], sizes = [512, 128], strides = [1, 1]} : vector<4096x128xf32> to vector<512x128xf32>
    %slice3A_613 = vector.extract_strided_slice %dot_general3A_554 {offsets = [0, 640], sizes = [512, 128], strides = [1, 1]} : vector<512x1024xf32> to vector<512x128xf32>
    %add3A_614 = arith.addf %slice3A_612, %add3A_564 : vector<512x128xf32>
    %max3A_615 = arith.constant 0.000000e+00 : f32
    %max3A_616 = vector.broadcast %max3A_615 : f32 to vector<512x128xf32>
    %max3A_617 = arith.maximumf %add3A_614, %max3A_616 : vector<512x128xf32>
    %mul3A_618 = arith.mulf %max3A_617, %slice3A_613 : vector<512x128xf32>
    %add3A_619 = arith.addf %add3A_611, %mul3A_618 : vector<512x128xf32>
    %slice3A_620 = vector.extract_strided_slice %dot_general3A_569 {offsets = [3072, 0], sizes = [512, 128], strides = [1, 1]} : vector<4096x128xf32> to vector<512x128xf32>
    %slice3A_621 = vector.extract_strided_slice %dot_general3A_554 {offsets = [0, 768], sizes = [512, 128], strides = [1, 1]} : vector<512x1024xf32> to vector<512x128xf32>
    %add3A_622 = arith.addf %slice3A_620, %add3A_564 : vector<512x128xf32>
    %max3A_623 = arith.constant 0.000000e+00 : f32
    %max3A_624 = vector.broadcast %max3A_623 : f32 to vector<512x128xf32>
    %max3A_625 = arith.maximumf %add3A_622, %max3A_624 : vector<512x128xf32>
    %mul3A_626 = arith.mulf %max3A_625, %slice3A_621 : vector<512x128xf32>
    %add3A_627 = arith.addf %add3A_619, %mul3A_626 : vector<512x128xf32>
    %slice3A_628 = vector.extract_strided_slice %dot_general3A_569 {offsets = [3584, 0], sizes = [512, 128], strides = [1, 1]} : vector<4096x128xf32> to vector<512x128xf32>
    %slice3A_629 = vector.extract_strided_slice %dot_general3A_554 {offsets = [0, 896], sizes = [512, 128], strides = [1, 1]} : vector<512x1024xf32> to vector<512x128xf32>
    %add3A_630 = arith.addf %slice3A_628, %add3A_564 : vector<512x128xf32>
    %max3A_631 = arith.constant 0.000000e+00 : f32
    %max3A_632 = vector.broadcast %max3A_631 : f32 to vector<512x128xf32>
    %max3A_633 = arith.maximumf %add3A_630, %max3A_632 : vector<512x128xf32>
    %mul3A_634 = arith.mulf %max3A_633, %slice3A_629 : vector<512x128xf32>
    %add3A_635 = arith.addf %add3A_627, %mul3A_634 : vector<512x128xf32>
    %mul3A_636 = arith.mulf %add3A_635, %dot_general3A_515 : vector<512x128xf32>
    %swap3A_637 = arith.constant 3 : index
    %swap3A_638 = arith.constant 0 : index
    %swap3A_639 = arith.constant 0 : index
    %swap3A_640 = vector.load %arg7[%swap3A_637, %swap3A_638, %swap3A_639] : memref<4x512x128xf32, #tpu.memory_space<vmem>>, vector<1x512x128xf32>
    %swap3A_641 = vector.shape_cast %swap3A_640 : vector<1x512x128xf32> to vector<512x128xf32>
    %swap3A_642 = vector.shape_cast %mul3A_636 : vector<512x128xf32> to vector<1x512x128xf32>
    tpu.vector_store %arg7[%swap3A_637, %swap3A_638, %swap3A_639], %swap3A_642 {strides = array<i32>} : memref<4x512x128xf32, #tpu.memory_space<vmem>>, vector<1x512x128xf32>,
    return
  }
  func.func @transform_1(%arg0: i32) -> (i32, i32) {
    %add3A = arith.constant 16 : i32
    %add3A_0 = arith.addi %add3A, %arg0 : i32
    %c0_i32 = arith.constant 0 : i32
    %c0_i32_1 = arith.constant 0 : i32
    return %add3A_0, %c0_i32 : i32, i32
  }
  func.func @transform_2(%arg0: i32) -> (i32, i32) {
    %c0_i32 = arith.constant 0 : i32
    %c0_i32_0 = arith.constant 0 : i32
    return %arg0, %c0_i32 : i32, i32
  }
  func.func @transform_3(%arg0: i32) -> (i32, i32, i32) {
    %c0_i32 = arith.constant 0 : i32
    %c0_i32_0 = arith.constant 0 : i32
    %c0_i32_1 = arith.constant 0 : i32
    return %arg0, %c0_i32, %c0_i32_0 : i32, i32, i32
  }
  func.func @transform_4(%arg0: i32) -> (i32, i32) {
    %c0_i32 = arith.constant 0 : i32
    %c0_i32_0 = arith.constant 0 : i32
    %c0_i32_1 = arith.constant 0 : i32
    return %c0_i32, %c0_i32_0 : i32, i32
  }
  func.func @transform_5(%arg0: i32) -> (i32, i32) {
    %c0_i32 = arith.constant 0 : i32
    %c0_i32_0 = arith.constant 0 : i32
    %c0_i32_1 = arith.constant 0 : i32
    return %c0_i32, %c0_i32_0 : i32, i32
  }
  func.func @transform_6(%arg0: i32) -> (i32, i32, i32) {
    %c3_i32 = arith.constant 3 : i32
    %c0_i32 = arith.constant 0 : i32
    %c0_i32_0 = arith.constant 0 : i32
    return %arg0, %c3_i32, %c0_i32 : i32, i32, i32
  }
}

</mosaic_0001>

<sc_bundles>
// kernel: kernel.6.cloned.1.call-start
scs
__scs_entry_jumppad:
0x0: {  	(pc) =	sbr.rel $0x88, $3  }
0x1: {  	(tag) =	ssettag $0x0;
	lr =	simm.s32 $0x1  }
0x2: {  	[smem:$0x3F93] =	sst lr;
	_ =	strace $0xD0000000  }
0x3: {  	_ = 	snop  }
0x4: {  	_ = 	snop  }
0x5: {  	_ = 	snop  }
0x6: {  	_ = 	snop  }
0x7: {  	_ = 	snop  }
__scs_overlays_trampoline_lowered:
0x8: {  	[smem:$0x3FA2] =	sst s0  }
0x9: {  	[smem:$0x3FA3] =	sst s1  }
0xa: {  	[smem:$0x3FA4] =	sst s2  }
0xb: {  	[smem:$0x3FA5] =	sst s3  }
0xc: {  	[smem:$0x3FA6] =	sst s4  }
0xd: {  	[smem:$0x3FA7] =	sst s5  }
0xe: {  	[smem:$0x3FA8] =	sst s6  }
0xf: {  	[smem:$0x3FA9] =	sst s7  }
0x10: {  	[smem:$0x3FAA] =	sst s8  }
0x11: {  	[smem:$0x3FAB] =	sst s9;
	s0 =	simm.s32 @!p0 $0x0  }
0x12: {  	s1 =	sld [smem:$0x3F91];
	s0 =	simm.s32 @p0 $0x1  }
0x13: {  	[smem:$0x3FAC] =	sst s0;
	s0 =	simm.s32 @!p1 $0x0  }
0x14: {  	s2 =	sld [smem:$0x3F90];
	s0 =	simm.s32 @p1 $0x1  }
0x15: {  	[smem:$0x3FAD] =	sst s0;
	s0 =	simm.s32 @!p2 $0x0  }
0x16: {  	s3 =	sld [smem:$0x3FDB];
	s0 =	simm.s32 @p2 $0x1  }
0x17: {  	s4 =	simm.s32 $0x1BF5;
	[smem:$0x3FAF] =	sst s0  }
0x18: {  	s0 =	sld [smem:$0x3F92];
	_ =	swait.ge [sflag:s4], $0x0  }
0x19: {  	s7 =	sld [smem:$0x3F93]  }
0x1a: {  	s8 =	sadd.s32 $0xFFFFE003, lr  }
0x1b: {  	s9 =	sadd.s32 $0xFFFFFEF7, lr;
	s5 =	simm.s32 $0xFFFFFFFF;
	p2 =	slt.u32 s8, $0xFFFFF086  }
0x1c: {  	p1 =	slt.u32 s9, $0xF7A;
	s5 =	simm.s32 @!p2 $0x0  }
0x1d: {  	s5 =	simm.s32 @p1 $0x1;
	p0 =	seq.s32 s7, s2  }
0x1e: {  	s7 =	smul.u32 @!p0 $0xF7A, s2;
	p2 =	seq.s32 @!p0 s5, $0x0  }
0x1f: {  	s9 =	smul.u32 $0xF7A, s1;
	s8 =	simm.s32 @!p0 $0x1BF5;
	p2 =	por !p2, p0  }
0x20: {  	[sflag:s8] =	ssyncset.s32 @!p0 $0xFFFFF086;
	s6 =	sadd.s32 @!p0 s3, s7;
	s7 =	simm.s32 @!p0 $0x108  }
0x21: {  	s3 =	sadd.s32 s3, s9;
	s6 =	sadd.s32 @!p0 $0x88, s6;
	s7 =	simm.s32 @p2 $0x1082  }
0x22: {  	[simem:s7], [sflag:s8] =	dma.local @!p0 [hbm:s6], $0xF7A  }
0x23: {  	s9 =	sor.u32 $0xD0000000, s2;
	s6 =	simm.s32 $0x108;
	_ =	swait.ge @!p0 [sflag:s8], $0x0  }
0x24: {  	s3 =	sadd.s32 $0x88, s3;
	s6 =	simm.s32 @!p1 $0x1082;
	[sflag:s4] =	ssyncset.s32 $0xFFFFF086  }
0x25: {  	[simem:s6], [sflag:s4] =	dma.local [hbm:s3], $0xF7A  }
0x26: {  	[smem:$0x3F93] =	sst s1;
	(tag) =	ssettag s2;
	_ =	strace s9  }
0x27: {  	s1 =	sld [smem:$0x3FA3]  }
0x28: {  	s2 =	sld [smem:$0x3FA4]  }
0x29: {  	s4 =	sld [smem:$0x3FA6]  }
0x2a: {  	p0 =	seq.s32 s5, $0x0;
	s5 =	sld [smem:$0x3FA7]  }
0x2b: {  	s6 =	sld [smem:$0x3FA8]  }
0x2c: {  	s7 =	sld [smem:$0x3FA9]  }
0x2d: {  	s3 =	simm.s32 $0x108;
	s8 =	sld [smem:$0x3FAA]  }
0x2e: {  	s3 =	simm.s32 @!p0 $0x1082;
	s9 =	sld [smem:$0x3FAB]  }
0x2f: {  	lr =	sadd.s32 s0, s3;
	s0 =	sld [smem:$0x3FA2]  }
0x30: {  	s3 =	sld [smem:$0x3FA5]  }
0x31: {  	[smem:$0x3FAE] =	sst s10  }
0x32: {  	s10 =	sld [smem:$0x3FAC];
	_ =	sdelay $0x3  }
0x33: {  	p0 =	seq.s32 s10, $0x1;
	s10 =	sld [smem:$0x3FAE];
	_ =	sdelay $0x3  }
0x34: {  	[smem:$0x3FAE] =	sst s10  }
0x35: {  	s10 =	sld [smem:$0x3FAD];
	_ =	sdelay $0x3  }
0x36: {  	p1 =	seq.s32 s10, $0x1;
	s10 =	sld [smem:$0x3FAE];
	_ =	sdelay $0x3  }
0x37: {  	[smem:$0x3FAE] =	sst s10  }
0x38: {  	s10 =	sld [smem:$0x3FAF]  }
0x39: {  	_ = 	snop;
	(pc) =	sbr.ind lr, $3  }
0x3a: {  	_ = 	snop  }
0x3b: {  	_ = 	snop  }
0x3c: {  	p2 =	seq.s32 s10, $0x1;
	s10 =	sld [smem:$0x3FAE]  }
0x3d: {  	_ =	shalt  }
0x3e: {  	_ =	shalt  }
0x3f: {  	_ =	shalt  }
0x40: {  	_ =	shalt  }
0x41: {  	_ =	shalt  }
0x42: {  	_ =	shalt  }
0x43: {  	_ =	shalt  }
0x44: {  	_ =	shalt  }
0x45: {  	_ =	shalt  }
0x46: {  	_ =	shalt  }
0x47: {  	_ =	shalt  }
0x48: {  	_ =	shalt  }
0x49: {  	_ =	shalt  }
0x4a: {  	_ =	shalt  }
0x4b: {  	_ =	shalt  }
0x4c: {  	_ =	shalt  }
0x4d: {  	_ =	shalt  }
0x4e: {  	_ =	shalt  }
0x4f: {  	_ =	shalt  }
0x50: {  	_ =	shalt  }
0x51: {  	_ =	shalt  }
0x52: {  	_ =	shalt  }
0x53: {  	_ =	shalt  }
0x54: {  	_ =	shalt  }
0x55: {  	_ =	shalt  }
0x56: {  	_ =	shalt  }
0x57: {  	_ =	shalt  }
0x58: {  	_ =	shalt  }
0x59: {  	_ =	shalt  }
0x5a: {  	_ =	shalt  }
0x5b: {  	_ =	shalt  }
0x5c: {  	_ =	shalt  }
0x5d: {  	_ =	shalt  }
0x5e: {  	_ =	shalt  }
0x5f: {  	_ =	shalt  }
0x60: {  	_ =	shalt  }
0x61: {  	_ =	shalt  }
0x62: {  	_ =	shalt  }
0x63: {  	_ =	shalt  }
0x64: {  	_ =	shalt  }
0x65: {  	_ =	shalt  }
0x66: {  	_ =	shalt  }
0x67: {  	_ =	shalt  }
0x68: {  	_ =	shalt  }
0x69: {  	_ =	shalt  }
0x6a: {  	_ =	shalt  }
0x6b: {  	_ =	shalt  }
0x6c: {  	_ =	shalt  }
0x6d: {  	_ =	shalt  }
0x6e: {  	_ =	shalt  }
0x6f: {  	_ =	shalt  }
0x70: {  	_ =	shalt  }
0x71: {  	_ =	shalt  }
0x72: {  	_ =	shalt  }
0x73: {  	_ =	shalt  }
0x74: {  	_ =	shalt  }
0x75: {  	_ =	shalt  }
0x76: {  	_ =	shalt  }
0x77: {  	_ =	shalt  }
0x78: {  	_ =	shalt  }
0x79: {  	_ =	shalt  }
0x7a: {  	_ =	shalt  }
0x7b: {  	_ =	shalt  }
0x7c: {  	_ =	shalt  }
0x7d: {  	_ =	shalt  }
0x7e: {  	_ =	shalt  }
0x7f: {  	_ =	shalt  }
0x80: {  	_ =	shalt  }
0x81: {  	_ =	shalt  }
0x82: {  	_ =	shalt  }
0x83: {  	_ =	shalt  }
0x84: {  	_ =	shalt  }
0x85: {  	_ =	shalt  }
0x86: {  	_ =	shalt  }
0x87: {  	_ =	shalt  }
.Lfunc_end0:
.L_simem_size_0:
called_computation_lowered:
.L_overlay_start_0:
0x88: {  	s2 =	sld [smem:$0x3FD9]  }
0x89: {  	s3 =	sld [smem:$0x3FFE];
	_ =	sdelay $0x1  }
0x8a: {  	s1 =	srdreg.scid  }
0x8b: {  	s0 =	sand.u32 $0x1, s1  }
0x8c: {  	s14 =	sshll.u32 s0, $0xA;
	s2 =	sadd.s32 s3, s2  }
0x8d: {  	s2 =	sadd.s32 s2, s14  }
0x8e: {  	[smem:$0x3FBA] =	sst s2  }
0x8f: {  	_ = 	snop  }
0x90: {  	s2 =	sld [smem:$0x3FD0];
	_ =	sdelay $0x2  }
0x91: {  	s4 =	simm.s32 $0xB;
	s5 =	simm.s32 $0x10;
	s15 =	sld [smem:$0x3FC6]  }
0x92: {  	[smem:s5], [sflag:s4] =	dma.local [hbm:s2], $0x1  }
0x93: {  	_ =	swait.eq [sflag:s4], $0x1  }
0x94: {  	[sflag:s4] =	ssyncset.done $0x0  }
0x95: {  	[sflag:s4] =	ssyncadd.s32 $0xFFFFFFFF  }
0x96: {  	s16 =	sld [smem:$0x10];
	(tm) =	ssettm $0x1  }
0x97: {  	s17 =	sld [smem:$0x3FFB];
	_ =	sdelay $0x3  }
0x98: {  	_ =	strace s17  }
0x99: {  	s4 =	sld [smem:$0x3FFC];
	_ =	sdelay $0x3  }
0x9a: {  	_ =	strace s4  }
0x9b: {  	s4 =	sld [smem:$0x3FFD];
	_ =	sdelay $0x3  }
0x9c: {  	_ =	strace s4  }
0x9d: {  	_ =	strace $0x8FFFFFFF  }
0x9e: {  	s18 =	sld [smem:$0x3FDB];
	_ =	sdelay $0x1  }
0x9f: {  	s19 =	simm.s32 $_scs_section_size  }
0xa0: {  	s6 =	simm.s32 $_size__tile_overlayer_lowered;
	s7 =	simm.s32 $_tile_overlayer_lowered  }
0xa1: {  	s22 =	simm.s32 $0x1BFF;
	s21 =	sshll.u32 s7, $0x1;
	s4 =	sadd.s32 s19, s18  }
0xa2: {  	s8 =	simm.s32 $0x0;
	s20 =	sshll.u32 s6, $0x1;
	s6 =	sadd.s32 s21, s4  }
0xa3: {  	[timem:s8], [sflag:s22] =	dma.local [hbm:s6], s20  }
0xa4: {  	_ =	swait.ge [sflag:s22], s20  }
0xa5: {  	s5 =	ssub.s32 $0x0, s20;
	[sflag:s22] =	ssyncset.done $0x0  }
0xa6: {  	[sflag:s22] =	ssyncadd.s32 s5;
	_ =	sdelay $0x1  }
0xa7: {  	s23 =	simm.s32 $0x1B8B  }
0xa8: {  	_ =	swait.ge [sflag:s23], $0x1  }
0xa9: {  	[sflag:s23] =	ssyncset.done $0x0  }
0xaa: {  	s25 =	simm.s32 $0x1B8E;
	s24 =	sld [smem:$0x3FFE];
	[sflag:s23] =	ssyncadd.s32 $0xFFFFFFFF  }
0xab: {  	s26 =	simm.s32 $execute0_lowered;
	[smem:$0x3FD2] =	sst s25  }
0xac: {  	s6 =	sshll.u32 s26, $0x1;
	_ =	strace $0x80000046;
	[dreg:$0x1] =	wrdreg $0xFFFFFFFF  }
0xad: {  	s28 =	simm.s32 $_size_execute0_lowered;
	s4 =	sadd.s32 s4, s6;
	[dreg:$0x0] =	wrdreg $0x0  }
0xae: {  	s6 =	sshll.u32 s28, $0x1;
	[dreg:$0x2] =	wrdreg s4  }
0xaf: {  	[dreg:$0x3] =	wrdreg s6  }
0xb0: {  	[dreg:$0x4] =	wrdreg $0xC0  }
0xb1: {  	_ =	task [dreg:s8], $0x5FFFF  }
0xb2: {  	[dreg:$0x1] =	wrdreg $0xFFFFFFFF  }
0xb3: {  	[dreg:$0x0] =	wrdreg $0x60  }
0xb4: {  	[dreg:$0x2] =	wrdreg s15  }
0xb5: {  	[dreg:$0x3] =	wrdreg s16  }
0xb6: {  	[dreg:$0x4] =	wrdreg s24  }
0xb7: {  	[dreg:$0x5] =	wrdreg $0x9  }
0xb8: {  	_ =	task.clear_ibuf [dreg:s8], $0x6FFFF;
	_ =	strace $0x90000046  }
0xb9: {  	s29 =	simm.s32 $0x9;
	_ =	strace $0x80000048  }
0xba: {  	_ =	swait.ge [sflag:s29], $0x1  }
0xbb: {  	[sflag:s29] =	ssyncadd.s32 $0xFFFFFFFF  }
0xbc: {  	_ =	strace $0x90000048  }
0xbd: {  	_ =	sfence  }
0xbe: {  	s30 =	sld [smem:$0x0];
	_ =	sdelay $0x2  }
0xbf: {  	s31 =	sshll.u32 s1, $0xD;
	s1 =	sshrl.u32 s1, $0x2  }
0xc0: {  	s3 =	sand.u32 $0x4000, s31;
	s1 =	sadd.s32 s1, s30  }
0xc1: {  	s0 =	sor.u32 s3, s0;
	s1 =	sshll.u32 s1, $0x11  }
0xc2: {  	s0 =	sor.u32 s1, s0  }
0xc3: {  	s0 =	sadd.s32 $0x8F2B, s0  }
0xc4: {  	[sflag:s0] =	ssyncadd.remote.s32 $0x1  }
0xc5: {  	_ =	sfence.sel $0xFFFF  }
0xc6: {  	[dreg:$0x0] =	wrdreg $0xFFFFFFFF;
	(pc) =	sbr.abs _section_cstart, $3  }
0xc7: {  	[dreg:$0x1] =	wrdreg $0xFFFFFFFF  }
0xc8: {  	_ =	task.clear_ibuf [dreg:s8], $0x2FFFF;
	_ =	strace $0x9FFFFFFF  }
0xc9: {  	(tm) =	ssettm $0x7FFFFFFF  }
tec
execute0_lowered:
.L_overlay_start_1:
0x0: {  	(tag) =	ssettag $0x1  }
0x1: {  	s2 =	rddreg [dreg:$0x0]  }
0x2: {  	s1 =	rddreg [dreg:$0x1]  }
0x3: {  	s3 =	srdreg.scid;
	s0 =	stileid.u32  }
0x4: {  	s4 =	rddreg [dreg:$0x2];
	s30 =	simm.s32 $0x5;
	s11 =	simm.s32 $0x800  }
0x5: {  	s15 =	simm.s32 $0x4800;
	s13 =	simm.s32 $0x1;
	s28 =	simm.s32 $0x100  }
0x6: {  	s29 =	simm.s32 $0x180;
	s12 =	simm.s32 $0xC800;
	s10 =	simm.s32 $0x2  }
0x7: {  	s25 =	simm.s32 $0x200;
	s26 =	simm.s32 $0x280;
	s22 =	simm.s32 $0x300  }
0x8: {  	p0 =	por $0x0, $0x0;
	s19 =	simm.s32 $0x400;
	s20 =	simm.s32 $0x480  }
0x9: {  	s17 =	simm.s32 $0x500;
	s5 =	sand.u32 $0x1, s3;
	s6 =	sshll.u32 s0, $0x1  }
0xa: {  	s3 =	simm.s32 $0x0;
	s6 =	sor.u32 s5, s6;
	s5 =	ssub.s32 $0x2, s5  }
0xb: {  	s18 =	simm.s32 $0x580;
	[smem:$0x7FF] =	sst s3;
	s8 =	sshrl.u32 s5, $0x1  }
0xc: {  	s7 =	smul.u32 $0x30000, s6;
	s6 =	sshll.u32 s6, $0x8;
	s5 =	ssub.s32 s5, s8  }
0xd: {  	_ =	strace $0x80000047;
	s1 =	sadd.s32 s1, s6;
	s24 =	smax.u32 s5, $0x1  }
0xe: {  	s8 =	simm.s32 $0x80;
	s6 =	simm.s32 $0x3;
	p1 =	sne.s32 s24, $0x1  }
.Ltmp0:
0xf: {  	s7 =	sshrl.u32 s7, $0x3;
	[dreg:$0x4] =	wrdreg s1;
	(pc) =	sbr.rel @!p1 .LBB2_3-.Ltmp0, $4  }
0x10: {  	s5 =	simm.s32 $0x8800;
	s4 =	sadd.s32 s7, s4;
	s7 =	simm.s32 $0x4  }
0x11: {  	s31 =	sadd.s32 $0xFFFFFFFF, s24;
	s24 =	simm.s32 $0x380;
	s1 =	rddreg [dreg:$0x4]  }
0x12: {  	s23 =	sadd.s32 $0x6C00, s4;
	s21 =	sadd.s32 $0x7C00, s4;
	s16 =	sadd.s32 $0x8C00, s4  }
0x13: {  	s14 =	sadd.s32 $0x9C00, s4;
	s9 =	sadd.s32 $0xAC00, s4;
	s4 =	sadd.s32 $0xBC00, s4  }
0x14: {  	[tilespmem:s3], [sflag:$0x5] =	stream.linear.gather [hbm4b:s1+s3], $0x600, $0x38;
	[tilespmem:$0x10800] =	vst v63  }
0x15: {  	_ =	swait.ge [sflag:s30], $0x600  }
0x16: {  	[sflag:s30] =	ssyncset.done $0x0  }
0x17: {  	[sflag:s30] =	ssyncadd.s32 $0xFFFFFA00  }
0x18: {  	[tilespmem:s11], [sflag:$0x1] =	stream.indirect.gather [hbm4b:s2+s8], $0x80, s3, s8, $0xb8;
	[tilespmem:$0x10800] =	vst v63  }
0x19: {  	_ = 	snop  }
0x1a: {  	[tilespmem:s15], [sflag:$0x1] =	stream.indirect.gather [hbm4b:s2+s8], $0x80, s8, s8, $0xb8;
	[tilespmem:$0x10800] =	vst v63  }
0x1b: {  	_ =	swait.ge [sflag:s13], $0x8000  }
0x1c: {  	[sflag:s13] =	ssyncset.done $0x0  }
0x1d: {  	[sflag:s13] =	ssyncadd.s32 $0xFFFF8000  }
0x1e: {  	[hbm4b:s23+s3] =	stream.linear.scatter [tilespmem:s11], [sflag:$0x3], $0x8000, $0x38;
	[tilespmem:$0x10800] =	vst v63  }
0x1f: {  	_ = 	snop  }
0x20: {  	[tilespmem:s5], [sflag:$0x2] =	stream.indirect.gather [hbm4b:s2+s8], $0x80, s28, s8, $0xb8;
	[tilespmem:$0x10800] =	vst v63  }
0x21: {  	_ = 	snop  }
0x22: {  	[tilespmem:s12], [sflag:$0x2] =	stream.indirect.gather [hbm4b:s2+s8], $0x80, s29, s8, $0xb8;
	[tilespmem:$0x10800] =	vst v63  }
0x23: {  	_ =	swait.ge [sflag:s10], $0x4000  }
0x24: {  	[sflag:s10] =	ssyncset.done $0x0  }
0x25: {  	[sflag:s10] =	ssyncadd.s32 $0xFFFFC000  }
0x26: {  	_ =	swait.ge [sflag:s10], $0x4000  }
0x27: {  	[sflag:s10] =	ssyncset.done $0x0  }
0x28: {  	[sflag:s10] =	ssyncadd.s32 $0xFFFFC000  }
0x29: {  	[hbm4b:s21+s3] =	stream.linear.scatter [tilespmem:s5], [sflag:$0x4], $0x8000, $0x38;
	[tilespmem:$0x10800] =	vst v63  }
0x2a: {  	_ =	swait.ge [sflag:s6], $0x8000  }
0x2b: {  	[sflag:s6] =	ssyncset.done $0x0  }
0x2c: {  	[sflag:s6] =	ssyncadd.s32 $0xFFFF8000  }
0x2d: {  	[tilespmem:s11], [sflag:$0x1] =	stream.indirect.gather [hbm4b:s2+s8], $0x80, s25, s8, $0xb8;
	[tilespmem:$0x10800] =	vst v63  }
0x2e: {  	_ = 	snop  }
0x2f: {  	[tilespmem:s15], [sflag:$0x1] =	stream.indirect.gather [hbm4b:s2+s8], $0x80, s26, s8, $0xb8;
	[tilespmem:$0x10800] =	vst v63  }
0x30: {  	_ =	swait.ge [sflag:s13], $0x8000  }
0x31: {  	[sflag:s13] =	ssyncset.done $0x0  }
0x32: {  	[sflag:s13] =	ssyncadd.s32 $0xFFFF8000  }
0x33: {  	[hbm4b:s16+s3] =	stream.linear.scatter [tilespmem:s11], [sflag:$0x3], $0x8000, $0x38;
	[tilespmem:$0x10800] =	vst v63  }
0x34: {  	_ =	swait.ge [sflag:s7], $0x8000  }
0x35: {  	[sflag:s7] =	ssyncset.done $0x0  }
0x36: {  	[sflag:s7] =	ssyncadd.s32 $0xFFFF8000  }
0x37: {  	[tilespmem:s5], [sflag:$0x2] =	stream.indirect.gather [hbm4b:s2+s8], $0x80, s22, s8, $0xb8;
	[tilespmem:$0x10800] =	vst v63  }
0x38: {  	_ = 	snop  }
0x39: {  	[tilespmem:s12], [sflag:$0x2] =	stream.indirect.gather [hbm4b:s2+s8], $0x80, s24, s8, $0xb8;
	[tilespmem:$0x10800] =	vst v63  }
0x3a: {  	_ =	swait.ge [sflag:s10], $0x4000  }
0x3b: {  	[sflag:s10] =	ssyncset.done $0x0  }
0x3c: {  	[sflag:s10] =	ssyncadd.s32 $0xFFFFC000  }
0x3d: {  	_ =	swait.ge [sflag:s10], $0x4000  }
0x3e: {  	[sflag:s10] =	ssyncset.done $0x0  }
0x3f: {  	[sflag:s10] =	ssyncadd.s32 $0xFFFFC000  }
0x40: {  	[hbm4b:s14+s3] =	stream.linear.scatter [tilespmem:s5], [sflag:$0x4], $0x8000, $0x38;
	[tilespmem:$0x10800] =	vst v63  }
0x41: {  	_ =	swait.ge [sflag:s6], $0x8000  }
0x42: {  	[sflag:s6] =	ssyncset.done $0x0  }
0x43: {  	[sflag:s6] =	ssyncadd.s32 $0xFFFF8000  }
0x44: {  	[tilespmem:s11], [sflag:$0x1] =	stream.indirect.gather [hbm4b:s2+s8], $0x80, s19, s8, $0xb8;
	[tilespmem:$0x10800] =	vst v63  }
0x45: {  	_ = 	snop  }
0x46: {  	[tilespmem:s15], [sflag:$0x1] =	stream.indirect.gather [hbm4b:s2+s8], $0x80, s20, s8, $0xb8;
	[tilespmem:$0x10800] =	vst v63  }
0x47: {  	_ =	swait.ge [sflag:s13], $0x8000  }
0x48: {  	[sflag:s13] =	ssyncset.done $0x0  }
0x49: {  	[sflag:s13] =	ssyncadd.s32 $0xFFFF8000  }
0x4a: {  	[hbm4b:s9+s3] =	stream.linear.scatter [tilespmem:s11], [sflag:$0x3], $0x8000, $0x38;
	[tilespmem:$0x10800] =	vst v63  }
0x4b: {  	_ =	swait.ge [sflag:s7], $0x8000  }
0x4c: {  	[sflag:s7] =	ssyncset.done $0x0  }
0x4d: {  	[sflag:s7] =	ssyncadd.s32 $0xFFFF8000  }
0x4e: {  	[tilespmem:s5], [sflag:$0x2] =	stream.indirect.gather [hbm4b:s2+s8], $0x80, s17, s8, $0xb8;
	[tilespmem:$0x10800] =	vst v63  }
0x4f: {  	_ = 	snop  }
0x50: {  	[tilespmem:s12], [sflag:$0x2] =	stream.indirect.gather [hbm4b:s2+s8], $0x80, s18, s8, $0xb8;
	[tilespmem:$0x10800] =	vst v63  }
0x51: {  	_ =	swait.ge [sflag:s10], $0x4000  }
0x52: {  	[sflag:s10] =	ssyncset.done $0x0  }
0x53: {  	[sflag:s10] =	ssyncadd.s32 $0xFFFFC000  }
0x54: {  	_ =	swait.ge [sflag:s10], $0x4000  }
0x55: {  	[sflag:s10] =	ssyncset.done $0x0  }
0x56: {  	p1 =	sne.s32 s31, $0x1;
	[sflag:s10] =	ssyncadd.s32 $0xFFFFC000  }
0x57: {  	[hbm4b:s4+s3] =	stream.linear.scatter [tilespmem:s5], [sflag:$0x4], $0x8000, $0x38;
	[tilespmem:$0x10800] =	vst v63  }
.Ltmp1:
0x58: {  	_ =	swait.ge [sflag:s6], $0x8000;
	(pc) =	sbr.rel @!p1 .LBB2_3-.Ltmp1, $4  }
0x59: {  	[sflag:s6] =	ssyncset.done $0x0  }
0x5a: {  	[sflag:s6] =	ssyncadd.s32 $0xFFFF8000  }
0x5b: {  	s31 =	sadd.s32 $0xFFFFFFFF, s31;
	_ =	swait.ge [sflag:s7], $0x8000  }
0x5c: {  	p0 =	por $0x1, $0x1;
	s1 =	rddreg [dreg:$0x4];
	[sflag:s7] =	ssyncset.done $0x0  }
.LBB2_2:
0x5d: {  	[sflag:s7] =	ssyncadd.s32 $0xFFFF8000  }
0x5e: {  	[tilespmem:s3], [sflag:$0x5] =	stream.linear.gather [hbm4b:s1+s3], $0x600, $0x38;
	[tilespmem:$0x10800] =	vst v63  }
0x5f: {  	_ =	swait.ge [sflag:s30], $0x600  }
0x60: {  	[sflag:s30] =	ssyncset.done $0x0  }
0x61: {  	[sflag:s30] =	ssyncadd.s32 $0xFFFFFA00  }
0x62: {  	[tilespmem:s11], [sflag:$0x1] =	stream.indirect.gather [hbm4b:s2+s8], $0x80, s3, s8, $0xb8;
	[tilespmem:$0x10800] =	vst v63  }
0x63: {  	_ = 	snop  }
0x64: {  	[tilespmem:s15], [sflag:$0x1] =	stream.indirect.gather [hbm4b:s2+s8], $0x80, s8, s8, $0xb8;
	[tilespmem:$0x10800] =	vst v63  }
0x65: {  	_ =	swait.ge [sflag:s13], $0x8000  }
0x66: {  	[sflag:s13] =	ssyncset.done $0x0  }
0x67: {  	[sflag:s13] =	ssyncadd.s32 $0xFFFF8000  }
0x68: {  	[hbm4b:s23+s3] =	stream.linear.scatter [tilespmem:s11], [sflag:$0x3], $0x8000, $0x38;
	[tilespmem:$0x10800] =	vst v63  }
0x69: {  	_ = 	snop  }
0x6a: {  	[tilespmem:s5], [sflag:$0x2] =	stream.indirect.gather [hbm4b:s2+s8], $0x80, s28, s8, $0xb8;
	[tilespmem:$0x10800] =	vst v63  }
0x6b: {  	_ = 	snop  }
0x6c: {  	[tilespmem:s12], [sflag:$0x2] =	stream.indirect.gather [hbm4b:s2+s8], $0x80, s29, s8, $0xb8;
	[tilespmem:$0x10800] =	vst v63  }
0x6d: {  	_ =	swait.ge [sflag:s10], $0x4000  }
0x6e: {  	[sflag:s10] =	ssyncset.done $0x0  }
0x6f: {  	[sflag:s10] =	ssyncadd.s32 $0xFFFFC000  }
0x70: {  	_ =	swait.ge [sflag:s10], $0x4000  }
0x71: {  	[sflag:s10] =	ssyncset.done $0x0  }
0x72: {  	[sflag:s10] =	ssyncadd.s32 $0xFFFFC000  }
0x73: {  	[hbm4b:s21+s3] =	stream.linear.scatter [tilespmem:s5], [sflag:$0x4], $0x8000, $0x38;
	[tilespmem:$0x10800] =	vst v63  }
0x74: {  	_ =	swait.ge [sflag:s6], $0x8000  }
0x75: {  	[sflag:s6] =	ssyncset.done $0x0  }
0x76: {  	[sflag:s6] =	ssyncadd.s32 $0xFFFF8000  }
0x77: {  	[tilespmem:s11], [sflag:$0x1] =	stream.indirect.gather [hbm4b:s2+s8], $0x80, s25, s8, $0xb8;
	[tilespmem:$0x10800] =	vst v63  }
0x78: {  	_ = 	snop  }
0x79: {  	[tilespmem:s15], [sflag:$0x1] =	stream.indirect.gather [hbm4b:s2+s8], $0x80, s26, s8, $0xb8;
	[tilespmem:$0x10800] =	vst v63  }
0x7a: {  	_ =	swait.ge [sflag:s13], $0x8000  }
0x7b: {  	[sflag:s13] =	ssyncset.done $0x0  }
0x7c: {  	[sflag:s13] =	ssyncadd.s32 $0xFFFF8000  }
0x7d: {  	[hbm4b:s16+s3] =	stream.linear.scatter [tilespmem:s11], [sflag:$0x3], $0x8000, $0x38;
	[tilespmem:$0x10800] =	vst v63  }
0x7e: {  	_ =	swait.ge [sflag:s7], $0x8000  }
0x7f: {  	[sflag:s7] =	ssyncset.done $0x0  }
0x80: {  	[sflag:s7] =	ssyncadd.s32 $0xFFFF8000  }
0x81: {  	[tilespmem:s5], [sflag:$0x2] =	stream.indirect.gather [hbm4b:s2+s8], $0x80, s22, s8, $0xb8;
	[tilespmem:$0x10800] =	vst v63  }
0x82: {  	_ = 	snop  }
0x83: {  	[tilespmem:s12], [sflag:$0x2] =	stream.indirect.gather [hbm4b:s2+s8], $0x80, s24, s8, $0xb8;
	[tilespmem:$0x10800] =	vst v63  }
0x84: {  	_ =	swait.ge [sflag:s10], $0x4000  }
0x85: {  	[sflag:s10] =	ssyncset.done $0x0  }
0x86: {  	[sflag:s10] =	ssyncadd.s32 $0xFFFFC000  }
0x87: {  	_ =	swait.ge [sflag:s10], $0x4000  }
0x88: {  	[sflag:s10] =	ssyncset.done $0x0  }
0x89: {  	[sflag:s10] =	ssyncadd.s32 $0xFFFFC000  }
0x8a: {  	[hbm4b:s14+s3] =	stream.linear.scatter [tilespmem:s5], [sflag:$0x4], $0x8000, $0x38;
	[tilespmem:$0x10800] =	vst v63  }
0x8b: {  	_ =	swait.ge [sflag:s6], $0x8000  }
0x8c: {  	[sflag:s6] =	ssyncset.done $0x0  }
0x8d: {  	[sflag:s6] =	ssyncadd.s32 $0xFFFF8000  }
0x8e: {  	[tilespmem:s11], [sflag:$0x1] =	stream.indirect.gather [hbm4b:s2+s8], $0x80, s19, s8, $0xb8;
	[tilespmem:$0x10800] =	vst v63  }
0x8f: {  	_ = 	snop  }
0x90: {  	[tilespmem:s15], [sflag:$0x1] =	stream.indirect.gather [hbm4b:s2+s8], $0x80, s20, s8, $0xb8;
	[tilespmem:$0x10800] =	vst v63  }
0x91: {  	_ =	swait.ge [sflag:s13], $0x8000  }
0x92: {  	[sflag:s13] =	ssyncset.done $0x0  }
0x93: {  	[sflag:s13] =	ssyncadd.s32 $0xFFFF8000  }
0x94: {  	[hbm4b:s9+s3] =	stream.linear.scatter [tilespmem:s11], [sflag:$0x3], $0x8000, $0x38;
	[tilespmem:$0x10800] =	vst v63  }
0x95: {  	_ =	swait.ge [sflag:s7], $0x8000  }
0x96: {  	[sflag:s7] =	ssyncset.done $0x0  }
0x97: {  	[sflag:s7] =	ssyncadd.s32 $0xFFFF8000  }
0x98: {  	[tilespmem:s5], [sflag:$0x2] =	stream.indirect.gather [hbm4b:s2+s8], $0x80, s17, s8, $0xb8;
	[tilespmem:$0x10800] =	vst v63  }
0x99: {  	_ = 	snop  }
0x9a: {  	[tilespmem:s12], [sflag:$0x2] =	stream.indirect.gather [hbm4b:s2+s8], $0x80, s18, s8, $0xb8;
	[tilespmem:$0x10800] =	vst v63  }
0x9b: {  	_ =	swait.ge [sflag:s10], $0x4000  }
0x9c: {  	[sflag:s10] =	ssyncset.done $0x0  }
0x9d: {  	[sflag:s10] =	ssyncadd.s32 $0xFFFFC000  }
0x9e: {  	_ =	swait.ge [sflag:s10], $0x4000  }
0x9f: {  	[sflag:s10] =	ssyncset.done $0x0  }
0xa0: {  	p1 =	sne.s32 s31, $0x1;
	[sflag:s10] =	ssyncadd.s32 $0xFFFFC000  }
0xa1: {  	[hbm4b:s4+s3] =	stream.linear.scatter [tilespmem:s5], [sflag:$0x4], $0x8000, $0x38;
	[tilespmem:$0x10800] =	vst v63  }
.Ltmp2:
0xa2: {  	_ =	swait.ge [sflag:s6], $0x8000;
	(pc) =	sbr.rel @p1 .LBB2_2-.Ltmp2, $4  }
0xa3: {  	[sflag:s6] =	ssyncset.done $0x0  }
0xa4: {  	[sflag:s6] =	ssyncadd.s32 $0xFFFF8000  }
0xa5: {  	_ =	swait.ge [sflag:s7], $0x8000  }
0xa6: {  	s31 =	sadd.s32 $0xFFFFFFFF, s31;
	s1 =	rddreg [dreg:$0x4];
	[sflag:s7] =	ssyncset.done $0x0  }
.LBB2_3:
0xa7: {  	[sflag:s7] =	ssyncadd.s32 @p0 $0xFFFF8000  }
0xa8: {  	[tilespmem:s3], [sflag:$0x5] =	stream.linear.gather [hbm4b:s1+s3], $0x600, $0x38;
	[tilespmem:$0x10800] =	vst v63  }
0xa9: {  	_ =	swait.ge [sflag:s30], $0x600  }
0xaa: {  	[sflag:s30] =	ssyncset.done $0x0  }
0xab: {  	[sflag:s30] =	ssyncadd.s32 $0xFFFFFA00  }
0xac: {  	[tilespmem:s11], [sflag:$0x1] =	stream.indirect.gather [hbm4b:s2+s8], $0x80, s3, s8, $0xb8;
	[tilespmem:$0x10800] =	vst v63  }
0xad: {  	_ = 	snop  }
0xae: {  	[tilespmem:s15], [sflag:$0x1] =	stream.indirect.gather [hbm4b:s2+s8], $0x80, s8, s8, $0xb8;
	[tilespmem:$0x10800] =	vst v63  }
0xaf: {  	_ =	swait.ge [sflag:s13], $0x8000  }
0xb0: {  	[sflag:s13] =	ssyncset.done $0x0  }
0xb1: {  	[sflag:s13] =	ssyncadd.s32 $0xFFFF8000  }
0xb2: {  	[hbm4b:s23+s3] =	stream.linear.scatter [tilespmem:s11], [sflag:$0x3], $0x8000, $0x38;
	[tilespmem:$0x10800] =	vst v63  }
0xb3: {  	_ = 	snop  }
0xb4: {  	[tilespmem:s5], [sflag:$0x2] =	stream.indirect.gather [hbm4b:s2+s8], $0x80, s28, s8, $0xb8;
	[tilespmem:$0x10800] =	vst v63  }
0xb5: {  	_ = 	snop  }
0xb6: {  	[tilespmem:s12], [sflag:$0x2] =	stream.indirect.gather [hbm4b:s2+s8], $0x80, s29, s8, $0xb8;
	[tilespmem:$0x10800] =	vst v63  }
0xb7: {  	_ =	swait.ge [sflag:s10], $0x4000  }
0xb8: {  	[sflag:s10] =	ssyncset.done $0x0  }
0xb9: {  	[sflag:s10] =	ssyncadd.s32 $0xFFFFC000  }
0xba: {  	_ =	swait.ge [sflag:s10], $0x4000  }
0xbb: {  	[sflag:s10] =	ssyncset.done $0x0  }
0xbc: {  	[sflag:s10] =	ssyncadd.s32 $0xFFFFC000  }
0xbd: {  	[hbm4b:s21+s3] =	stream.linear.scatter [tilespmem:s5], [sflag:$0x4], $0x8000, $0x38;
	[tilespmem:$0x10800] =	vst v63  }
0xbe: {  	_ =	swait.ge [sflag:s6], $0x8000  }
0xbf: {  	[sflag:s6] =	ssyncset.done $0x0  }
0xc0: {  	[sflag:s6] =	ssyncadd.s32 $0xFFFF8000  }
0xc1: {  	[tilespmem:s11], [sflag:$0x1] =	stream.indirect.gather [hbm4b:s2+s8], $0x80, s25, s8, $0xb8;
	[tilespmem:$0x10800] =	vst v63  }
0xc2: {  	_ = 	snop  }
0xc3: {  	[tilespmem:s15], [sflag:$0x1] =	stream.indirect.gather [hbm4b:s2+s8], $0x80, s26, s8, $0xb8;
	[tilespmem:$0x10800] =	vst v63  }
0xc4: {  	_ =	swait.ge [sflag:s13], $0x8000  }
0xc5: {  	[sflag:s13] =	ssyncset.done $0x0  }
0xc6: {  	[sflag:s13] =	ssyncadd.s32 $0xFFFF8000  }
0xc7: {  	[hbm4b:s16+s3] =	stream.linear.scatter [tilespmem:s11], [sflag:$0x3], $0x8000, $0x38;
	[tilespmem:$0x10800] =	vst v63  }
0xc8: {  	_ =	swait.ge [sflag:s7], $0x8000  }
0xc9: {  	[sflag:s7] =	ssyncset.done $0x0  }
0xca: {  	[sflag:s7] =	ssyncadd.s32 $0xFFFF8000  }
0xcb: {  	[tilespmem:s5], [sflag:$0x2] =	stream.indirect.gather [hbm4b:s2+s8], $0x80, s22, s8, $0xb8;
	[tilespmem:$0x10800] =	vst v63  }
0xcc: {  	_ = 	snop  }
0xcd: {  	[tilespmem:s12], [sflag:$0x2] =	stream.indirect.gather [hbm4b:s2+s8], $0x80, s24, s8, $0xb8;
	[tilespmem:$0x10800] =	vst v63  }
0xce: {  	_ =	swait.ge [sflag:s10], $0x4000  }
0xcf: {  	[sflag:s10] =	ssyncset.done $0x0  }
0xd0: {  	[sflag:s10] =	ssyncadd.s32 $0xFFFFC000  }
0xd1: {  	_ =	swait.ge [sflag:s10], $0x4000  }
0xd2: {  	[sflag:s10] =	ssyncset.done $0x0  }
0xd3: {  	[sflag:s10] =	ssyncadd.s32 $0xFFFFC000  }
0xd4: {  	[hbm4b:s14+s3] =	stream.linear.scatter [tilespmem:s5], [sflag:$0x4], $0x8000, $0x38;
	[tilespmem:$0x10800] =	vst v63  }
0xd5: {  	_ =	swait.ge [sflag:s6], $0x8000  }
0xd6: {  	[sflag:s6] =	ssyncset.done $0x0  }
0xd7: {  	[sflag:s6] =	ssyncadd.s32 $0xFFFF8000  }
0xd8: {  	[tilespmem:s11], [sflag:$0x1] =	stream.indirect.gather [hbm4b:s2+s8], $0x80, s19, s8, $0xb8;
	[tilespmem:$0x10800] =	vst v63  }
0xd9: {  	_ = 	snop  }
0xda: {  	[tilespmem:s15], [sflag:$0x1] =	stream.indirect.gather [hbm4b:s2+s8], $0x80, s20, s8, $0xb8;
	[tilespmem:$0x10800] =	vst v63  }
0xdb: {  	_ =	swait.ge [sflag:s13], $0x8000  }
0xdc: {  	[sflag:s13] =	ssyncset.done $0x0  }
0xdd: {  	[sflag:s13] =	ssyncadd.s32 $0xFFFF8000  }
0xde: {  	[hbm4b:s9+s3] =	stream.linear.scatter [tilespmem:s11], [sflag:$0x3], $0x8000, $0x38;
	[tilespmem:$0x10800] =	vst v63  }
0xdf: {  	_ =	swait.ge [sflag:s7], $0x8000  }
0xe0: {  	[sflag:s7] =	ssyncset.done $0x0  }
0xe1: {  	[sflag:s7] =	ssyncadd.s32 $0xFFFF8000  }
0xe2: {  	[tilespmem:s5], [sflag:$0x2] =	stream.indirect.gather [hbm4b:s2+s8], $0x80, s17, s8, $0xb8;
	[tilespmem:$0x10800] =	vst v63  }
0xe3: {  	_ = 	snop  }
0xe4: {  	[tilespmem:s12], [sflag:$0x2] =	stream.indirect.gather [hbm4b:s2+s8], $0x80, s18, s8, $0xb8;
	[tilespmem:$0x10800] =	vst v63  }
0xe5: {  	_ =	swait.ge [sflag:s10], $0x4000  }
0xe6: {  	[sflag:s10] =	ssyncset.done $0x0  }
0xe7: {  	[sflag:s10] =	ssyncadd.s32 $0xFFFFC000  }
0xe8: {  	_ =	swait.ge [sflag:s10], $0x4000  }
0xe9: {  	[sflag:s10] =	ssyncset.done $0x0  }
0xea: {  	[sflag:s10] =	ssyncadd.s32 $0xFFFFC000  }
0xeb: {  	[hbm4b:s4+s3] =	stream.linear.scatter [tilespmem:s5], [sflag:$0x4], $0x8000, $0x38;
	[tilespmem:$0x10800] =	vst v63  }
0xec: {  	_ =	swait.ge [sflag:s6], $0x8000  }
0xed: {  	[sflag:s6] =	ssyncset.done $0x0  }
0xee: {  	[sflag:s6] =	ssyncadd.s32 $0xFFFF8000  }
0xef: {  	_ =	swait.ge [sflag:s7], $0x8000  }
0xf0: {  	[sflag:s7] =	ssyncset.done $0x0  }
0xf1: {  	[sflag:s7] =	ssyncadd.s32 $0xFFFF8000  }
0xf2: {  	_ =	sfence.sel $0x180000  }
0xf3: {  	[bflag:$0x0] =	sbarrier.arrive $0xFFFF  }
0xf4: {  	_ =	strace $0x90000047  }
0xf5: {  	[bflag:$0x2] =	sbarrier.arrive $0xFFFF  }
0xf6: {  	p0 =	sne.s32 s0, $0x0;
	s0 =	rddreg [dreg:$0x3]  }
0xf7: {  	s0 =	sadd.s32 @!p0 $0x100000, s0  }
0xf8: {  	[sflag:s0] =	ssyncadd.tile.s32 @!p0 $0x1;
	_ =	shalt  }
.Lfunc_end2:
_tile_overlayer_lowered:
.L_overlay_start_2:
0xf9: {  	(tag) =	ssettag $0x2  }
0xfa: {  	s0 =	rddreg [dreg:$0x0];
	s2 =	stileid.u32  }
0xfb: {  	s1 =	rddreg [dreg:$0x1];
	p0 =	sne.s32 s2, $0x0  }
0xfc: {  	s3 =	rddreg [dreg:$0x2];
	[bflag:$0x3] =	sbarrier.arrive $0xFFFF;
	s2 =	simm.s32 @!p0 $0x1C05  }
0xfd: {  	[timem:s3], [sflag:s2] =	dma.local @!p0 [hbm:s0], s1  }
0xfe: {  	s0 =	simm.s32 @!p0 $0x5  }
0xff: {  	_ =	swait.ge @!p0 [sflag:s0], s1  }
0x100: {  	s1 =	ssub.s32 @!p0 $0x0, s1;
	[sflag:s0] =	ssyncset.done @!p0 $0x0  }
0x101: {  	[sflag:s0] =	ssyncadd.s32 @!p0 s1  }
0x102: {  	[bflag:$0x3] =	sbarrier.arrive $0xFFFF  }
0x103: {  	_ =	shalt  }

// kernel: kernel.9.cloned.1.call-start
scs
__scs_entry_jumppad:
0x0: {  	(pc) =	sbr.rel $0x88, $3  }
0x1: {  	(tag) =	ssettag $0x0;
	lr =	simm.s32 $0x1  }
0x2: {  	[smem:$0x3F93] =	sst lr;
	_ =	strace $0xD0000000  }
0x3: {  	_ = 	snop  }
0x4: {  	_ = 	snop  }
0x5: {  	_ = 	snop  }
0x6: {  	_ = 	snop  }
0x7: {  	_ = 	snop  }
__scs_overlays_trampoline_lowered:
0x8: {  	[smem:$0x3FA2] =	sst s0  }
0x9: {  	[smem:$0x3FA3] =	sst s1  }
0xa: {  	[smem:$0x3FA4] =	sst s2  }
0xb: {  	[smem:$0x3FA5] =	sst s3  }
0xc: {  	[smem:$0x3FA6] =	sst s4  }
0xd: {  	[smem:$0x3FA7] =	sst s5  }
0xe: {  	[smem:$0x3FA8] =	sst s6  }
0xf: {  	[smem:$0x3FA9] =	sst s7  }
0x10: {  	[smem:$0x3FAA] =	sst s8  }
0x11: {  	[smem:$0x3FAB] =	sst s9;
	s0 =	simm.s32 @!p0 $0x0  }
0x12: {  	s1 =	sld [smem:$0x3F91];
	s0 =	simm.s32 @p0 $0x1  }
0x13: {  	[smem:$0x3FAC] =	sst s0;
	s0 =	simm.s32 @!p1 $0x0  }
0x14: {  	s2 =	sld [smem:$0x3F90];
	s0 =	simm.s32 @p1 $0x1  }
0x15: {  	[smem:$0x3FAD] =	sst s0;
	s0 =	simm.s32 @!p2 $0x0  }
0x16: {  	s3 =	sld [smem:$0x3FDB];
	s0 =	simm.s32 @p2 $0x1  }
0x17: {  	s4 =	simm.s32 $0x1BF5;
	[smem:$0x3FAF] =	sst s0  }
0x18: {  	s0 =	sld [smem:$0x3F92];
	_ =	swait.ge [sflag:s4], $0x0  }
0x19: {  	s7 =	sld [smem:$0x3F93]  }
0x1a: {  	s8 =	sadd.s32 $0xFFFFE003, lr  }
0x1b: {  	s9 =	sadd.s32 $0xFFFFFEF7, lr;
	s5 =	simm.s32 $0xFFFFFFFF;
	p2 =	slt.u32 s8, $0xFFFFF086  }
0x1c: {  	p1 =	slt.u32 s9, $0xF7A;
	s5 =	simm.s32 @!p2 $0x0  }
0x1d: {  	s5 =	simm.s32 @p1 $0x1;
	p0 =	seq.s32 s7, s2  }
0x1e: {  	s7 =	smul.u32 @!p0 $0xF7A, s2;
	p2 =	seq.s32 @!p0 s5, $0x0  }
0x1f: {  	s9 =	smul.u32 $0xF7A, s1;
	s8 =	simm.s32 @!p0 $0x1BF5;
	p2 =	por !p2, p0  }
0x20: {  	[sflag:s8] =	ssyncset.s32 @!p0 $0xFFFFF086;
	s6 =	sadd.s32 @!p0 s3, s7;
	s7 =	simm.s32 @!p0 $0x108  }
0x21: {  	s3 =	sadd.s32 s3, s9;
	s6 =	sadd.s32 @!p0 $0x88, s6;
	s7 =	simm.s32 @p2 $0x1082  }
0x22: {  	[simem:s7], [sflag:s8] =	dma.local @!p0 [hbm:s6], $0xF7A  }
0x23: {  	s9 =	sor.u32 $0xD0000000, s2;
	s6 =	simm.s32 $0x108;
	_ =	swait.ge @!p0 [sflag:s8], $0x0  }
0x24: {  	s3 =	sadd.s32 $0x88, s3;
	s6 =	simm.s32 @!p1 $0x1082;
	[sflag:s4] =	ssyncset.s32 $0xFFFFF086  }
0x25: {  	[simem:s6], [sflag:s4] =	dma.local [hbm:s3], $0xF7A  }
0x26: {  	[smem:$0x3F93] =	sst s1;
	(tag) =	ssettag s2;
	_ =	strace s9  }
0x27: {  	s1 =	sld [smem:$0x3FA3]  }
0x28: {  	s2 =	sld [smem:$0x3FA4]  }
0x29: {  	s4 =	sld [smem:$0x3FA6]  }
0x2a: {  	p0 =	seq.s32 s5, $0x0;
	s5 =	sld [smem:$0x3FA7]  }
0x2b: {  	s6 =	sld [smem:$0x3FA8]  }
0x2c: {  	s7 =	sld [smem:$0x3FA9]  }
0x2d: {  	s3 =	simm.s32 $0x108;
	s8 =	sld [smem:$0x3FAA]  }
0x2e: {  	s3 =	simm.s32 @!p0 $0x1082;
	s9 =	sld [smem:$0x3FAB]  }
0x2f: {  	lr =	sadd.s32 s0, s3;
	s0 =	sld [smem:$0x3FA2]  }
0x30: {  	s3 =	sld [smem:$0x3FA5]  }
0x31: {  	[smem:$0x3FAE] =	sst s10  }
0x32: {  	s10 =	sld [smem:$0x3FAC];
	_ =	sdelay $0x3  }
0x33: {  	p0 =	seq.s32 s10, $0x1;
	s10 =	sld [smem:$0x3FAE];
	_ =	sdelay $0x3  }
0x34: {  	[smem:$0x3FAE] =	sst s10  }
0x35: {  	s10 =	sld [smem:$0x3FAD];
	_ =	sdelay $0x3  }
0x36: {  	p1 =	seq.s32 s10, $0x1;
	s10 =	sld [smem:$0x3FAE];
	_ =	sdelay $0x3  }
0x37: {  	[smem:$0x3FAE] =	sst s10  }
0x38: {  	s10 =	sld [smem:$0x3FAF]  }
0x39: {  	_ = 	snop;
	(pc) =	sbr.ind lr, $3  }
0x3a: {  	_ = 	snop  }
0x3b: {  	_ = 	snop  }
0x3c: {  	p2 =	seq.s32 s10, $0x1;
	s10 =	sld [smem:$0x3FAE]  }
0x3d: {  	_ =	shalt  }
0x3e: {  	_ =	shalt  }
0x3f: {  	_ =	shalt  }
0x40: {  	_ =	shalt  }
0x41: {  	_ =	shalt  }
0x42: {  	_ =	shalt  }
0x43: {  	_ =	shalt  }
0x44: {  	_ =	shalt  }
0x45: {  	_ =	shalt  }
0x46: {  	_ =	shalt  }
0x47: {  	_ =	shalt  }
0x48: {  	_ =	shalt  }
0x49: {  	_ =	shalt  }
0x4a: {  	_ =	shalt  }
0x4b: {  	_ =	shalt  }
0x4c: {  	_ =	shalt  }
0x4d: {  	_ =	shalt  }
0x4e: {  	_ =	shalt  }
0x4f: {  	_ =	shalt  }
0x50: {  	_ =	shalt  }
0x51: {  	_ =	shalt  }
0x52: {  	_ =	shalt  }
0x53: {  	_ =	shalt  }
0x54: {  	_ =	shalt  }
0x55: {  	_ =	shalt  }
0x56: {  	_ =	shalt  }
0x57: {  	_ =	shalt  }
0x58: {  	_ =	shalt  }
0x59: {  	_ =	shalt  }
0x5a: {  	_ =	shalt  }
0x5b: {  	_ =	shalt  }
0x5c: {  	_ =	shalt  }
0x5d: {  	_ =	shalt  }
0x5e: {  	_ =	shalt  }
0x5f: {  	_ =	shalt  }
0x60: {  	_ =	shalt  }
0x61: {  	_ =	shalt  }
0x62: {  	_ =	shalt  }
0x63: {  	_ =	shalt  }
0x64: {  	_ =	shalt  }
0x65: {  	_ =	shalt  }
0x66: {  	_ =	shalt  }
0x67: {  	_ =	shalt  }
0x68: {  	_ =	shalt  }
0x69: {  	_ =	shalt  }
0x6a: {  	_ =	shalt  }
0x6b: {  	_ =	shalt  }
0x6c: {  	_ =	shalt  }
0x6d: {  	_ =	shalt  }
0x6e: {  	_ =	shalt  }
0x6f: {  	_ =	shalt  }
0x70: {  	_ =	shalt  }
0x71: {  	_ =	shalt  }
0x72: {  	_ =	shalt  }
0x73: {  	_ =	shalt  }
0x74: {  	_ =	shalt  }
0x75: {  	_ =	shalt  }
0x76: {  	_ =	shalt  }
0x77: {  	_ =	shalt  }
0x78: {  	_ =	shalt  }
0x79: {  	_ =	shalt  }
0x7a: {  	_ =	shalt  }
0x7b: {  	_ =	shalt  }
0x7c: {  	_ =	shalt  }
0x7d: {  	_ =	shalt  }
0x7e: {  	_ =	shalt  }
0x7f: {  	_ =	shalt  }
0x80: {  	_ =	shalt  }
0x81: {  	_ =	shalt  }
0x82: {  	_ =	shalt  }
0x83: {  	_ =	shalt  }
0x84: {  	_ =	shalt  }
0x85: {  	_ =	shalt  }
0x86: {  	_ =	shalt  }
0x87: {  	_ =	shalt  }
.Lfunc_end0:
.L_simem_size_0:
called_computation.1_lowered:
.L_overlay_start_0:
0x88: {  	s2 =	sld [smem:$0x3FD9]  }
0x89: {  	s3 =	sld [smem:$0x3FFE];
	_ =	sdelay $0x1  }
0x8a: {  	s1 =	srdreg.scid  }
0x8b: {  	s0 =	sand.u32 $0x1, s1  }
0x8c: {  	s17 =	sshll.u32 s0, $0xA;
	s2 =	sadd.s32 s3, s2  }
0x8d: {  	s2 =	sadd.s32 s2, s17  }
0x8e: {  	[smem:$0x3FBA] =	sst s2  }
0x8f: {  	_ = 	snop  }
0x90: {  	s18 =	sld [smem:$0x3FC6];
	(tm) =	ssettm $0x1  }
0x91: {  	s19 =	sld [smem:$0x3FFB];
	_ =	sdelay $0x3  }
0x92: {  	_ =	strace s19  }
0x93: {  	s2 =	sld [smem:$0x3FFC];
	_ =	sdelay $0x3  }
0x94: {  	_ =	strace s2  }
0x95: {  	s2 =	sld [smem:$0x3FFD];
	_ =	sdelay $0x3  }
0x96: {  	_ =	strace s2  }
0x97: {  	_ =	strace $0x8FFFFFFF  }
0x98: {  	s20 =	sld [smem:$0x3FDB];
	_ =	sdelay $0x1  }
0x99: {  	s4 =	simm.s32 $_scs_section_size  }
0x9a: {  	s5 =	simm.s32 $_size__tile_overlayer_lowered;
	s6 =	simm.s32 $_tile_overlayer_lowered  }
0x9b: {  	s7 =	simm.s32 $0x1BFF;
	s21 =	sshll.u32 s6, $0x1;
	s4 =	sadd.s32 s4, s20  }
0x9c: {  	s22 =	simm.s32 $0x0;
	s5 =	sshll.u32 s5, $0x1;
	s6 =	sadd.s32 s21, s4  }
0x9d: {  	[timem:s22], [sflag:s7] =	dma.local [hbm:s6], s5  }
0x9e: {  	_ =	swait.ge [sflag:s7], s5  }
0x9f: {  	s5 =	ssub.s32 $0x0, s5;
	[sflag:s7] =	ssyncset.done $0x0  }
0xa0: {  	[sflag:s7] =	ssyncadd.s32 s5;
	_ =	sdelay $0x1  }
0xa1: {  	s23 =	simm.s32 $0x1B8B  }
0xa2: {  	_ =	swait.ge [sflag:s23], $0x1  }
0xa3: {  	[sflag:s23] =	ssyncset.done $0x0  }
0xa4: {  	[sflag:s23] =	ssyncadd.s32 $0xFFFFFFFF  }
0xa5: {  	s5 =	sld [smem:$0x0]  }
0xa6: {  	s6 =	sand.u32 $0xFFFFFFFE, s1  }
0xa7: {  	p0 =	sne.s32 s1, s6  }
0xa8: {  	s6 =	sshll.u32 @p0 s6, $0xE  }
0xa9: {  	s6 =	sadd.s32 @p0 $0x11B8D, s6;
	s7 =	sshll.u32 @p0 s5, $0x11  }
0xaa: {  	s6 =	sor.u32 @p0 s7, s6  }
0xab: {  	[sflag:s6] =	ssyncadd.remote.s32 @p0 $0x1;
	_ =	sdelay $0x1  }
0xac: {  	s6 =	simm.s32 @p0 $0x1B8D  }
0xad: {  	_ =	swait.eq @p0 [sflag:s6], $0x1  }
0xae: {  	[sflag:s6] =	ssyncadd.s32 @p0 $0xFFFFFFFF  }
0xaf: {  	s7 =	sshll.u32 @!p0 s1, $0xE  }
0xb0: {  	s7 =	sor.u32 @!p0 $0x4000, s7;
	s6 =	simm.s32 @!p0 $0x1B8D  }
0xb1: {  	s5 =	sshll.u32 @!p0 s5, $0x11;
	s7 =	sadd.s32 @!p0 $0x11B8D, s7;
	_ =	swait.eq @!p0 [sflag:s6], $0x1  }
0xb2: {  	s5 =	sor.u32 @!p0 s5, s7;
	[sflag:s6] =	ssyncadd.s32 @!p0 $0xFFFFFFFF  }
0xb3: {  	s25 =	simm.s32 $0x1B8E;
	s24 =	sld [smem:$0x3FFE];
	[sflag:s5] =	ssyncadd.remote.s32 @!p0 $0x1  }
0xb4: {  	s26 =	simm.s32 $execute0_lowered;
	[smem:$0x3FD2] =	sst s25  }
0xb5: {  	s6 =	sshll.u32 s26, $0x1;
	_ =	strace $0x80000049;
	[dreg:$0x1] =	wrdreg $0xFFFFFFFF  }
0xb6: {  	s28 =	simm.s32 $_size_execute0_lowered;
	s4 =	sadd.s32 s4, s6;
	[dreg:$0x0] =	wrdreg $0x0  }
0xb7: {  	s6 =	sshll.u32 s28, $0x1;
	[dreg:$0x2] =	wrdreg s4  }
0xb8: {  	[dreg:$0x3] =	wrdreg s6  }
0xb9: {  	[dreg:$0x4] =	wrdreg $0xC0  }
0xba: {  	_ =	task [dreg:s22], $0x5FFFF  }
0xbb: {  	[dreg:$0x1] =	wrdreg $0xFFFFFFFF  }
0xbc: {  	[dreg:$0x0] =	wrdreg $0x60  }
0xbd: {  	[dreg:$0x2] =	wrdreg s18  }
0xbe: {  	[dreg:$0x3] =	wrdreg s24  }
0xbf: {  	[dreg:$0x4] =	wrdreg $0xA  }
0xc0: {  	_ =	task.clear_ibuf [dreg:s22], $0x5FFFF;
	_ =	strace $0x90000049  }
0xc1: {  	s29 =	simm.s32 $0xA;
	_ =	strace $0x8000004B  }
0xc2: {  	_ =	swait.ge [sflag:s29], $0x1  }
0xc3: {  	[sflag:s29] =	ssyncadd.s32 $0xFFFFFFFF  }
0xc4: {  	_ =	strace $0x9000004B  }
0xc5: {  	_ =	sfence  }
0xc6: {  	s30 =	sld [smem:$0x0];
	_ =	sdelay $0x2  }
0xc7: {  	s31 =	sshll.u32 s1, $0xD;
	s1 =	sshrl.u32 s1, $0x2  }
0xc8: {  	s4 =	sand.u32 $0x4000, s31;
	s1 =	sadd.s32 s1, s30  }
0xc9: {  	s0 =	sor.u32 s4, s0;
	s1 =	sshll.u32 s1, $0x11  }
0xca: {  	s0 =	sor.u32 s1, s0  }
0xcb: {  	s0 =	sadd.s32 $0x8F2B, s0  }
0xcc: {  	[sflag:s0] =	ssyncadd.remote.s32 $0x1  }
0xcd: {  	_ =	sfence.sel $0xFFFF  }
0xce: {  	[dreg:$0x0] =	wrdreg $0xFFFFFFFF;
	(pc) =	sbr.abs _section_cstart, $3  }
0xcf: {  	[dreg:$0x1] =	wrdreg $0xFFFFFFFF  }
0xd0: {  	_ =	task.clear_ibuf [dreg:s22], $0x2FFFF;
	_ =	strace $0x9FFFFFFF  }
0xd1: {  	(tm) =	ssettm $0x7FFFFFFF  }
tec
execute0_lowered:
.L_overlay_start_1:
0x0: {  	(tag) =	ssettag $0x1  }
0x1: {  	s1 =	srdreg.scid;
	s2 =	rddreg [dreg:$0x0]  }
0x2: {  	s0 =	stileid.u32;
	s5 =	rddreg [dreg:$0x1];
	s3 =	simm.s32 $0x0  }
0x3: {  	s11 =	simm.s32 $0x1000;
	s12 =	simm.s32 $0x5000;
	s13 =	simm.s32 $0x1  }
0x4: {  	s14 =	simm.s32 $0x100;
	s15 =	simm.s32 $0x9000;
	s16 =	simm.s32 $0x180  }
0x5: {  	s17 =	simm.s32 $0xD000;
	s18 =	simm.s32 $0x2;
	s19 =	simm.s32 $0x3  }
0x6: {  	s20 =	simm.s32 $0x200;
	s21 =	simm.s32 $0x280;
	s22 =	simm.s32 $0x4  }
0x7: {  	s23 =	simm.s32 $0x0;
	s4 =	sand.u32 $0x1, s1;
	s1 =	rddreg [dreg:$0x2]  }
0x8: {  	s6 =	sshll.u32 s0, $0xD;
	[smem:$0x7FF] =	sst s3;
	s31 =	sshll.u32 s0, $0x11  }
0x9: {  	s7 =	sshll.u32 s4, $0xC;
	s8 =	ssub.s32 $0x2, s4;
	_ =	strace $0x8000004A  }
0xa: {  	s10 =	sshll.u32 s4, $0x10;
	s6 =	sor.u32 s7, s6;
	s9 =	sshrl.u32 s8, $0x1  }
.Ltmp0:
0xb: {  	s7 =	sshrl.u32 s6, $0x3;
	s8 =	ssub.s32 s8, s9;
	(pc) =	sbr.rel .LBB2_1-.Ltmp0, $4  }
0xc: {  	s6 =	sshll.u32 s6, $0x4;
	s7 =	sadd.s32 s7, s5;
	s5 =	sadd.s32 $0xCAC00, s5  }
0xd: {  	s9 =	sadd.s32 s31, s5;
	s4 =	sadd.s32 $0xC6C00, s7;
	s5 =	sadd.s32 s5, s6  }
0xe: {  	s6 =	smax.u32 s8, $0x1;
	s9 =	sadd.s32 s10, s9;
	s7 =	sadd.s32 $0x1000, s5  }
0xf: {  	s10 =	simm.s32 $0x80;
	s8 =	sadd.s32 $0x2000, s9;
	s9 =	simm.s32 $0x5  }
.LBB2_4:
0x10: {  	s23 =	sadd.s32 $0x1, s23  }
0x11: {  	p0 =	sne.s32 s23, s6  }
.Ltmp1:
0x12: {  	_ = 	snop;
	(pc) =	sbr.rel @!p0 .LBB2_5-.Ltmp1, $4  }
0x13: {  	_ = 	snop  }
0x14: {  	_ =	swait.ge [sflag:s22], $0x8000  }
0x15: {  	[sflag:s22] =	ssyncset.done $0x0  }
0x16: {  	[sflag:s22] =	ssyncadd.s32 $0xFFFF8000  }
.LBB2_1:
0x17: {  	[tilespmem:s3], [sflag:$0x5] =	stream.linear.gather [hbm4b:s4+s3], $0x1000, $0x38;
	[tilespmem:$0x11000] =	vst v63  }
0x18: {  	_ =	swait.ge [sflag:s9], $0x1000  }
0x19: {  	[sflag:s9] =	ssyncset.done $0x0  }
0x1a: {  	[sflag:s9] =	ssyncadd.s32 $0xFFFFF000  }
0x1b: {  	[tilespmem:s11], [sflag:$0x1] =	stream.indirect.gather [hbm4b:s2+s10], $0x80, s3, s10, $0xb8;
	[tilespmem:$0x11000] =	vst v63  }
0x1c: {  	_ = 	snop  }
0x1d: {  	[tilespmem:s12], [sflag:$0x1] =	stream.indirect.gather [hbm4b:s2+s10], $0x80, s10, s10, $0xb8;
	[tilespmem:$0x11000] =	vst v63  }
0x1e: {  	_ =	swait.ge [sflag:s13], $0x8000  }
0x1f: {  	[sflag:s13] =	ssyncset.done $0x0  }
0x20: {  	[sflag:s13] =	ssyncadd.s32 $0xFFFF8000  }
0x21: {  	[hbm4b:s5+s3] =	stream.linear.scatter [tilespmem:s11], [sflag:$0x3], $0x8000, $0x38;
	[tilespmem:$0x11000] =	vst v63  }
0x22: {  	_ = 	snop  }
0x23: {  	[tilespmem:s15], [sflag:$0x2] =	stream.indirect.gather [hbm4b:s2+s10], $0x80, s14, s10, $0xb8;
	[tilespmem:$0x11000] =	vst v63  }
0x24: {  	_ = 	snop  }
0x25: {  	[tilespmem:s17], [sflag:$0x2] =	stream.indirect.gather [hbm4b:s2+s10], $0x80, s16, s10, $0xb8;
	[tilespmem:$0x11000] =	vst v63  }
0x26: {  	_ =	swait.ge [sflag:s18], $0x4000  }
0x27: {  	[sflag:s18] =	ssyncset.done $0x0  }
0x28: {  	[sflag:s18] =	ssyncadd.s32 $0xFFFFC000  }
0x29: {  	_ =	swait.ge [sflag:s18], $0x4000  }
0x2a: {  	[sflag:s18] =	ssyncset.done $0x0  }
0x2b: {  	[sflag:s18] =	ssyncadd.s32 $0xFFFFC000  }
0x2c: {  	[hbm4b:s7+s3] =	stream.linear.scatter [tilespmem:s15], [sflag:$0x4], $0x8000, $0x38;
	[tilespmem:$0x11000] =	vst v63  }
0x2d: {  	_ =	swait.ge [sflag:s19], $0x8000  }
0x2e: {  	[sflag:s19] =	ssyncset.done $0x0  }
0x2f: {  	[sflag:s19] =	ssyncadd.s32 $0xFFFF8000  }
0x30: {  	[tilespmem:s11], [sflag:$0x1] =	stream.indirect.gather [hbm4b:s2+s10], $0x80, s20, s10, $0xb8;
	[tilespmem:$0x11000] =	vst v63  }
0x31: {  	s24 =	smov.u32 s8;
	s25 =	simm.s32 $0x0  }
0x32: {  	[tilespmem:s12], [sflag:$0x1] =	stream.indirect.gather [hbm4b:s2+s10], $0x80, s21, s10, $0xb8;
	[tilespmem:$0x11000] =	vst v63  }
.LBB2_2:
0x33: {  	_ =	swait.ge [sflag:s13], $0x8000  }
0x34: {  	[sflag:s13] =	ssyncset.done $0x0  }
0x35: {  	[sflag:s13] =	ssyncadd.s32 $0xFFFF8000  }
0x36: {  	[hbm4b:s24+s3] =	stream.linear.scatter [tilespmem:s11], [sflag:$0x3], $0x8000, $0x38;
	[tilespmem:$0x11000] =	vst v63  }
0x37: {  	_ =	swait.ge [sflag:s22], $0x8000  }
0x38: {  	s26 =	sshra.s32 s25, $0x2;
	[sflag:s22] =	ssyncset.done $0x0  }
0x39: {  	s28 =	sadd.s32 $0x300, s26;
	[sflag:s22] =	ssyncadd.s32 $0xFFFF8000  }
0x3a: {  	[tilespmem:s15], [sflag:$0x2] =	stream.indirect.gather [hbm4b:s2+s10], $0x80, s28, s10, $0xb8;
	[tilespmem:$0x11000] =	vst v63  }
0x3b: {  	s30 =	sadd.s32 $0x380, s26  }
0x3c: {  	[tilespmem:s17], [sflag:$0x2] =	stream.indirect.gather [hbm4b:s2+s10], $0x80, s30, s10, $0xb8;
	[tilespmem:$0x11000] =	vst v63  }
0x3d: {  	_ =	swait.ge [sflag:s18], $0x4000  }
0x3e: {  	[sflag:s18] =	ssyncset.done $0x0  }
0x3f: {  	[sflag:s18] =	ssyncadd.s32 $0xFFFFC000  }
0x40: {  	_ =	swait.ge [sflag:s18], $0x4000  }
0x41: {  	p0 =	seq.s32 s25, $0x3000;
	[sflag:s18] =	ssyncset.done $0x0  }
.Ltmp2:
0x42: {  	s31 =	sadd.s32 $0x1000, s24;
	[sflag:s18] =	ssyncadd.s32 $0xFFFFC000;
	(pc) =	sbr.rel @p0 .LBB2_4-.Ltmp2, $4  }
0x43: {  	[hbm4b:s31+s3] =	stream.linear.scatter [tilespmem:s15], [sflag:$0x4], $0x8000, $0x38;
	[tilespmem:$0x11000] =	vst v63  }
0x44: {  	_ =	swait.ge [sflag:s19], $0x8000  }
0x45: {  	[sflag:s19] =	ssyncset.done $0x0  }
0x46: {  	[sflag:s19] =	ssyncadd.s32 $0xFFFF8000  }
.Ltmp3:
0x47: {  	(pc) =	sbr.rel .LBB2_2-.Ltmp3, $4  }
0x48: {  	s28 =	sadd.s32 $0x400, s26  }
0x49: {  	[tilespmem:s11], [sflag:$0x1] =	stream.indirect.gather [hbm4b:s2+s10], $0x80, s28, s10, $0xb8;
	[tilespmem:$0x11000] =	vst v63  }
0x4a: {  	s31 =	sadd.s32 $0x480, s26;
	s25 =	sadd.s32 $0x800, s25;
	s24 =	sadd.s32 $0x2000, s24  }
0x4b: {  	[tilespmem:s12], [sflag:$0x1] =	stream.indirect.gather [hbm4b:s2+s10], $0x80, s31, s10, $0xb8;
	[tilespmem:$0x11000] =	vst v63  }
.LBB2_5:
0x4c: {  	_ =	sfence.sel $0x180000  }
0x4d: {  	[bflag:$0x0] =	sbarrier.arrive $0xFFFF  }
0x4e: {  	p0 =	sne.s32 s0, $0x0;
	_ =	strace $0x9000004A  }
0x4f: {  	s0 =	sadd.s32 @!p0 $0x100000, s1;
	[bflag:$0x2] =	sbarrier.arrive $0xFFFF  }
0x50: {  	[sflag:s0] =	ssyncadd.tile.s32 @!p0 $0x1;
	_ =	shalt  }
.Lfunc_end2:
_tile_overlayer_lowered:
.L_overlay_start_2:
0x51: {  	(tag) =	ssettag $0x2  }
0x52: {  	s0 =	rddreg [dreg:$0x0];
	s2 =	stileid.u32  }
0x53: {  	s1 =	rddreg [dreg:$0x1];
	p0 =	sne.s32 s2, $0x0  }
0x54: {  	s3 =	rddreg [dreg:$0x2];
	[bflag:$0x3] =	sbarrier.arrive $0xFFFF;
	s2 =	simm.s32 @!p0 $0x1C05  }
0x55: {  	[timem:s3], [sflag:s2] =	dma.local @!p0 [hbm:s0], s1  }
0x56: {  	s0 =	simm.s32 @!p0 $0x5  }
0x57: {  	_ =	swait.ge @!p0 [sflag:s0], s1  }
0x58: {  	s1 =	ssub.s32 @!p0 $0x0, s1;
	[sflag:s0] =	ssyncset.done @!p0 $0x0  }
0x59: {  	[sflag:s0] =	ssyncadd.s32 @!p0 s1  }
0x5a: {  	[bflag:$0x3] =	sbarrier.arrive $0xFFFF  }
0x5b: {  	_ =	shalt  }

</sc_bundles>
